<compile_context>
chip_gen: v7x
topology: tpu7x:2x2x1
jax: 0.10.2.dev20260603
libtpu: 0.0.44.dev20260713+nightly
codegen_flags: <defaults>
</compile_context>

<pallas_src>
import functools

import jax
import jax.numpy as jnp
from jax import lax
from jax.experimental import pallas as pl
from jax.experimental.pallas import tpu as pltpu
from jax.experimental.pallas import tpu_sc as plsc

_B, _N, _C, _K = 16, 4096, 128, 32768
_R = 16
_T = _B * _R
_NS = 16
_CHUNK = _K // _NS
_BB = 2


def _sc_membership_body(mask_hbm, out_hbm, bbuf, rbuf, cbuf, ones, zbuf,
                        shared):
    s = lax.axis_index("s")
    base = s * _CHUNK
    pltpu.sync_copy(mask_hbm.at[0, pl.ds(base, _CHUNK)], bbuf)
    pltpu.sync_copy(mask_hbm.at[1, pl.ds(base, _CHUNK)], rbuf)

    for j in range(8):
        ones[pl.ds(j * 16, 16)] = jnp.ones((16,), jnp.float32)

    @pl.when(s == 0)
    def _():
        for j in range(_T // 16):
            zbuf[pl.ds(j * 16, 16)] = jnp.zeros((16,), jnp.float32)

    for i in range(_CHUNK // 16):
        b16 = bbuf[pl.ds(i * 16, 16)]
        r16 = rbuf[pl.ds(i * 16, 16)]
        cbuf[i // 8, pl.ds((i % 8) * 16, 16)] = b16 * _R + r16

    @pl.when(s == 0)
    def _():
        pltpu.sync_copy(zbuf, shared)
    plsc.subcore_barrier()

    for j in range(_CHUNK // 128):
        pltpu.sync_copy(ones, shared.at[cbuf.at[j]])
    plsc.subcore_barrier()

    @pl.when(s == 0)
    def _():
        pltpu.sync_copy(shared, out_hbm)


def _sc_membership(mask):
    mesh = plsc.VectorSubcoreMesh(
        core_axis_name="c", subcore_axis_name="s", num_cores=1)
    kern = functools.partial(
        pl.kernel,
        mesh=mesh,
        out_type=jax.ShapeDtypeStruct((_T,), jnp.float32),
        scratch_types=[
            pltpu.VMEM((_CHUNK,), jnp.int32),
            pltpu.VMEM((_CHUNK,), jnp.int32),
            pltpu.VMEM((_CHUNK // 128, 128), jnp.int32),
            pltpu.VMEM((128,), jnp.float32),
            pltpu.VMEM((_T,), jnp.float32),
            pltpu.VMEM_SHARED((_T,), jnp.float32),
        ],
    )(_sc_membership_body)
    return kern(mask)


def _memset_body(out_ref):
    out_ref[...] = jnp.zeros_like(out_ref)


def _tc_zero_fill():
    return pl.pallas_call(
        _memset_body,
        grid=(_B // _BB,),
        out_specs=pl.BlockSpec((_BB, _N, _C), lambda i: (i, 0, 0)),
        out_shape=jax.ShapeDtypeStruct((_B, _N, _C), jnp.float32),
    )()


def _insert_body(zeros_ref, mem_ref, xs_ref, w_ref, b_ref, out_ref):
    del zeros_ref
    mem2 = mem_ref[...]
    xs = xs_ref[...].reshape(_T, _C)
    h = jax.lax.dot_general(
        xs, w_ref[...], (((1,), (1,)), ((), ())),
        preferred_element_type=jnp.float32,
    ) + b_ref[...]
    act = jnp.where(h > 0.0, h, jnp.exp(h) - 1.0)
    out_ref[...] = (act * mem2).reshape(_B, _R, _C)


def _tc_insert(zeros, mem, xs, W, b2):
    return pl.pallas_call(
        _insert_body,
        grid=(1,),
        in_specs=[
            pl.BlockSpec(memory_space=pl.ANY),
            pl.BlockSpec((_T, 1), lambda i: (0, 0)),
            pl.BlockSpec((_B, _R, _C), lambda i: (0, 0, 0)),
            pl.BlockSpec((_C, _C), lambda i: (0, 0)),
            pl.BlockSpec((1, _C), lambda i: (0, 0)),
        ],
        out_specs=pl.BlockSpec((_B, _R, _C), lambda i: (0, 0, 0)),
        out_shape=jax.ShapeDtypeStruct((_B, _N, _C), jnp.float32),
        input_output_aliases={0: 0},
    )(zeros, mem, xs, W, b2)


def kernel(x, W, b, mask_nonzero):
    mask = mask_nonzero.astype(jnp.int32)
    zeros = _tc_zero_fill()
    mem = _sc_membership(mask)
    out = _tc_insert(
        zeros, mem.reshape(_T, 1), x[:, :_R, :], W, b.reshape(1, _C))
    return out

# --- scband reference (transcript-rebuilt; emitter-appended) ---
"""Pipeline reference for scband-disentanglement-26482768347264 (READ-ONLY COPY).

The authoritative reference and input builder live on the scoring server;
editing this copy changes nothing except your own understanding.
"""

import jax, jax.numpy as jnp
import numpy as np

B, N, C, K = 16, 4096, 128, 32768

def setup_inputs(seed: int = 0) -> dict:
    key = jax.random.key(seed)
    k1, k2, k3, k4 = jax.random.split(key, 4)
    x = jax.random.normal(k1, (B, N, C), dtype=jnp.float32)
    W = jax.random.normal(k2, (C, C), dtype=jnp.float32) * (1.0 / np.sqrt(C))
    b = jax.random.normal(k3, (C,), dtype=jnp.float32) * 0.02
    mask_nonzero = jax.random.randint(k4, (2, K), 0, 16, dtype=jnp.int64)
    return {"x": x, "W": W, "b": b, "mask_nonzero": mask_nonzero}

def reference(x, W, b, mask_nonzero):
    # nn.Linear(c_in, c_in): y = x @ W.T + b, then ELU
    h = jax.nn.elu(jnp.matmul(x, W.T) + b)
    batch = mask_nonzero[0]
    row = mask_nonzero[1]
    # mask_nonzero_matrix = clone(h); mask_nonzero_matrix[batch, row, :] = 0
    m = h.at[batch, row, :].set(0.0)
    # x = h - mask_nonzero_matrix.detach()
    out = h - jax.lax.stop_gradient(m)
    return out

if __name__ == "__main__":
    import jax
    _d = setup_inputs()
    print(jax.jit(kernel)(*tuple(_d.values())))

</pallas_src>

<mosaic_0001>
#map = affine_map<(d0, d1) -> (0, 0)>
#map1 = affine_map<(d0, d1) -> (0)>
module attributes {stable_mosaic.version = 14 : i64} {
  func.func @_sc_membership_body(%arg0: i32, %arg1: i32, %arg2: memref<2x32768xi32, #tpu.memory_space<hbm>>, %arg3: memref<256xf32, #tpu.memory_space<hbm>>, %arg4: memref<2048xi32, #tpu.memory_space<vmem>>, %arg5: memref<2048xi32, #tpu.memory_space<vmem>>, %arg6: memref<16x128xi32, #tpu.memory_space<vmem>>, %arg7: memref<128xf32, #tpu.memory_space<vmem>>, %arg8: memref<256xf32, #tpu.memory_space<vmem>>, %arg9: memref<256xf32, #tpu.memory_space<vmem_shared>>) attributes {dimension_semantics = [#tpu.dimension_semantics<core_parallel>, #tpu.dimension_semantics<subcore_parallel>], iteration_bounds = array<i64: 1, 16>, scalar_prefetch = 0 : i64, scratch_operands = 6 : i64, tpu.core_type = #tpu.core_type<sc_vector_subcore>, window_params = [{transform_indices = #map}, {transform_indices = #map1}]} {
    %mul3A = arith.constant 2048 : i32
    %mul3A_0 = arith.muli %arg1, %mul3A : i32
    %run_scoped3A = arith.constant 0 : i32
    "tpu.region"() ({
      %run_scoped3A_2123 = tpu.sem_alloc : memref<!tpu.dma_semaphore, #tpu.memory_space<semaphore_mem>>
      %dma_start3A = tpu.memref_slice %arg2[%run_scoped3A, %mul3A_0] : memref<2x32768xi32, #tpu.memory_space<hbm>> -> memref<1x2048xi32, #tpu.memory_space<hbm>>
      %dma_start3A_2124 = tpu.memref_squeeze %dma_start3A : memref<1x2048xi32, #tpu.memory_space<hbm>> -> memref<2048xi32, #tpu.memory_space<hbm>>
      %dma_start3A_2125 = tpu.memref_slice %arg2[%run_scoped3A, %mul3A_0] : memref<2x32768xi32, #tpu.memory_space<hbm>> -> memref<1x2048xi32, #tpu.memory_space<hbm>>
      %dma_start3A_2126 = tpu.memref_squeeze %dma_start3A_2125 : memref<1x2048xi32, #tpu.memory_space<hbm>> -> memref<2048xi32, #tpu.memory_space<hbm>>
      tpu.enqueue_dma source(%dma_start3A_2126 : memref<2048xi32, #tpu.memory_space<hbm>>) target(%arg4 : memref<2048xi32, #tpu.memory_space<vmem>>) target_semaphore(%run_scoped3A_2123 : memref<!tpu.dma_semaphore, #tpu.memory_space<semaphore_mem>>)
      %dma_wait3A = tpu.memref_slice %arg2[%run_scoped3A, %mul3A_0] : memref<2x32768xi32, #tpu.memory_space<hbm>> -> memref<1x2048xi32, #tpu.memory_space<hbm>>
      %dma_wait3A_2127 = tpu.memref_squeeze %dma_wait3A : memref<1x2048xi32, #tpu.memory_space<hbm>> -> memref<2048xi32, #tpu.memory_space<hbm>>
      %dma_wait3A_2128 = tpu.memref_slice %arg2[%run_scoped3A, %mul3A_0] : memref<2x32768xi32, #tpu.memory_space<hbm>> -> memref<1x2048xi32, #tpu.memory_space<hbm>>
      %dma_wait3A_2129 = tpu.memref_squeeze %dma_wait3A_2128 : memref<1x2048xi32, #tpu.memory_space<hbm>> -> memref<2048xi32, #tpu.memory_space<hbm>>
      tpu.wait_dma2 semaphore(%run_scoped3A_2123 : memref<!tpu.dma_semaphore, #tpu.memory_space<semaphore_mem>>) src(%dma_wait3A_2129 : memref<2048xi32, #tpu.memory_space<hbm>>) dst(%arg4 : memref<2048xi32, #tpu.memory_space<vmem>>)
      tpu.yield
    }) : () -> ()
    %run_scoped3A_1 = arith.constant 1 : i32
    "tpu.region"() ({
      %run_scoped3A_2123 = tpu.sem_alloc : memref<!tpu.dma_semaphore, #tpu.memory_space<semaphore_mem>>
      %dma_start3A = tpu.memref_slice %arg2[%run_scoped3A_1, %mul3A_0] : memref<2x32768xi32, #tpu.memory_space<hbm>> -> memref<1x2048xi32, #tpu.memory_space<hbm>>
      %dma_start3A_2124 = tpu.memref_squeeze %dma_start3A : memref<1x2048xi32, #tpu.memory_space<hbm>> -> memref<2048xi32, #tpu.memory_space<hbm>>
      %dma_start3A_2125 = tpu.memref_slice %arg2[%run_scoped3A_1, %mul3A_0] : memref<2x32768xi32, #tpu.memory_space<hbm>> -> memref<1x2048xi32, #tpu.memory_space<hbm>>
      %dma_start3A_2126 = tpu.memref_squeeze %dma_start3A_2125 : memref<1x2048xi32, #tpu.memory_space<hbm>> -> memref<2048xi32, #tpu.memory_space<hbm>>
      tpu.enqueue_dma source(%dma_start3A_2126 : memref<2048xi32, #tpu.memory_space<hbm>>) target(%arg5 : memref<2048xi32, #tpu.memory_space<vmem>>) target_semaphore(%run_scoped3A_2123 : memref<!tpu.dma_semaphore, #tpu.memory_space<semaphore_mem>>)
      %dma_wait3A = tpu.memref_slice %arg2[%run_scoped3A_1, %mul3A_0] : memref<2x32768xi32, #tpu.memory_space<hbm>> -> memref<1x2048xi32, #tpu.memory_space<hbm>>
      %dma_wait3A_2127 = tpu.memref_squeeze %dma_wait3A : memref<1x2048xi32, #tpu.memory_space<hbm>> -> memref<2048xi32, #tpu.memory_space<hbm>>
      %dma_wait3A_2128 = tpu.memref_slice %arg2[%run_scoped3A_1, %mul3A_0] : memref<2x32768xi32, #tpu.memory_space<hbm>> -> memref<1x2048xi32, #tpu.memory_space<hbm>>
      %dma_wait3A_2129 = tpu.memref_squeeze %dma_wait3A_2128 : memref<1x2048xi32, #tpu.memory_space<hbm>> -> memref<2048xi32, #tpu.memory_space<hbm>>
      tpu.wait_dma2 semaphore(%run_scoped3A_2123 : memref<!tpu.dma_semaphore, #tpu.memory_space<semaphore_mem>>) src(%dma_wait3A_2129 : memref<2048xi32, #tpu.memory_space<hbm>>) dst(%arg5 : memref<2048xi32, #tpu.memory_space<vmem>>)
      tpu.yield
    }) : () -> ()
    %broadcast_in_dim3A = arith.constant 1.000000e+00 : f32
    %broadcast_in_dim3A_2 = vector.broadcast %broadcast_in_dim3A : f32 to vector<16xf32>
    %swap3A = arith.constant 0 : index
    %swap3A_3 = tpu.vector_load %arg7[%swap3A] {strides = array<i32>} : memref<128xf32, #tpu.memory_space<vmem>>, vector<16xf32>,
    %swap3A_4 = vector.shape_cast %swap3A_3 : vector<16xf32> to vector<16xf32>
    %swap3A_5 = vector.shape_cast %broadcast_in_dim3A_2 : vector<16xf32> to vector<16xf32>
    tpu.vector_store %arg7[%swap3A], %swap3A_5 {strides = array<i32>} : memref<128xf32, #tpu.memory_space<vmem>>, vector<16xf32>,
    %broadcast_in_dim3A_6 = arith.constant 1.000000e+00 : f32
    %broadcast_in_dim3A_7 = vector.broadcast %broadcast_in_dim3A_6 : f32 to vector<16xf32>
    %swap3A_8 = arith.constant 16 : index
    %swap3A_9 = tpu.vector_load %arg7[%swap3A_8] {strides = array<i32>} : memref<128xf32, #tpu.memory_space<vmem>>, vector<16xf32>,
    %swap3A_10 = vector.shape_cast %swap3A_9 : vector<16xf32> to vector<16xf32>
    %swap3A_11 = vector.shape_cast %broadcast_in_dim3A_7 : vector<16xf32> to vector<16xf32>
    tpu.vector_store %arg7[%swap3A_8], %swap3A_11 {strides = array<i32>} : memref<128xf32, #tpu.memory_space<vmem>>, vector<16xf32>,
    %broadcast_in_dim3A_12 = arith.constant 1.000000e+00 : f32
    %broadcast_in_dim3A_13 = vector.broadcast %broadcast_in_dim3A_12 : f32 to vector<16xf32>
    %swap3A_14 = arith.constant 32 : index
    %swap3A_15 = tpu.vector_load %arg7[%swap3A_14] {strides = array<i32>} : memref<128xf32, #tpu.memory_space<vmem>>, vector<16xf32>,
    %swap3A_16 = vector.shape_cast %swap3A_15 : vector<16xf32> to vector<16xf32>
    %swap3A_17 = vector.shape_cast %broadcast_in_dim3A_13 : vector<16xf32> to vector<16xf32>
    tpu.vector_store %arg7[%swap3A_14], %swap3A_17 {strides = array<i32>} : memref<128xf32, #tpu.memory_space<vmem>>, vector<16xf32>,
    %broadcast_in_dim3A_18 = arith.constant 1.000000e+00 : f32
    %broadcast_in_dim3A_19 = vector.broadcast %broadcast_in_dim3A_18 : f32 to vector<16xf32>
    %swap3A_20 = arith.constant 48 : index
    %swap3A_21 = tpu.vector_load %arg7[%swap3A_20] {strides = array<i32>} : memref<128xf32, #tpu.memory_space<vmem>>, vector<16xf32>,
    %swap3A_22 = vector.shape_cast %swap3A_21 : vector<16xf32> to vector<16xf32>
    %swap3A_23 = vector.shape_cast %broadcast_in_dim3A_19 : vector<16xf32> to vector<16xf32>
    tpu.vector_store %arg7[%swap3A_20], %swap3A_23 {strides = array<i32>} : memref<128xf32, #tpu.memory_space<vmem>>, vector<16xf32>,
    %broadcast_in_dim3A_24 = arith.constant 1.000000e+00 : f32
    %broadcast_in_dim3A_25 = vector.broadcast %broadcast_in_dim3A_24 : f32 to vector<16xf32>
    %swap3A_26 = arith.constant 64 : index
    %swap3A_27 = tpu.vector_load %arg7[%swap3A_26] {strides = array<i32>} : memref<128xf32, #tpu.memory_space<vmem>>, vector<16xf32>,
    %swap3A_28 = vector.shape_cast %swap3A_27 : vector<16xf32> to vector<16xf32>
    %swap3A_29 = vector.shape_cast %broadcast_in_dim3A_25 : vector<16xf32> to vector<16xf32>
    tpu.vector_store %arg7[%swap3A_26], %swap3A_29 {strides = array<i32>} : memref<128xf32, #tpu.memory_space<vmem>>, vector<16xf32>,
    %broadcast_in_dim3A_30 = arith.constant 1.000000e+00 : f32
    %broadcast_in_dim3A_31 = vector.broadcast %broadcast_in_dim3A_30 : f32 to vector<16xf32>
    %swap3A_32 = arith.constant 80 : index
    %swap3A_33 = tpu.vector_load %arg7[%swap3A_32] {strides = array<i32>} : memref<128xf32, #tpu.memory_space<vmem>>, vector<16xf32>,
    %swap3A_34 = vector.shape_cast %swap3A_33 : vector<16xf32> to vector<16xf32>
    %swap3A_35 = vector.shape_cast %broadcast_in_dim3A_31 : vector<16xf32> to vector<16xf32>
    tpu.vector_store %arg7[%swap3A_32], %swap3A_35 {strides = array<i32>} : memref<128xf32, #tpu.memory_space<vmem>>, vector<16xf32>,
    %broadcast_in_dim3A_36 = arith.constant 1.000000e+00 : f32
    %broadcast_in_dim3A_37 = vector.broadcast %broadcast_in_dim3A_36 : f32 to vector<16xf32>
    %swap3A_38 = arith.constant 96 : index
    %swap3A_39 = tpu.vector_load %arg7[%swap3A_38] {strides = array<i32>} : memref<128xf32, #tpu.memory_space<vmem>>, vector<16xf32>,
    %swap3A_40 = vector.shape_cast %swap3A_39 : vector<16xf32> to vector<16xf32>
    %swap3A_41 = vector.shape_cast %broadcast_in_dim3A_37 : vector<16xf32> to vector<16xf32>
    tpu.vector_store %arg7[%swap3A_38], %swap3A_41 {strides = array<i32>} : memref<128xf32, #tpu.memory_space<vmem>>, vector<16xf32>,
    %broadcast_in_dim3A_42 = arith.constant 1.000000e+00 : f32
    %broadcast_in_dim3A_43 = vector.broadcast %broadcast_in_dim3A_42 : f32 to vector<16xf32>
    %swap3A_44 = arith.constant 112 : index
    %swap3A_45 = tpu.vector_load %arg7[%swap3A_44] {strides = array<i32>} : memref<128xf32, #tpu.memory_space<vmem>>, vector<16xf32>,
    %swap3A_46 = vector.shape_cast %swap3A_45 : vector<16xf32> to vector<16xf32>
    %swap3A_47 = vector.shape_cast %broadcast_in_dim3A_43 : vector<16xf32> to vector<16xf32>
    tpu.vector_store %arg7[%swap3A_44], %swap3A_47 {strides = array<i32>} : memref<128xf32, #tpu.memory_space<vmem>>, vector<16xf32>,
    %eq3A = arith.constant 0 : i32
    %eq3A_48 = arith.cmpi eq, %arg1, %eq3A : i32
    %convert_element_type3A = arith.extui %eq3A_48 : i1 to i32
    %cond3A = arith.constant 0 : i32
    %cond3A_49 = arith.cmpi ne, %convert_element_type3A, %cond3A : i32
    scf.if %cond3A_49 {
      %broadcast_in_dim3A_2123 = arith.constant 0.000000e+00 : f32
      %broadcast_in_dim3A_2124 = vector.broadcast %broadcast_in_dim3A_2123 : f32 to vector<16xf32>
      %swap3A_2125 = arith.constant 0 : index
      %swap3A_2126 = tpu.vector_load %arg8[%swap3A_2125] {strides = array<i32>} : memref<256xf32, #tpu.memory_space<vmem>>, vector<16xf32>,
      %swap3A_2127 = vector.shape_cast %swap3A_2126 : vector<16xf32> to vector<16xf32>
      %swap3A_2128 = vector.shape_cast %broadcast_in_dim3A_2124 : vector<16xf32> to vector<16xf32>
      tpu.vector_store %arg8[%swap3A_2125], %swap3A_2128 {strides = array<i32>} : memref<256xf32, #tpu.memory_space<vmem>>, vector<16xf32>,
      %broadcast_in_dim3A_2129 = arith.constant 0.000000e+00 : f32
      %broadcast_in_dim3A_2130 = vector.broadcast %broadcast_in_dim3A_2129 : f32 to vector<16xf32>
      %swap3A_2131 = arith.constant 16 : index
      %swap3A_2132 = tpu.vector_load %arg8[%swap3A_2131] {strides = array<i32>} : memref<256xf32, #tpu.memory_space<vmem>>, vector<16xf32>,
      %swap3A_2133 = vector.shape_cast %swap3A_2132 : vector<16xf32> to vector<16xf32>
      %swap3A_2134 = vector.shape_cast %broadcast_in_dim3A_2130 : vector<16xf32> to vector<16xf32>
      tpu.vector_store %arg8[%swap3A_2131], %swap3A_2134 {strides = array<i32>} : memref<256xf32, #tpu.memory_space<vmem>>, vector<16xf32>,
      %broadcast_in_dim3A_2135 = arith.constant 0.000000e+00 : f32
      %broadcast_in_dim3A_2136 = vector.broadcast %broadcast_in_dim3A_2135 : f32 to vector<16xf32>
      %swap3A_2137 = arith.constant 32 : index
      %swap3A_2138 = tpu.vector_load %arg8[%swap3A_2137] {strides = array<i32>} : memref<256xf32, #tpu.memory_space<vmem>>, vector<16xf32>,
      %swap3A_2139 = vector.shape_cast %swap3A_2138 : vector<16xf32> to vector<16xf32>
      %swap3A_2140 = vector.shape_cast %broadcast_in_dim3A_2136 : vector<16xf32> to vector<16xf32>
      tpu.vector_store %arg8[%swap3A_2137], %swap3A_2140 {strides = array<i32>} : memref<256xf32, #tpu.memory_space<vmem>>, vector<16xf32>,
      %broadcast_in_dim3A_2141 = arith.constant 0.000000e+00 : f32
      %broadcast_in_dim3A_2142 = vector.broadcast %broadcast_in_dim3A_2141 : f32 to vector<16xf32>
      %swap3A_2143 = arith.constant 48 : index
      %swap3A_2144 = tpu.vector_load %arg8[%swap3A_2143] {strides = array<i32>} : memref<256xf32, #tpu.memory_space<vmem>>, vector<16xf32>,
      %swap3A_2145 = vector.shape_cast %swap3A_2144 : vector<16xf32> to vector<16xf32>
      %swap3A_2146 = vector.shape_cast %broadcast_in_dim3A_2142 : vector<16xf32> to vector<16xf32>
      tpu.vector_store %arg8[%swap3A_2143], %swap3A_2146 {strides = array<i32>} : memref<256xf32, #tpu.memory_space<vmem>>, vector<16xf32>,
      %broadcast_in_dim3A_2147 = arith.constant 0.000000e+00 : f32
      %broadcast_in_dim3A_2148 = vector.broadcast %broadcast_in_dim3A_2147 : f32 to vector<16xf32>
      %swap3A_2149 = arith.constant 64 : index
      %swap3A_2150 = tpu.vector_load %arg8[%swap3A_2149] {strides = array<i32>} : memref<256xf32, #tpu.memory_space<vmem>>, vector<16xf32>,
      %swap3A_2151 = vector.shape_cast %swap3A_2150 : vector<16xf32> to vector<16xf32>
      %swap3A_2152 = vector.shape_cast %broadcast_in_dim3A_2148 : vector<16xf32> to vector<16xf32>
      tpu.vector_store %arg8[%swap3A_2149], %swap3A_2152 {strides = array<i32>} : memref<256xf32, #tpu.memory_space<vmem>>, vector<16xf32>,
      %broadcast_in_dim3A_2153 = arith.constant 0.000000e+00 : f32
      %broadcast_in_dim3A_2154 = vector.broadcast %broadcast_in_dim3A_2153 : f32 to vector<16xf32>
      %swap3A_2155 = arith.constant 80 : index
      %swap3A_2156 = tpu.vector_load %arg8[%swap3A_2155] {strides = array<i32>} : memref<256xf32, #tpu.memory_space<vmem>>, vector<16xf32>,
      %swap3A_2157 = vector.shape_cast %swap3A_2156 : vector<16xf32> to vector<16xf32>
      %swap3A_2158 = vector.shape_cast %broadcast_in_dim3A_2154 : vector<16xf32> to vector<16xf32>
      tpu.vector_store %arg8[%swap3A_2155], %swap3A_2158 {strides = array<i32>} : memref<256xf32, #tpu.memory_space<vmem>>, vector<16xf32>,
      %broadcast_in_dim3A_2159 = arith.constant 0.000000e+00 : f32
      %broadcast_in_dim3A_2160 = vector.broadcast %broadcast_in_dim3A_2159 : f32 to vector<16xf32>
      %swap3A_2161 = arith.constant 96 : index
      %swap3A_2162 = tpu.vector_load %arg8[%swap3A_2161] {strides = array<i32>} : memref<256xf32, #tpu.memory_space<vmem>>, vector<16xf32>,
      %swap3A_2163 = vector.shape_cast %swap3A_2162 : vector<16xf32> to vector<16xf32>
      %swap3A_2164 = vector.shape_cast %broadcast_in_dim3A_2160 : vector<16xf32> to vector<16xf32>
      tpu.vector_store %arg8[%swap3A_2161], %swap3A_2164 {strides = array<i32>} : memref<256xf32, #tpu.memory_space<vmem>>, vector<16xf32>,
      %broadcast_in_dim3A_2165 = arith.constant 0.000000e+00 : f32
      %broadcast_in_dim3A_2166 = vector.broadcast %broadcast_in_dim3A_2165 : f32 to vector<16xf32>
      %swap3A_2167 = arith.constant 112 : index
      %swap3A_2168 = tpu.vector_load %arg8[%swap3A_2167] {strides = array<i32>} : memref<256xf32, #tpu.memory_space<vmem>>, vector<16xf32>,
      %swap3A_2169 = vector.shape_cast %swap3A_2168 : vector<16xf32> to vector<16xf32>
      %swap3A_2170 = vector.shape_cast %broadcast_in_dim3A_2166 : vector<16xf32> to vector<16xf32>
      tpu.vector_store %arg8[%swap3A_2167], %swap3A_2170 {strides = array<i32>} : memref<256xf32, #tpu.memory_space<vmem>>, vector<16xf32>,
      %broadcast_in_dim3A_2171 = arith.constant 0.000000e+00 : f32
      %broadcast_in_dim3A_2172 = vector.broadcast %broadcast_in_dim3A_2171 : f32 to vector<16xf32>
      %swap3A_2173 = arith.constant 128 : index
      %swap3A_2174 = tpu.vector_load %arg8[%swap3A_2173] {strides = array<i32>} : memref<256xf32, #tpu.memory_space<vmem>>, vector<16xf32>,
      %swap3A_2175 = vector.shape_cast %swap3A_2174 : vector<16xf32> to vector<16xf32>
      %swap3A_2176 = vector.shape_cast %broadcast_in_dim3A_2172 : vector<16xf32> to vector<16xf32>
      tpu.vector_store %arg8[%swap3A_2173], %swap3A_2176 {strides = array<i32>} : memref<256xf32, #tpu.memory_space<vmem>>, vector<16xf32>,
      %broadcast_in_dim3A_2177 = arith.constant 0.000000e+00 : f32
      %broadcast_in_dim3A_2178 = vector.broadcast %broadcast_in_dim3A_2177 : f32 to vector<16xf32>
      %swap3A_2179 = arith.constant 144 : index
      %swap3A_2180 = tpu.vector_load %arg8[%swap3A_2179] {strides = array<i32>} : memref<256xf32, #tpu.memory_space<vmem>>, vector<16xf32>,
      %swap3A_2181 = vector.shape_cast %swap3A_2180 : vector<16xf32> to vector<16xf32>
      %swap3A_2182 = vector.shape_cast %broadcast_in_dim3A_2178 : vector<16xf32> to vector<16xf32>
      tpu.vector_store %arg8[%swap3A_2179], %swap3A_2182 {strides = array<i32>} : memref<256xf32, #tpu.memory_space<vmem>>, vector<16xf32>,
      %broadcast_in_dim3A_2183 = arith.constant 0.000000e+00 : f32
      %broadcast_in_dim3A_2184 = vector.broadcast %broadcast_in_dim3A_2183 : f32 to vector<16xf32>
      %swap3A_2185 = arith.constant 160 : index
      %swap3A_2186 = tpu.vector_load %arg8[%swap3A_2185] {strides = array<i32>} : memref<256xf32, #tpu.memory_space<vmem>>, vector<16xf32>,
      %swap3A_2187 = vector.shape_cast %swap3A_2186 : vector<16xf32> to vector<16xf32>
      %swap3A_2188 = vector.shape_cast %broadcast_in_dim3A_2184 : vector<16xf32> to vector<16xf32>
      tpu.vector_store %arg8[%swap3A_2185], %swap3A_2188 {strides = array<i32>} : memref<256xf32, #tpu.memory_space<vmem>>, vector<16xf32>,
      %broadcast_in_dim3A_2189 = arith.constant 0.000000e+00 : f32
      %broadcast_in_dim3A_2190 = vector.broadcast %broadcast_in_dim3A_2189 : f32 to vector<16xf32>
      %swap3A_2191 = arith.constant 176 : index
      %swap3A_2192 = tpu.vector_load %arg8[%swap3A_2191] {strides = array<i32>} : memref<256xf32, #tpu.memory_space<vmem>>, vector<16xf32>,
      %swap3A_2193 = vector.shape_cast %swap3A_2192 : vector<16xf32> to vector<16xf32>
      %swap3A_2194 = vector.shape_cast %broadcast_in_dim3A_2190 : vector<16xf32> to vector<16xf32>
      tpu.vector_store %arg8[%swap3A_2191], %swap3A_2194 {strides = array<i32>} : memref<256xf32, #tpu.memory_space<vmem>>, vector<16xf32>,
      %broadcast_in_dim3A_2195 = arith.constant 0.000000e+00 : f32
      %broadcast_in_dim3A_2196 = vector.broadcast %broadcast_in_dim3A_2195 : f32 to vector<16xf32>
      %swap3A_2197 = arith.constant 192 : index
      %swap3A_2198 = tpu.vector_load %arg8[%swap3A_2197] {strides = array<i32>} : memref<256xf32, #tpu.memory_space<vmem>>, vector<16xf32>,
      %swap3A_2199 = vector.shape_cast %swap3A_2198 : vector<16xf32> to vector<16xf32>
      %swap3A_2200 = vector.shape_cast %broadcast_in_dim3A_2196 : vector<16xf32> to vector<16xf32>
      tpu.vector_store %arg8[%swap3A_2197], %swap3A_2200 {strides = array<i32>} : memref<256xf32, #tpu.memory_space<vmem>>, vector<16xf32>,
      %broadcast_in_dim3A_2201 = arith.constant 0.000000e+00 : f32
      %broadcast_in_dim3A_2202 = vector.broadcast %broadcast_in_dim3A_2201 : f32 to vector<16xf32>
      %swap3A_2203 = arith.constant 208 : index
      %swap3A_2204 = tpu.vector_load %arg8[%swap3A_2203] {strides = array<i32>} : memref<256xf32, #tpu.memory_space<vmem>>, vector<16xf32>,
      %swap3A_2205 = vector.shape_cast %swap3A_2204 : vector<16xf32> to vector<16xf32>
      %swap3A_2206 = vector.shape_cast %broadcast_in_dim3A_2202 : vector<16xf32> to vector<16xf32>
      tpu.vector_store %arg8[%swap3A_2203], %swap3A_2206 {strides = array<i32>} : memref<256xf32, #tpu.memory_space<vmem>>, vector<16xf32>,
      %broadcast_in_dim3A_2207 = arith.constant 0.000000e+00 : f32
      %broadcast_in_dim3A_2208 = vector.broadcast %broadcast_in_dim3A_2207 : f32 to vector<16xf32>
      %swap3A_2209 = arith.constant 224 : index
      %swap3A_2210 = tpu.vector_load %arg8[%swap3A_2209] {strides = array<i32>} : memref<256xf32, #tpu.memory_space<vmem>>, vector<16xf32>,
      %swap3A_2211 = vector.shape_cast %swap3A_2210 : vector<16xf32> to vector<16xf32>
      %swap3A_2212 = vector.shape_cast %broadcast_in_dim3A_2208 : vector<16xf32> to vector<16xf32>
      tpu.vector_store %arg8[%swap3A_2209], %swap3A_2212 {strides = array<i32>} : memref<256xf32, #tpu.memory_space<vmem>>, vector<16xf32>,
      %broadcast_in_dim3A_2213 = arith.constant 0.000000e+00 : f32
      %broadcast_in_dim3A_2214 = vector.broadcast %broadcast_in_dim3A_2213 : f32 to vector<16xf32>
      %swap3A_2215 = arith.constant 240 : index
      %swap3A_2216 = tpu.vector_load %arg8[%swap3A_2215] {strides = array<i32>} : memref<256xf32, #tpu.memory_space<vmem>>, vector<16xf32>,
      %swap3A_2217 = vector.shape_cast %swap3A_2216 : vector<16xf32> to vector<16xf32>
      %swap3A_2218 = vector.shape_cast %broadcast_in_dim3A_2214 : vector<16xf32> to vector<16xf32>
      tpu.vector_store %arg8[%swap3A_2215], %swap3A_2218 {strides = array<i32>} : memref<256xf32, #tpu.memory_space<vmem>>, vector<16xf32>,
    } else {
    }
    %get3A = arith.constant 0 : index
    %get3A_50 = tpu.vector_load %arg4[%get3A] {strides = array<i32>} : memref<2048xi32, #tpu.memory_space<vmem>>, vector<16xi32>,
    %get3A_51 = vector.shape_cast %get3A_50 : vector<16xi32> to vector<16xi32>
    %get3A_52 = arith.constant 0 : index
    %get3A_53 = tpu.vector_load %arg5[%get3A_52] {strides = array<i32>} : memref<2048xi32, #tpu.memory_space<vmem>>, vector<16xi32>,
    %get3A_54 = vector.shape_cast %get3A_53 : vector<16xi32> to vector<16xi32>
    %mul3A_55 = arith.constant 16 : i32
    %mul3A_56 = vector.broadcast %mul3A_55 : i32 to vector<16xi32>
    %mul3A_57 = arith.muli %get3A_51, %mul3A_56 : vector<16xi32>
    %add3A = arith.addi %mul3A_57, %get3A_54 : vector<16xi32>
    %swap3A_58 = arith.constant 0 : i32
    %swap3A_59 = arith.index_cast %swap3A_58 : i32 to index
    %swap3A_60 = arith.constant 0 : index
    %swap3A_61 = tpu.vector_load %arg6[%swap3A_59, %swap3A_60] {strides = array<i32>} : memref<16x128xi32, #tpu.memory_space<vmem>>, vector<1x16xi32>,
    %swap3A_62 = vector.shape_cast %swap3A_61 : vector<1x16xi32> to vector<16xi32>
    %swap3A_63 = vector.shape_cast %add3A : vector<16xi32> to vector<1x16xi32>
    tpu.vector_store %arg6[%swap3A_59, %swap3A_60], %swap3A_63 {strides = array<i32>} : memref<16x128xi32, #tpu.memory_space<vmem>>, vector<1x16xi32>,
    %get3A_64 = arith.constant 16 : index
    %get3A_65 = tpu.vector_load %arg4[%get3A_64] {strides = array<i32>} : memref<2048xi32, #tpu.memory_space<vmem>>, vector<16xi32>,
    %get3A_66 = vector.shape_cast %get3A_65 : vector<16xi32> to vector<16xi32>
    %get3A_67 = arith.constant 16 : index
    %get3A_68 = tpu.vector_load %arg5[%get3A_67] {strides = array<i32>} : memref<2048xi32, #tpu.memory_space<vmem>>, vector<16xi32>,
    %get3A_69 = vector.shape_cast %get3A_68 : vector<16xi32> to vector<16xi32>
    %mul3A_70 = arith.constant 16 : i32
    %mul3A_71 = vector.broadcast %mul3A_70 : i32 to vector<16xi32>
    %mul3A_72 = arith.muli %get3A_66, %mul3A_71 : vector<16xi32>
    %add3A_73 = arith.addi %mul3A_72, %get3A_69 : vector<16xi32>
    %swap3A_74 = arith.constant 0 : i32
    %swap3A_75 = arith.index_cast %swap3A_74 : i32 to index
    %swap3A_76 = arith.constant 16 : index
    %swap3A_77 = tpu.vector_load %arg6[%swap3A_75, %swap3A_76] {strides = array<i32>} : memref<16x128xi32, #tpu.memory_space<vmem>>, vector<1x16xi32>,
    %swap3A_78 = vector.shape_cast %swap3A_77 : vector<1x16xi32> to vector<16xi32>
    %swap3A_79 = vector.shape_cast %add3A_73 : vector<16xi32> to vector<1x16xi32>
    tpu.vector_store %arg6[%swap3A_75, %swap3A_76], %swap3A_79 {strides = array<i32>} : memref<16x128xi32, #tpu.memory_space<vmem>>, vector<1x16xi32>,
    %get3A_80 = arith.constant 32 : index
    %get3A_81 = tpu.vector_load %arg4[%get3A_80] {strides = array<i32>} : memref<2048xi32, #tpu.memory_space<vmem>>, vector<16xi32>,
    %get3A_82 = vector.shape_cast %get3A_81 : vector<16xi32> to vector<16xi32>
    %get3A_83 = arith.constant 32 : index
    %get3A_84 = tpu.vector_load %arg5[%get3A_83] {strides = array<i32>} : memref<2048xi32, #tpu.memory_space<vmem>>, vector<16xi32>,
    %get3A_85 = vector.shape_cast %get3A_84 : vector<16xi32> to vector<16xi32>
    %mul3A_86 = arith.constant 16 : i32
    %mul3A_87 = vector.broadcast %mul3A_86 : i32 to vector<16xi32>
    %mul3A_88 = arith.muli %get3A_82, %mul3A_87 : vector<16xi32>
    %add3A_89 = arith.addi %mul3A_88, %get3A_85 : vector<16xi32>
    %swap3A_90 = arith.constant 0 : i32
    %swap3A_91 = arith.index_cast %swap3A_90 : i32 to index
    %swap3A_92 = arith.constant 32 : index
    %swap3A_93 = tpu.vector_load %arg6[%swap3A_91, %swap3A_92] {strides = array<i32>} : memref<16x128xi32, #tpu.memory_space<vmem>>, vector<1x16xi32>,
    %swap3A_94 = vector.shape_cast %swap3A_93 : vector<1x16xi32> to vector<16xi32>
    %swap3A_95 = vector.shape_cast %add3A_89 : vector<16xi32> to vector<1x16xi32>
    tpu.vector_store %arg6[%swap3A_91, %swap3A_92], %swap3A_95 {strides = array<i32>} : memref<16x128xi32, #tpu.memory_space<vmem>>, vector<1x16xi32>,
    %get3A_96 = arith.constant 48 : index
    %get3A_97 = tpu.vector_load %arg4[%get3A_96] {strides = array<i32>} : memref<2048xi32, #tpu.memory_space<vmem>>, vector<16xi32>,
    %get3A_98 = vector.shape_cast %get3A_97 : vector<16xi32> to vector<16xi32>
    %get3A_99 = arith.constant 48 : index
    %get3A_100 = tpu.vector_load %arg5[%get3A_99] {strides = array<i32>} : memref<2048xi32, #tpu.memory_space<vmem>>, vector<16xi32>,
    %get3A_101 = vector.shape_cast %get3A_100 : vector<16xi32> to vector<16xi32>
    %mul3A_102 = arith.constant 16 : i32
    %mul3A_103 = vector.broadcast %mul3A_102 : i32 to vector<16xi32>
    %mul3A_104 = arith.muli %get3A_98, %mul3A_103 : vector<16xi32>
    %add3A_105 = arith.addi %mul3A_104, %get3A_101 : vector<16xi32>
    %swap3A_106 = arith.constant 0 : i32
    %swap3A_107 = arith.index_cast %swap3A_106 : i32 to index
    %swap3A_108 = arith.constant 48 : index
    %swap3A_109 = tpu.vector_load %arg6[%swap3A_107, %swap3A_108] {strides = array<i32>} : memref<16x128xi32, #tpu.memory_space<vmem>>, vector<1x16xi32>,
    %swap3A_110 = vector.shape_cast %swap3A_109 : vector<1x16xi32> to vector<16xi32>
    %swap3A_111 = vector.shape_cast %add3A_105 : vector<16xi32> to vector<1x16xi32>
    tpu.vector_store %arg6[%swap3A_107, %swap3A_108], %swap3A_111 {strides = array<i32>} : memref<16x128xi32, #tpu.memory_space<vmem>>, vector<1x16xi32>,
    %get3A_112 = arith.constant 64 : index
    %get3A_113 = tpu.vector_load %arg4[%get3A_112] {strides = array<i32>} : memref<2048xi32, #tpu.memory_space<vmem>>, vector<16xi32>,
    %get3A_114 = vector.shape_cast %get3A_113 : vector<16xi32> to vector<16xi32>
    %get3A_115 = arith.constant 64 : index
    %get3A_116 = tpu.vector_load %arg5[%get3A_115] {strides = array<i32>} : memref<2048xi32, #tpu.memory_space<vmem>>, vector<16xi32>,
    %get3A_117 = vector.shape_cast %get3A_116 : vector<16xi32> to vector<16xi32>
    %mul3A_118 = arith.constant 16 : i32
    %mul3A_119 = vector.broadcast %mul3A_118 : i32 to vector<16xi32>
    %mul3A_120 = arith.muli %get3A_114, %mul3A_119 : vector<16xi32>
    %add3A_121 = arith.addi %mul3A_120, %get3A_117 : vector<16xi32>
    %swap3A_122 = arith.constant 0 : i32
    %swap3A_123 = arith.index_cast %swap3A_122 : i32 to index
    %swap3A_124 = arith.constant 64 : index
    %swap3A_125 = tpu.vector_load %arg6[%swap3A_123, %swap3A_124] {strides = array<i32>} : memref<16x128xi32, #tpu.memory_space<vmem>>, vector<1x16xi32>,
    %swap3A_126 = vector.shape_cast %swap3A_125 : vector<1x16xi32> to vector<16xi32>
    %swap3A_127 = vector.shape_cast %add3A_121 : vector<16xi32> to vector<1x16xi32>
    tpu.vector_store %arg6[%swap3A_123, %swap3A_124], %swap3A_127 {strides = array<i32>} : memref<16x128xi32, #tpu.memory_space<vmem>>, vector<1x16xi32>,
    %get3A_128 = arith.constant 80 : index
    %get3A_129 = tpu.vector_load %arg4[%get3A_128] {strides = array<i32>} : memref<2048xi32, #tpu.memory_space<vmem>>, vector<16xi32>,
    %get3A_130 = vector.shape_cast %get3A_129 : vector<16xi32> to vector<16xi32>
    %get3A_131 = arith.constant 80 : index
    %get3A_132 = tpu.vector_load %arg5[%get3A_131] {strides = array<i32>} : memref<2048xi32, #tpu.memory_space<vmem>>, vector<16xi32>,
    %get3A_133 = vector.shape_cast %get3A_132 : vector<16xi32> to vector<16xi32>
    %mul3A_134 = arith.constant 16 : i32
    %mul3A_135 = vector.broadcast %mul3A_134 : i32 to vector<16xi32>
    %mul3A_136 = arith.muli %get3A_130, %mul3A_135 : vector<16xi32>
    %add3A_137 = arith.addi %mul3A_136, %get3A_133 : vector<16xi32>
    %swap3A_138 = arith.constant 0 : i32
    %swap3A_139 = arith.index_cast %swap3A_138 : i32 to index
    %swap3A_140 = arith.constant 80 : index
    %swap3A_141 = tpu.vector_load %arg6[%swap3A_139, %swap3A_140] {strides = array<i32>} : memref<16x128xi32, #tpu.memory_space<vmem>>, vector<1x16xi32>,
    %swap3A_142 = vector.shape_cast %swap3A_141 : vector<1x16xi32> to vector<16xi32>
    %swap3A_143 = vector.shape_cast %add3A_137 : vector<16xi32> to vector<1x16xi32>
    tpu.vector_store %arg6[%swap3A_139, %swap3A_140], %swap3A_143 {strides = array<i32>} : memref<16x128xi32, #tpu.memory_space<vmem>>, vector<1x16xi32>,
    %get3A_144 = arith.constant 96 : index
    %get3A_145 = tpu.vector_load %arg4[%get3A_144] {strides = array<i32>} : memref<2048xi32, #tpu.memory_space<vmem>>, vector<16xi32>,
    %get3A_146 = vector.shape_cast %get3A_145 : vector<16xi32> to vector<16xi32>
    %get3A_147 = arith.constant 96 : index
    %get3A_148 = tpu.vector_load %arg5[%get3A_147] {strides = array<i32>} : memref<2048xi32, #tpu.memory_space<vmem>>, vector<16xi32>,
    %get3A_149 = vector.shape_cast %get3A_148 : vector<16xi32> to vector<16xi32>
    %mul3A_150 = arith.constant 16 : i32
    %mul3A_151 = vector.broadcast %mul3A_150 : i32 to vector<16xi32>
    %mul3A_152 = arith.muli %get3A_146, %mul3A_151 : vector<16xi32>
    %add3A_153 = arith.addi %mul3A_152, %get3A_149 : vector<16xi32>
    %swap3A_154 = arith.constant 0 : i32
    %swap3A_155 = arith.index_cast %swap3A_154 : i32 to index
    %swap3A_156 = arith.constant 96 : index
    %swap3A_157 = tpu.vector_load %arg6[%swap3A_155, %swap3A_156] {strides = array<i32>} : memref<16x128xi32, #tpu.memory_space<vmem>>, vector<1x16xi32>,
    %swap3A_158 = vector.shape_cast %swap3A_157 : vector<1x16xi32> to vector<16xi32>
    %swap3A_159 = vector.shape_cast %add3A_153 : vector<16xi32> to vector<1x16xi32>
    tpu.vector_store %arg6[%swap3A_155, %swap3A_156], %swap3A_159 {strides = array<i32>} : memref<16x128xi32, #tpu.memory_space<vmem>>, vector<1x16xi32>,
    %get3A_160 = arith.constant 112 : index
    %get3A_161 = tpu.vector_load %arg4[%get3A_160] {strides = array<i32>} : memref<2048xi32, #tpu.memory_space<vmem>>, vector<16xi32>,
    %get3A_162 = vector.shape_cast %get3A_161 : vector<16xi32> to vector<16xi32>
    %get3A_163 = arith.constant 112 : index
    %get3A_164 = tpu.vector_load %arg5[%get3A_163] {strides = array<i32>} : memref<2048xi32, #tpu.memory_space<vmem>>, vector<16xi32>,
    %get3A_165 = vector.shape_cast %get3A_164 : vector<16xi32> to vector<16xi32>
    %mul3A_166 = arith.constant 16 : i32
    %mul3A_167 = vector.broadcast %mul3A_166 : i32 to vector<16xi32>
    %mul3A_168 = arith.muli %get3A_162, %mul3A_167 : vector<16xi32>
    %add3A_169 = arith.addi %mul3A_168, %get3A_165 : vector<16xi32>
    %swap3A_170 = arith.constant 0 : i32
    %swap3A_171 = arith.index_cast %swap3A_170 : i32 to index
    %swap3A_172 = arith.constant 112 : index
    %swap3A_173 = tpu.vector_load %arg6[%swap3A_171, %swap3A_172] {strides = array<i32>} : memref<16x128xi32, #tpu.memory_space<vmem>>, vector<1x16xi32>,
    %swap3A_174 = vector.shape_cast %swap3A_173 : vector<1x16xi32> to vector<16xi32>
    %swap3A_175 = vector.shape_cast %add3A_169 : vector<16xi32> to vector<1x16xi32>
    tpu.vector_store %arg6[%swap3A_171, %swap3A_172], %swap3A_175 {strides = array<i32>} : memref<16x128xi32, #tpu.memory_space<vmem>>, vector<1x16xi32>,
    %get3A_176 = arith.constant 128 : index
    %get3A_177 = tpu.vector_load %arg4[%get3A_176] {strides = array<i32>} : memref<2048xi32, #tpu.memory_space<vmem>>, vector<16xi32>,
    %get3A_178 = vector.shape_cast %get3A_177 : vector<16xi32> to vector<16xi32>
    %get3A_179 = arith.constant 128 : index
    %get3A_180 = tpu.vector_load %arg5[%get3A_179] {strides = array<i32>} : memref<2048xi32, #tpu.memory_space<vmem>>, vector<16xi32>,
    %get3A_181 = vector.shape_cast %get3A_180 : vector<16xi32> to vector<16xi32>
    %mul3A_182 = arith.constant 16 : i32
    %mul3A_183 = vector.broadcast %mul3A_182 : i32 to vector<16xi32>
    %mul3A_184 = arith.muli %get3A_178, %mul3A_183 : vector<16xi32>
    %add3A_185 = arith.addi %mul3A_184, %get3A_181 : vector<16xi32>
    %swap3A_186 = arith.constant 1 : i32
    %swap3A_187 = arith.index_cast %swap3A_186 : i32 to index
    %swap3A_188 = arith.constant 0 : index
    %swap3A_189 = tpu.vector_load %arg6[%swap3A_187, %swap3A_188] {strides = array<i32>} : memref<16x128xi32, #tpu.memory_space<vmem>>, vector<1x16xi32>,
    %swap3A_190 = vector.shape_cast %swap3A_189 : vector<1x16xi32> to vector<16xi32>
    %swap3A_191 = vector.shape_cast %add3A_185 : vector<16xi32> to vector<1x16xi32>
    tpu.vector_store %arg6[%swap3A_187, %swap3A_188], %swap3A_191 {strides = array<i32>} : memref<16x128xi32, #tpu.memory_space<vmem>>, vector<1x16xi32>,
    %get3A_192 = arith.constant 144 : index
    %get3A_193 = tpu.vector_load %arg4[%get3A_192] {strides = array<i32>} : memref<2048xi32, #tpu.memory_space<vmem>>, vector<16xi32>,
    %get3A_194 = vector.shape_cast %get3A_193 : vector<16xi32> to vector<16xi32>
    %get3A_195 = arith.constant 144 : index
    %get3A_196 = tpu.vector_load %arg5[%get3A_195] {strides = array<i32>} : memref<2048xi32, #tpu.memory_space<vmem>>, vector<16xi32>,
    %get3A_197 = vector.shape_cast %get3A_196 : vector<16xi32> to vector<16xi32>
    %mul3A_198 = arith.constant 16 : i32
    %mul3A_199 = vector.broadcast %mul3A_198 : i32 to vector<16xi32>
    %mul3A_200 = arith.muli %get3A_194, %mul3A_199 : vector<16xi32>
    %add3A_201 = arith.addi %mul3A_200, %get3A_197 : vector<16xi32>
    %swap3A_202 = arith.constant 1 : i32
    %swap3A_203 = arith.index_cast %swap3A_202 : i32 to index
    %swap3A_204 = arith.constant 16 : index
    %swap3A_205 = tpu.vector_load %arg6[%swap3A_203, %swap3A_204] {strides = array<i32>} : memref<16x128xi32, #tpu.memory_space<vmem>>, vector<1x16xi32>,
    %swap3A_206 = vector.shape_cast %swap3A_205 : vector<1x16xi32> to vector<16xi32>
    %swap3A_207 = vector.shape_cast %add3A_201 : vector<16xi32> to vector<1x16xi32>
    tpu.vector_store %arg6[%swap3A_203, %swap3A_204], %swap3A_207 {strides = array<i32>} : memref<16x128xi32, #tpu.memory_space<vmem>>, vector<1x16xi32>,
    %get3A_208 = arith.constant 160 : index
    %get3A_209 = tpu.vector_load %arg4[%get3A_208] {strides = array<i32>} : memref<2048xi32, #tpu.memory_space<vmem>>, vector<16xi32>,
    %get3A_210 = vector.shape_cast %get3A_209 : vector<16xi32> to vector<16xi32>
    %get3A_211 = arith.constant 160 : index
    %get3A_212 = tpu.vector_load %arg5[%get3A_211] {strides = array<i32>} : memref<2048xi32, #tpu.memory_space<vmem>>, vector<16xi32>,
    %get3A_213 = vector.shape_cast %get3A_212 : vector<16xi32> to vector<16xi32>
    %mul3A_214 = arith.constant 16 : i32
    %mul3A_215 = vector.broadcast %mul3A_214 : i32 to vector<16xi32>
    %mul3A_216 = arith.muli %get3A_210, %mul3A_215 : vector<16xi32>
    %add3A_217 = arith.addi %mul3A_216, %get3A_213 : vector<16xi32>
    %swap3A_218 = arith.constant 1 : i32
    %swap3A_219 = arith.index_cast %swap3A_218 : i32 to index
    %swap3A_220 = arith.constant 32 : index
    %swap3A_221 = tpu.vector_load %arg6[%swap3A_219, %swap3A_220] {strides = array<i32>} : memref<16x128xi32, #tpu.memory_space<vmem>>, vector<1x16xi32>,
    %swap3A_222 = vector.shape_cast %swap3A_221 : vector<1x16xi32> to vector<16xi32>
    %swap3A_223 = vector.shape_cast %add3A_217 : vector<16xi32> to vector<1x16xi32>
    tpu.vector_store %arg6[%swap3A_219, %swap3A_220], %swap3A_223 {strides = array<i32>} : memref<16x128xi32, #tpu.memory_space<vmem>>, vector<1x16xi32>,
    %get3A_224 = arith.constant 176 : index
    %get3A_225 = tpu.vector_load %arg4[%get3A_224] {strides = array<i32>} : memref<2048xi32, #tpu.memory_space<vmem>>, vector<16xi32>,
    %get3A_226 = vector.shape_cast %get3A_225 : vector<16xi32> to vector<16xi32>
    %get3A_227 = arith.constant 176 : index
    %get3A_228 = tpu.vector_load %arg5[%get3A_227] {strides = array<i32>} : memref<2048xi32, #tpu.memory_space<vmem>>, vector<16xi32>,
    %get3A_229 = vector.shape_cast %get3A_228 : vector<16xi32> to vector<16xi32>
    %mul3A_230 = arith.constant 16 : i32
    %mul3A_231 = vector.broadcast %mul3A_230 : i32 to vector<16xi32>
    %mul3A_232 = arith.muli %get3A_226, %mul3A_231 : vector<16xi32>
    %add3A_233 = arith.addi %mul3A_232, %get3A_229 : vector<16xi32>
    %swap3A_234 = arith.constant 1 : i32
    %swap3A_235 = arith.index_cast %swap3A_234 : i32 to index
    %swap3A_236 = arith.constant 48 : index
    %swap3A_237 = tpu.vector_load %arg6[%swap3A_235, %swap3A_236] {strides = array<i32>} : memref<16x128xi32, #tpu.memory_space<vmem>>, vector<1x16xi32>,
    %swap3A_238 = vector.shape_cast %swap3A_237 : vector<1x16xi32> to vector<16xi32>
    %swap3A_239 = vector.shape_cast %add3A_233 : vector<16xi32> to vector<1x16xi32>
    tpu.vector_store %arg6[%swap3A_235, %swap3A_236], %swap3A_239 {strides = array<i32>} : memref<16x128xi32, #tpu.memory_space<vmem>>, vector<1x16xi32>,
    %get3A_240 = arith.constant 192 : index
    %get3A_241 = tpu.vector_load %arg4[%get3A_240] {strides = array<i32>} : memref<2048xi32, #tpu.memory_space<vmem>>, vector<16xi32>,
    %get3A_242 = vector.shape_cast %get3A_241 : vector<16xi32> to vector<16xi32>
    %get3A_243 = arith.constant 192 : index
    %get3A_244 = tpu.vector_load %arg5[%get3A_243] {strides = array<i32>} : memref<2048xi32, #tpu.memory_space<vmem>>, vector<16xi32>,
    %get3A_245 = vector.shape_cast %get3A_244 : vector<16xi32> to vector<16xi32>
    %mul3A_246 = arith.constant 16 : i32
    %mul3A_247 = vector.broadcast %mul3A_246 : i32 to vector<16xi32>
    %mul3A_248 = arith.muli %get3A_242, %mul3A_247 : vector<16xi32>
    %add3A_249 = arith.addi %mul3A_248, %get3A_245 : vector<16xi32>
    %swap3A_250 = arith.constant 1 : i32
    %swap3A_251 = arith.index_cast %swap3A_250 : i32 to index
    %swap3A_252 = arith.constant 64 : index
    %swap3A_253 = tpu.vector_load %arg6[%swap3A_251, %swap3A_252] {strides = array<i32>} : memref<16x128xi32, #tpu.memory_space<vmem>>, vector<1x16xi32>,
    %swap3A_254 = vector.shape_cast %swap3A_253 : vector<1x16xi32> to vector<16xi32>
    %swap3A_255 = vector.shape_cast %add3A_249 : vector<16xi32> to vector<1x16xi32>
    tpu.vector_store %arg6[%swap3A_251, %swap3A_252], %swap3A_255 {strides = array<i32>} : memref<16x128xi32, #tpu.memory_space<vmem>>, vector<1x16xi32>,
    %get3A_256 = arith.constant 208 : index
    %get3A_257 = tpu.vector_load %arg4[%get3A_256] {strides = array<i32>} : memref<2048xi32, #tpu.memory_space<vmem>>, vector<16xi32>,
    %get3A_258 = vector.shape_cast %get3A_257 : vector<16xi32> to vector<16xi32>
    %get3A_259 = arith.constant 208 : index
    %get3A_260 = tpu.vector_load %arg5[%get3A_259] {strides = array<i32>} : memref<2048xi32, #tpu.memory_space<vmem>>, vector<16xi32>,
    %get3A_261 = vector.shape_cast %get3A_260 : vector<16xi32> to vector<16xi32>
    %mul3A_262 = arith.constant 16 : i32
    %mul3A_263 = vector.broadcast %mul3A_262 : i32 to vector<16xi32>
    %mul3A_264 = arith.muli %get3A_258, %mul3A_263 : vector<16xi32>
    %add3A_265 = arith.addi %mul3A_264, %get3A_261 : vector<16xi32>
    %swap3A_266 = arith.constant 1 : i32
    %swap3A_267 = arith.index_cast %swap3A_266 : i32 to index
    %swap3A_268 = arith.constant 80 : index
    %swap3A_269 = tpu.vector_load %arg6[%swap3A_267, %swap3A_268] {strides = array<i32>} : memref<16x128xi32, #tpu.memory_space<vmem>>, vector<1x16xi32>,
    %swap3A_270 = vector.shape_cast %swap3A_269 : vector<1x16xi32> to vector<16xi32>
    %swap3A_271 = vector.shape_cast %add3A_265 : vector<16xi32> to vector<1x16xi32>
    tpu.vector_store %arg6[%swap3A_267, %swap3A_268], %swap3A_271 {strides = array<i32>} : memref<16x128xi32, #tpu.memory_space<vmem>>, vector<1x16xi32>,
    %get3A_272 = arith.constant 224 : index
    %get3A_273 = tpu.vector_load %arg4[%get3A_272] {strides = array<i32>} : memref<2048xi32, #tpu.memory_space<vmem>>, vector<16xi32>,
    %get3A_274 = vector.shape_cast %get3A_273 : vector<16xi32> to vector<16xi32>
    %get3A_275 = arith.constant 224 : index
    %get3A_276 = tpu.vector_load %arg5[%get3A_275] {strides = array<i32>} : memref<2048xi32, #tpu.memory_space<vmem>>, vector<16xi32>,
    %get3A_277 = vector.shape_cast %get3A_276 : vector<16xi32> to vector<16xi32>
    %mul3A_278 = arith.constant 16 : i32
    %mul3A_279 = vector.broadcast %mul3A_278 : i32 to vector<16xi32>
    %mul3A_280 = arith.muli %get3A_274, %mul3A_279 : vector<16xi32>
    %add3A_281 = arith.addi %mul3A_280, %get3A_277 : vector<16xi32>
    %swap3A_282 = arith.constant 1 : i32
    %swap3A_283 = arith.index_cast %swap3A_282 : i32 to index
    %swap3A_284 = arith.constant 96 : index
    %swap3A_285 = tpu.vector_load %arg6[%swap3A_283, %swap3A_284] {strides = array<i32>} : memref<16x128xi32, #tpu.memory_space<vmem>>, vector<1x16xi32>,
    %swap3A_286 = vector.shape_cast %swap3A_285 : vector<1x16xi32> to vector<16xi32>
    %swap3A_287 = vector.shape_cast %add3A_281 : vector<16xi32> to vector<1x16xi32>
    tpu.vector_store %arg6[%swap3A_283, %swap3A_284], %swap3A_287 {strides = array<i32>} : memref<16x128xi32, #tpu.memory_space<vmem>>, vector<1x16xi32>,
    %get3A_288 = arith.constant 240 : index
    %get3A_289 = tpu.vector_load %arg4[%get3A_288] {strides = array<i32>} : memref<2048xi32, #tpu.memory_space<vmem>>, vector<16xi32>,
    %get3A_290 = vector.shape_cast %get3A_289 : vector<16xi32> to vector<16xi32>
    %get3A_291 = arith.constant 240 : index
    %get3A_292 = tpu.vector_load %arg5[%get3A_291] {strides = array<i32>} : memref<2048xi32, #tpu.memory_space<vmem>>, vector<16xi32>,
    %get3A_293 = vector.shape_cast %get3A_292 : vector<16xi32> to vector<16xi32>
    %mul3A_294 = arith.constant 16 : i32
    %mul3A_295 = vector.broadcast %mul3A_294 : i32 to vector<16xi32>
    %mul3A_296 = arith.muli %get3A_290, %mul3A_295 : vector<16xi32>
    %add3A_297 = arith.addi %mul3A_296, %get3A_293 : vector<16xi32>
    %swap3A_298 = arith.constant 1 : i32
    %swap3A_299 = arith.index_cast %swap3A_298 : i32 to index
    %swap3A_300 = arith.constant 112 : index
    %swap3A_301 = tpu.vector_load %arg6[%swap3A_299, %swap3A_300] {strides = array<i32>} : memref<16x128xi32, #tpu.memory_space<vmem>>, vector<1x16xi32>,
    %swap3A_302 = vector.shape_cast %swap3A_301 : vector<1x16xi32> to vector<16xi32>
    %swap3A_303 = vector.shape_cast %add3A_297 : vector<16xi32> to vector<1x16xi32>
    tpu.vector_store %arg6[%swap3A_299, %swap3A_300], %swap3A_303 {strides = array<i32>} : memref<16x128xi32, #tpu.memory_space<vmem>>, vector<1x16xi32>,
    %get3A_304 = arith.constant 256 : index
    %get3A_305 = tpu.vector_load %arg4[%get3A_304] {strides = array<i32>} : memref<2048xi32, #tpu.memory_space<vmem>>, vector<16xi32>,
    %get3A_306 = vector.shape_cast %get3A_305 : vector<16xi32> to vector<16xi32>
    %get3A_307 = arith.constant 256 : index
    %get3A_308 = tpu.vector_load %arg5[%get3A_307] {strides = array<i32>} : memref<2048xi32, #tpu.memory_space<vmem>>, vector<16xi32>,
    %get3A_309 = vector.shape_cast %get3A_308 : vector<16xi32> to vector<16xi32>
    %mul3A_310 = arith.constant 16 : i32
    %mul3A_311 = vector.broadcast %mul3A_310 : i32 to vector<16xi32>
    %mul3A_312 = arith.muli %get3A_306, %mul3A_311 : vector<16xi32>
    %add3A_313 = arith.addi %mul3A_312, %get3A_309 : vector<16xi32>
    %swap3A_314 = arith.constant 2 : i32
    %swap3A_315 = arith.index_cast %swap3A_314 : i32 to index
    %swap3A_316 = arith.constant 0 : index
    %swap3A_317 = tpu.vector_load %arg6[%swap3A_315, %swap3A_316] {strides = array<i32>} : memref<16x128xi32, #tpu.memory_space<vmem>>, vector<1x16xi32>,
    %swap3A_318 = vector.shape_cast %swap3A_317 : vector<1x16xi32> to vector<16xi32>
    %swap3A_319 = vector.shape_cast %add3A_313 : vector<16xi32> to vector<1x16xi32>
    tpu.vector_store %arg6[%swap3A_315, %swap3A_316], %swap3A_319 {strides = array<i32>} : memref<16x128xi32, #tpu.memory_space<vmem>>, vector<1x16xi32>,
    %get3A_320 = arith.constant 272 : index
    %get3A_321 = tpu.vector_load %arg4[%get3A_320] {strides = array<i32>} : memref<2048xi32, #tpu.memory_space<vmem>>, vector<16xi32>,
    %get3A_322 = vector.shape_cast %get3A_321 : vector<16xi32> to vector<16xi32>
    %get3A_323 = arith.constant 272 : index
    %get3A_324 = tpu.vector_load %arg5[%get3A_323] {strides = array<i32>} : memref<2048xi32, #tpu.memory_space<vmem>>, vector<16xi32>,
    %get3A_325 = vector.shape_cast %get3A_324 : vector<16xi32> to vector<16xi32>
    %mul3A_326 = arith.constant 16 : i32
    %mul3A_327 = vector.broadcast %mul3A_326 : i32 to vector<16xi32>
    %mul3A_328 = arith.muli %get3A_322, %mul3A_327 : vector<16xi32>
    %add3A_329 = arith.addi %mul3A_328, %get3A_325 : vector<16xi32>
    %swap3A_330 = arith.constant 2 : i32
    %swap3A_331 = arith.index_cast %swap3A_330 : i32 to index
    %swap3A_332 = arith.constant 16 : index
    %swap3A_333 = tpu.vector_load %arg6[%swap3A_331, %swap3A_332] {strides = array<i32>} : memref<16x128xi32, #tpu.memory_space<vmem>>, vector<1x16xi32>,
    %swap3A_334 = vector.shape_cast %swap3A_333 : vector<1x16xi32> to vector<16xi32>
    %swap3A_335 = vector.shape_cast %add3A_329 : vector<16xi32> to vector<1x16xi32>
    tpu.vector_store %arg6[%swap3A_331, %swap3A_332], %swap3A_335 {strides = array<i32>} : memref<16x128xi32, #tpu.memory_space<vmem>>, vector<1x16xi32>,
    %get3A_336 = arith.constant 288 : index
    %get3A_337 = tpu.vector_load %arg4[%get3A_336] {strides = array<i32>} : memref<2048xi32, #tpu.memory_space<vmem>>, vector<16xi32>,
    %get3A_338 = vector.shape_cast %get3A_337 : vector<16xi32> to vector<16xi32>
    %get3A_339 = arith.constant 288 : index
    %get3A_340 = tpu.vector_load %arg5[%get3A_339] {strides = array<i32>} : memref<2048xi32, #tpu.memory_space<vmem>>, vector<16xi32>,
    %get3A_341 = vector.shape_cast %get3A_340 : vector<16xi32> to vector<16xi32>
    %mul3A_342 = arith.constant 16 : i32
    %mul3A_343 = vector.broadcast %mul3A_342 : i32 to vector<16xi32>
    %mul3A_344 = arith.muli %get3A_338, %mul3A_343 : vector<16xi32>
    %add3A_345 = arith.addi %mul3A_344, %get3A_341 : vector<16xi32>
    %swap3A_346 = arith.constant 2 : i32
    %swap3A_347 = arith.index_cast %swap3A_346 : i32 to index
    %swap3A_348 = arith.constant 32 : index
    %swap3A_349 = tpu.vector_load %arg6[%swap3A_347, %swap3A_348] {strides = array<i32>} : memref<16x128xi32, #tpu.memory_space<vmem>>, vector<1x16xi32>,
    %swap3A_350 = vector.shape_cast %swap3A_349 : vector<1x16xi32> to vector<16xi32>
    %swap3A_351 = vector.shape_cast %add3A_345 : vector<16xi32> to vector<1x16xi32>
    tpu.vector_store %arg6[%swap3A_347, %swap3A_348], %swap3A_351 {strides = array<i32>} : memref<16x128xi32, #tpu.memory_space<vmem>>, vector<1x16xi32>,
    %get3A_352 = arith.constant 304 : index
    %get3A_353 = tpu.vector_load %arg4[%get3A_352] {strides = array<i32>} : memref<2048xi32, #tpu.memory_space<vmem>>, vector<16xi32>,
    %get3A_354 = vector.shape_cast %get3A_353 : vector<16xi32> to vector<16xi32>
    %get3A_355 = arith.constant 304 : index
    %get3A_356 = tpu.vector_load %arg5[%get3A_355] {strides = array<i32>} : memref<2048xi32, #tpu.memory_space<vmem>>, vector<16xi32>,
    %get3A_357 = vector.shape_cast %get3A_356 : vector<16xi32> to vector<16xi32>
    %mul3A_358 = arith.constant 16 : i32
    %mul3A_359 = vector.broadcast %mul3A_358 : i32 to vector<16xi32>
    %mul3A_360 = arith.muli %get3A_354, %mul3A_359 : vector<16xi32>
    %add3A_361 = arith.addi %mul3A_360, %get3A_357 : vector<16xi32>
    %swap3A_362 = arith.constant 2 : i32
    %swap3A_363 = arith.index_cast %swap3A_362 : i32 to index
    %swap3A_364 = arith.constant 48 : index
    %swap3A_365 = tpu.vector_load %arg6[%swap3A_363, %swap3A_364] {strides = array<i32>} : memref<16x128xi32, #tpu.memory_space<vmem>>, vector<1x16xi32>,
    %swap3A_366 = vector.shape_cast %swap3A_365 : vector<1x16xi32> to vector<16xi32>
    %swap3A_367 = vector.shape_cast %add3A_361 : vector<16xi32> to vector<1x16xi32>
    tpu.vector_store %arg6[%swap3A_363, %swap3A_364], %swap3A_367 {strides = array<i32>} : memref<16x128xi32, #tpu.memory_space<vmem>>, vector<1x16xi32>,
    %get3A_368 = arith.constant 320 : index
    %get3A_369 = tpu.vector_load %arg4[%get3A_368] {strides = array<i32>} : memref<2048xi32, #tpu.memory_space<vmem>>, vector<16xi32>,
    %get3A_370 = vector.shape_cast %get3A_369 : vector<16xi32> to vector<16xi32>
    %get3A_371 = arith.constant 320 : index
    %get3A_372 = tpu.vector_load %arg5[%get3A_371] {strides = array<i32>} : memref<2048xi32, #tpu.memory_space<vmem>>, vector<16xi32>,
    %get3A_373 = vector.shape_cast %get3A_372 : vector<16xi32> to vector<16xi32>
    %mul3A_374 = arith.constant 16 : i32
    %mul3A_375 = vector.broadcast %mul3A_374 : i32 to vector<16xi32>
    %mul3A_376 = arith.muli %get3A_370, %mul3A_375 : vector<16xi32>
    %add3A_377 = arith.addi %mul3A_376, %get3A_373 : vector<16xi32>
    %swap3A_378 = arith.constant 2 : i32
    %swap3A_379 = arith.index_cast %swap3A_378 : i32 to index
    %swap3A_380 = arith.constant 64 : index
    %swap3A_381 = tpu.vector_load %arg6[%swap3A_379, %swap3A_380] {strides = array<i32>} : memref<16x128xi32, #tpu.memory_space<vmem>>, vector<1x16xi32>,
    %swap3A_382 = vector.shape_cast %swap3A_381 : vector<1x16xi32> to vector<16xi32>
    %swap3A_383 = vector.shape_cast %add3A_377 : vector<16xi32> to vector<1x16xi32>
    tpu.vector_store %arg6[%swap3A_379, %swap3A_380], %swap3A_383 {strides = array<i32>} : memref<16x128xi32, #tpu.memory_space<vmem>>, vector<1x16xi32>,
    %get3A_384 = arith.constant 336 : index
    %get3A_385 = tpu.vector_load %arg4[%get3A_384] {strides = array<i32>} : memref<2048xi32, #tpu.memory_space<vmem>>, vector<16xi32>,
    %get3A_386 = vector.shape_cast %get3A_385 : vector<16xi32> to vector<16xi32>
    %get3A_387 = arith.constant 336 : index
    %get3A_388 = tpu.vector_load %arg5[%get3A_387] {strides = array<i32>} : memref<2048xi32, #tpu.memory_space<vmem>>, vector<16xi32>,
    %get3A_389 = vector.shape_cast %get3A_388 : vector<16xi32> to vector<16xi32>
    %mul3A_390 = arith.constant 16 : i32
    %mul3A_391 = vector.broadcast %mul3A_390 : i32 to vector<16xi32>
    %mul3A_392 = arith.muli %get3A_386, %mul3A_391 : vector<16xi32>
    %add3A_393 = arith.addi %mul3A_392, %get3A_389 : vector<16xi32>
    %swap3A_394 = arith.constant 2 : i32
    %swap3A_395 = arith.index_cast %swap3A_394 : i32 to index
    %swap3A_396 = arith.constant 80 : index
    %swap3A_397 = tpu.vector_load %arg6[%swap3A_395, %swap3A_396] {strides = array<i32>} : memref<16x128xi32, #tpu.memory_space<vmem>>, vector<1x16xi32>,
    %swap3A_398 = vector.shape_cast %swap3A_397 : vector<1x16xi32> to vector<16xi32>
    %swap3A_399 = vector.shape_cast %add3A_393 : vector<16xi32> to vector<1x16xi32>
    tpu.vector_store %arg6[%swap3A_395, %swap3A_396], %swap3A_399 {strides = array<i32>} : memref<16x128xi32, #tpu.memory_space<vmem>>, vector<1x16xi32>,
    %get3A_400 = arith.constant 352 : index
    %get3A_401 = tpu.vector_load %arg4[%get3A_400] {strides = array<i32>} : memref<2048xi32, #tpu.memory_space<vmem>>, vector<16xi32>,
    %get3A_402 = vector.shape_cast %get3A_401 : vector<16xi32> to vector<16xi32>
    %get3A_403 = arith.constant 352 : index
    %get3A_404 = tpu.vector_load %arg5[%get3A_403] {strides = array<i32>} : memref<2048xi32, #tpu.memory_space<vmem>>, vector<16xi32>,
    %get3A_405 = vector.shape_cast %get3A_404 : vector<16xi32> to vector<16xi32>
    %mul3A_406 = arith.constant 16 : i32
    %mul3A_407 = vector.broadcast %mul3A_406 : i32 to vector<16xi32>
    %mul3A_408 = arith.muli %get3A_402, %mul3A_407 : vector<16xi32>
    %add3A_409 = arith.addi %mul3A_408, %get3A_405 : vector<16xi32>
    %swap3A_410 = arith.constant 2 : i32
    %swap3A_411 = arith.index_cast %swap3A_410 : i32 to index
    %swap3A_412 = arith.constant 96 : index
    %swap3A_413 = tpu.vector_load %arg6[%swap3A_411, %swap3A_412] {strides = array<i32>} : memref<16x128xi32, #tpu.memory_space<vmem>>, vector<1x16xi32>,
    %swap3A_414 = vector.shape_cast %swap3A_413 : vector<1x16xi32> to vector<16xi32>
    %swap3A_415 = vector.shape_cast %add3A_409 : vector<16xi32> to vector<1x16xi32>
    tpu.vector_store %arg6[%swap3A_411, %swap3A_412], %swap3A_415 {strides = array<i32>} : memref<16x128xi32, #tpu.memory_space<vmem>>, vector<1x16xi32>,
    %get3A_416 = arith.constant 368 : index
    %get3A_417 = tpu.vector_load %arg4[%get3A_416] {strides = array<i32>} : memref<2048xi32, #tpu.memory_space<vmem>>, vector<16xi32>,
    %get3A_418 = vector.shape_cast %get3A_417 : vector<16xi32> to vector<16xi32>
    %get3A_419 = arith.constant 368 : index
    %get3A_420 = tpu.vector_load %arg5[%get3A_419] {strides = array<i32>} : memref<2048xi32, #tpu.memory_space<vmem>>, vector<16xi32>,
    %get3A_421 = vector.shape_cast %get3A_420 : vector<16xi32> to vector<16xi32>
    %mul3A_422 = arith.constant 16 : i32
    %mul3A_423 = vector.broadcast %mul3A_422 : i32 to vector<16xi32>
    %mul3A_424 = arith.muli %get3A_418, %mul3A_423 : vector<16xi32>
    %add3A_425 = arith.addi %mul3A_424, %get3A_421 : vector<16xi32>
    %swap3A_426 = arith.constant 2 : i32
    %swap3A_427 = arith.index_cast %swap3A_426 : i32 to index
    %swap3A_428 = arith.constant 112 : index
    %swap3A_429 = tpu.vector_load %arg6[%swap3A_427, %swap3A_428] {strides = array<i32>} : memref<16x128xi32, #tpu.memory_space<vmem>>, vector<1x16xi32>,
    %swap3A_430 = vector.shape_cast %swap3A_429 : vector<1x16xi32> to vector<16xi32>
    %swap3A_431 = vector.shape_cast %add3A_425 : vector<16xi32> to vector<1x16xi32>
    tpu.vector_store %arg6[%swap3A_427, %swap3A_428], %swap3A_431 {strides = array<i32>} : memref<16x128xi32, #tpu.memory_space<vmem>>, vector<1x16xi32>,
    %get3A_432 = arith.constant 384 : index
    %get3A_433 = tpu.vector_load %arg4[%get3A_432] {strides = array<i32>} : memref<2048xi32, #tpu.memory_space<vmem>>, vector<16xi32>,
    %get3A_434 = vector.shape_cast %get3A_433 : vector<16xi32> to vector<16xi32>
    %get3A_435 = arith.constant 384 : index
    %get3A_436 = tpu.vector_load %arg5[%get3A_435] {strides = array<i32>} : memref<2048xi32, #tpu.memory_space<vmem>>, vector<16xi32>,
    %get3A_437 = vector.shape_cast %get3A_436 : vector<16xi32> to vector<16xi32>
    %mul3A_438 = arith.constant 16 : i32
    %mul3A_439 = vector.broadcast %mul3A_438 : i32 to vector<16xi32>
    %mul3A_440 = arith.muli %get3A_434, %mul3A_439 : vector<16xi32>
    %add3A_441 = arith.addi %mul3A_440, %get3A_437 : vector<16xi32>
    %swap3A_442 = arith.constant 3 : i32
    %swap3A_443 = arith.index_cast %swap3A_442 : i32 to index
    %swap3A_444 = arith.constant 0 : index
    %swap3A_445 = tpu.vector_load %arg6[%swap3A_443, %swap3A_444] {strides = array<i32>} : memref<16x128xi32, #tpu.memory_space<vmem>>, vector<1x16xi32>,
    %swap3A_446 = vector.shape_cast %swap3A_445 : vector<1x16xi32> to vector<16xi32>
    %swap3A_447 = vector.shape_cast %add3A_441 : vector<16xi32> to vector<1x16xi32>
    tpu.vector_store %arg6[%swap3A_443, %swap3A_444], %swap3A_447 {strides = array<i32>} : memref<16x128xi32, #tpu.memory_space<vmem>>, vector<1x16xi32>,
    %get3A_448 = arith.constant 400 : index
    %get3A_449 = tpu.vector_load %arg4[%get3A_448] {strides = array<i32>} : memref<2048xi32, #tpu.memory_space<vmem>>, vector<16xi32>,
    %get3A_450 = vector.shape_cast %get3A_449 : vector<16xi32> to vector<16xi32>
    %get3A_451 = arith.constant 400 : index
    %get3A_452 = tpu.vector_load %arg5[%get3A_451] {strides = array<i32>} : memref<2048xi32, #tpu.memory_space<vmem>>, vector<16xi32>,
    %get3A_453 = vector.shape_cast %get3A_452 : vector<16xi32> to vector<16xi32>
    %mul3A_454 = arith.constant 16 : i32
    %mul3A_455 = vector.broadcast %mul3A_454 : i32 to vector<16xi32>
    %mul3A_456 = arith.muli %get3A_450, %mul3A_455 : vector<16xi32>
    %add3A_457 = arith.addi %mul3A_456, %get3A_453 : vector<16xi32>
    %swap3A_458 = arith.constant 3 : i32
    %swap3A_459 = arith.index_cast %swap3A_458 : i32 to index
    %swap3A_460 = arith.constant 16 : index
    %swap3A_461 = tpu.vector_load %arg6[%swap3A_459, %swap3A_460] {strides = array<i32>} : memref<16x128xi32, #tpu.memory_space<vmem>>, vector<1x16xi32>,
    %swap3A_462 = vector.shape_cast %swap3A_461 : vector<1x16xi32> to vector<16xi32>
    %swap3A_463 = vector.shape_cast %add3A_457 : vector<16xi32> to vector<1x16xi32>
    tpu.vector_store %arg6[%swap3A_459, %swap3A_460], %swap3A_463 {strides = array<i32>} : memref<16x128xi32, #tpu.memory_space<vmem>>, vector<1x16xi32>,
    %get3A_464 = arith.constant 416 : index
    %get3A_465 = tpu.vector_load %arg4[%get3A_464] {strides = array<i32>} : memref<2048xi32, #tpu.memory_space<vmem>>, vector<16xi32>,
    %get3A_466 = vector.shape_cast %get3A_465 : vector<16xi32> to vector<16xi32>
    %get3A_467 = arith.constant 416 : index
    %get3A_468 = tpu.vector_load %arg5[%get3A_467] {strides = array<i32>} : memref<2048xi32, #tpu.memory_space<vmem>>, vector<16xi32>,
    %get3A_469 = vector.shape_cast %get3A_468 : vector<16xi32> to vector<16xi32>
    %mul3A_470 = arith.constant 16 : i32
    %mul3A_471 = vector.broadcast %mul3A_470 : i32 to vector<16xi32>
    %mul3A_472 = arith.muli %get3A_466, %mul3A_471 : vector<16xi32>
    %add3A_473 = arith.addi %mul3A_472, %get3A_469 : vector<16xi32>
    %swap3A_474 = arith.constant 3 : i32
    %swap3A_475 = arith.index_cast %swap3A_474 : i32 to index
    %swap3A_476 = arith.constant 32 : index
    %swap3A_477 = tpu.vector_load %arg6[%swap3A_475, %swap3A_476] {strides = array<i32>} : memref<16x128xi32, #tpu.memory_space<vmem>>, vector<1x16xi32>,
    %swap3A_478 = vector.shape_cast %swap3A_477 : vector<1x16xi32> to vector<16xi32>
    %swap3A_479 = vector.shape_cast %add3A_473 : vector<16xi32> to vector<1x16xi32>
    tpu.vector_store %arg6[%swap3A_475, %swap3A_476], %swap3A_479 {strides = array<i32>} : memref<16x128xi32, #tpu.memory_space<vmem>>, vector<1x16xi32>,
    %get3A_480 = arith.constant 432 : index
    %get3A_481 = tpu.vector_load %arg4[%get3A_480] {strides = array<i32>} : memref<2048xi32, #tpu.memory_space<vmem>>, vector<16xi32>,
    %get3A_482 = vector.shape_cast %get3A_481 : vector<16xi32> to vector<16xi32>
    %get3A_483 = arith.constant 432 : index
    %get3A_484 = tpu.vector_load %arg5[%get3A_483] {strides = array<i32>} : memref<2048xi32, #tpu.memory_space<vmem>>, vector<16xi32>,
    %get3A_485 = vector.shape_cast %get3A_484 : vector<16xi32> to vector<16xi32>
    %mul3A_486 = arith.constant 16 : i32
    %mul3A_487 = vector.broadcast %mul3A_486 : i32 to vector<16xi32>
    %mul3A_488 = arith.muli %get3A_482, %mul3A_487 : vector<16xi32>
    %add3A_489 = arith.addi %mul3A_488, %get3A_485 : vector<16xi32>
    %swap3A_490 = arith.constant 3 : i32
    %swap3A_491 = arith.index_cast %swap3A_490 : i32 to index
    %swap3A_492 = arith.constant 48 : index
    %swap3A_493 = tpu.vector_load %arg6[%swap3A_491, %swap3A_492] {strides = array<i32>} : memref<16x128xi32, #tpu.memory_space<vmem>>, vector<1x16xi32>,
    %swap3A_494 = vector.shape_cast %swap3A_493 : vector<1x16xi32> to vector<16xi32>
    %swap3A_495 = vector.shape_cast %add3A_489 : vector<16xi32> to vector<1x16xi32>
    tpu.vector_store %arg6[%swap3A_491, %swap3A_492], %swap3A_495 {strides = array<i32>} : memref<16x128xi32, #tpu.memory_space<vmem>>, vector<1x16xi32>,
    %get3A_496 = arith.constant 448 : index
    %get3A_497 = tpu.vector_load %arg4[%get3A_496] {strides = array<i32>} : memref<2048xi32, #tpu.memory_space<vmem>>, vector<16xi32>,
    %get3A_498 = vector.shape_cast %get3A_497 : vector<16xi32> to vector<16xi32>
    %get3A_499 = arith.constant 448 : index
    %get3A_500 = tpu.vector_load %arg5[%get3A_499] {strides = array<i32>} : memref<2048xi32, #tpu.memory_space<vmem>>, vector<16xi32>,
    %get3A_501 = vector.shape_cast %get3A_500 : vector<16xi32> to vector<16xi32>
    %mul3A_502 = arith.constant 16 : i32
    %mul3A_503 = vector.broadcast %mul3A_502 : i32 to vector<16xi32>
    %mul3A_504 = arith.muli %get3A_498, %mul3A_503 : vector<16xi32>
    %add3A_505 = arith.addi %mul3A_504, %get3A_501 : vector<16xi32>
    %swap3A_506 = arith.constant 3 : i32
    %swap3A_507 = arith.index_cast %swap3A_506 : i32 to index
    %swap3A_508 = arith.constant 64 : index
    %swap3A_509 = tpu.vector_load %arg6[%swap3A_507, %swap3A_508] {strides = array<i32>} : memref<16x128xi32, #tpu.memory_space<vmem>>, vector<1x16xi32>,
    %swap3A_510 = vector.shape_cast %swap3A_509 : vector<1x16xi32> to vector<16xi32>
    %swap3A_511 = vector.shape_cast %add3A_505 : vector<16xi32> to vector<1x16xi32>
    tpu.vector_store %arg6[%swap3A_507, %swap3A_508], %swap3A_511 {strides = array<i32>} : memref<16x128xi32, #tpu.memory_space<vmem>>, vector<1x16xi32>,
    %get3A_512 = arith.constant 464 : index
    %get3A_513 = tpu.vector_load %arg4[%get3A_512] {strides = array<i32>} : memref<2048xi32, #tpu.memory_space<vmem>>, vector<16xi32>,
    %get3A_514 = vector.shape_cast %get3A_513 : vector<16xi32> to vector<16xi32>
    %get3A_515 = arith.constant 464 : index
    %get3A_516 = tpu.vector_load %arg5[%get3A_515] {strides = array<i32>} : memref<2048xi32, #tpu.memory_space<vmem>>, vector<16xi32>,
    %get3A_517 = vector.shape_cast %get3A_516 : vector<16xi32> to vector<16xi32>
    %mul3A_518 = arith.constant 16 : i32
    %mul3A_519 = vector.broadcast %mul3A_518 : i32 to vector<16xi32>
    %mul3A_520 = arith.muli %get3A_514, %mul3A_519 : vector<16xi32>
    %add3A_521 = arith.addi %mul3A_520, %get3A_517 : vector<16xi32>
    %swap3A_522 = arith.constant 3 : i32
    %swap3A_523 = arith.index_cast %swap3A_522 : i32 to index
    %swap3A_524 = arith.constant 80 : index
    %swap3A_525 = tpu.vector_load %arg6[%swap3A_523, %swap3A_524] {strides = array<i32>} : memref<16x128xi32, #tpu.memory_space<vmem>>, vector<1x16xi32>,
    %swap3A_526 = vector.shape_cast %swap3A_525 : vector<1x16xi32> to vector<16xi32>
    %swap3A_527 = vector.shape_cast %add3A_521 : vector<16xi32> to vector<1x16xi32>
    tpu.vector_store %arg6[%swap3A_523, %swap3A_524], %swap3A_527 {strides = array<i32>} : memref<16x128xi32, #tpu.memory_space<vmem>>, vector<1x16xi32>,
    %get3A_528 = arith.constant 480 : index
    %get3A_529 = tpu.vector_load %arg4[%get3A_528] {strides = array<i32>} : memref<2048xi32, #tpu.memory_space<vmem>>, vector<16xi32>,
    %get3A_530 = vector.shape_cast %get3A_529 : vector<16xi32> to vector<16xi32>
    %get3A_531 = arith.constant 480 : index
    %get3A_532 = tpu.vector_load %arg5[%get3A_531] {strides = array<i32>} : memref<2048xi32, #tpu.memory_space<vmem>>, vector<16xi32>,
    %get3A_533 = vector.shape_cast %get3A_532 : vector<16xi32> to vector<16xi32>
    %mul3A_534 = arith.constant 16 : i32
    %mul3A_535 = vector.broadcast %mul3A_534 : i32 to vector<16xi32>
    %mul3A_536 = arith.muli %get3A_530, %mul3A_535 : vector<16xi32>
    %add3A_537 = arith.addi %mul3A_536, %get3A_533 : vector<16xi32>
    %swap3A_538 = arith.constant 3 : i32
    %swap3A_539 = arith.index_cast %swap3A_538 : i32 to index
    %swap3A_540 = arith.constant 96 : index
    %swap3A_541 = tpu.vector_load %arg6[%swap3A_539, %swap3A_540] {strides = array<i32>} : memref<16x128xi32, #tpu.memory_space<vmem>>, vector<1x16xi32>,
    %swap3A_542 = vector.shape_cast %swap3A_541 : vector<1x16xi32> to vector<16xi32>
    %swap3A_543 = vector.shape_cast %add3A_537 : vector<16xi32> to vector<1x16xi32>
    tpu.vector_store %arg6[%swap3A_539, %swap3A_540], %swap3A_543 {strides = array<i32>} : memref<16x128xi32, #tpu.memory_space<vmem>>, vector<1x16xi32>,
    %get3A_544 = arith.constant 496 : index
    %get3A_545 = tpu.vector_load %arg4[%get3A_544] {strides = array<i32>} : memref<2048xi32, #tpu.memory_space<vmem>>, vector<16xi32>,
    %get3A_546 = vector.shape_cast %get3A_545 : vector<16xi32> to vector<16xi32>
    %get3A_547 = arith.constant 496 : index
    %get3A_548 = tpu.vector_load %arg5[%get3A_547] {strides = array<i32>} : memref<2048xi32, #tpu.memory_space<vmem>>, vector<16xi32>,
    %get3A_549 = vector.shape_cast %get3A_548 : vector<16xi32> to vector<16xi32>
    %mul3A_550 = arith.constant 16 : i32
    %mul3A_551 = vector.broadcast %mul3A_550 : i32 to vector<16xi32>
    %mul3A_552 = arith.muli %get3A_546, %mul3A_551 : vector<16xi32>
    %add3A_553 = arith.addi %mul3A_552, %get3A_549 : vector<16xi32>
    %swap3A_554 = arith.constant 3 : i32
    %swap3A_555 = arith.index_cast %swap3A_554 : i32 to index
    %swap3A_556 = arith.constant 112 : index
    %swap3A_557 = tpu.vector_load %arg6[%swap3A_555, %swap3A_556] {strides = array<i32>} : memref<16x128xi32, #tpu.memory_space<vmem>>, vector<1x16xi32>,
    %swap3A_558 = vector.shape_cast %swap3A_557 : vector<1x16xi32> to vector<16xi32>
    %swap3A_559 = vector.shape_cast %add3A_553 : vector<16xi32> to vector<1x16xi32>
    tpu.vector_store %arg6[%swap3A_555, %swap3A_556], %swap3A_559 {strides = array<i32>} : memref<16x128xi32, #tpu.memory_space<vmem>>, vector<1x16xi32>,
    %get3A_560 = arith.constant 512 : index
    %get3A_561 = tpu.vector_load %arg4[%get3A_560] {strides = array<i32>} : memref<2048xi32, #tpu.memory_space<vmem>>, vector<16xi32>,
    %get3A_562 = vector.shape_cast %get3A_561 : vector<16xi32> to vector<16xi32>
    %get3A_563 = arith.constant 512 : index
    %get3A_564 = tpu.vector_load %arg5[%get3A_563] {strides = array<i32>} : memref<2048xi32, #tpu.memory_space<vmem>>, vector<16xi32>,
    %get3A_565 = vector.shape_cast %get3A_564 : vector<16xi32> to vector<16xi32>
    %mul3A_566 = arith.constant 16 : i32
    %mul3A_567 = vector.broadcast %mul3A_566 : i32 to vector<16xi32>
    %mul3A_568 = arith.muli %get3A_562, %mul3A_567 : vector<16xi32>
    %add3A_569 = arith.addi %mul3A_568, %get3A_565 : vector<16xi32>
    %swap3A_570 = arith.constant 4 : i32
    %swap3A_571 = arith.index_cast %swap3A_570 : i32 to index
    %swap3A_572 = arith.constant 0 : index
    %swap3A_573 = tpu.vector_load %arg6[%swap3A_571, %swap3A_572] {strides = array<i32>} : memref<16x128xi32, #tpu.memory_space<vmem>>, vector<1x16xi32>,
    %swap3A_574 = vector.shape_cast %swap3A_573 : vector<1x16xi32> to vector<16xi32>
    %swap3A_575 = vector.shape_cast %add3A_569 : vector<16xi32> to vector<1x16xi32>
    tpu.vector_store %arg6[%swap3A_571, %swap3A_572], %swap3A_575 {strides = array<i32>} : memref<16x128xi32, #tpu.memory_space<vmem>>, vector<1x16xi32>,
    %get3A_576 = arith.constant 528 : index
    %get3A_577 = tpu.vector_load %arg4[%get3A_576] {strides = array<i32>} : memref<2048xi32, #tpu.memory_space<vmem>>, vector<16xi32>,
    %get3A_578 = vector.shape_cast %get3A_577 : vector<16xi32> to vector<16xi32>
    %get3A_579 = arith.constant 528 : index
    %get3A_580 = tpu.vector_load %arg5[%get3A_579] {strides = array<i32>} : memref<2048xi32, #tpu.memory_space<vmem>>, vector<16xi32>,
    %get3A_581 = vector.shape_cast %get3A_580 : vector<16xi32> to vector<16xi32>
    %mul3A_582 = arith.constant 16 : i32
    %mul3A_583 = vector.broadcast %mul3A_582 : i32 to vector<16xi32>
    %mul3A_584 = arith.muli %get3A_578, %mul3A_583 : vector<16xi32>
    %add3A_585 = arith.addi %mul3A_584, %get3A_581 : vector<16xi32>
    %swap3A_586 = arith.constant 4 : i32
    %swap3A_587 = arith.index_cast %swap3A_586 : i32 to index
    %swap3A_588 = arith.constant 16 : index
    %swap3A_589 = tpu.vector_load %arg6[%swap3A_587, %swap3A_588] {strides = array<i32>} : memref<16x128xi32, #tpu.memory_space<vmem>>, vector<1x16xi32>,
    %swap3A_590 = vector.shape_cast %swap3A_589 : vector<1x16xi32> to vector<16xi32>
    %swap3A_591 = vector.shape_cast %add3A_585 : vector<16xi32> to vector<1x16xi32>
    tpu.vector_store %arg6[%swap3A_587, %swap3A_588], %swap3A_591 {strides = array<i32>} : memref<16x128xi32, #tpu.memory_space<vmem>>, vector<1x16xi32>,
    %get3A_592 = arith.constant 544 : index
    %get3A_593 = tpu.vector_load %arg4[%get3A_592] {strides = array<i32>} : memref<2048xi32, #tpu.memory_space<vmem>>, vector<16xi32>,
    %get3A_594 = vector.shape_cast %get3A_593 : vector<16xi32> to vector<16xi32>
    %get3A_595 = arith.constant 544 : index
    %get3A_596 = tpu.vector_load %arg5[%get3A_595] {strides = array<i32>} : memref<2048xi32, #tpu.memory_space<vmem>>, vector<16xi32>,
    %get3A_597 = vector.shape_cast %get3A_596 : vector<16xi32> to vector<16xi32>
    %mul3A_598 = arith.constant 16 : i32
    %mul3A_599 = vector.broadcast %mul3A_598 : i32 to vector<16xi32>
    %mul3A_600 = arith.muli %get3A_594, %mul3A_599 : vector<16xi32>
    %add3A_601 = arith.addi %mul3A_600, %get3A_597 : vector<16xi32>
    %swap3A_602 = arith.constant 4 : i32
    %swap3A_603 = arith.index_cast %swap3A_602 : i32 to index
    %swap3A_604 = arith.constant 32 : index
    %swap3A_605 = tpu.vector_load %arg6[%swap3A_603, %swap3A_604] {strides = array<i32>} : memref<16x128xi32, #tpu.memory_space<vmem>>, vector<1x16xi32>,
    %swap3A_606 = vector.shape_cast %swap3A_605 : vector<1x16xi32> to vector<16xi32>
    %swap3A_607 = vector.shape_cast %add3A_601 : vector<16xi32> to vector<1x16xi32>
    tpu.vector_store %arg6[%swap3A_603, %swap3A_604], %swap3A_607 {strides = array<i32>} : memref<16x128xi32, #tpu.memory_space<vmem>>, vector<1x16xi32>,
    %get3A_608 = arith.constant 560 : index
    %get3A_609 = tpu.vector_load %arg4[%get3A_608] {strides = array<i32>} : memref<2048xi32, #tpu.memory_space<vmem>>, vector<16xi32>,
    %get3A_610 = vector.shape_cast %get3A_609 : vector<16xi32> to vector<16xi32>
    %get3A_611 = arith.constant 560 : index
    %get3A_612 = tpu.vector_load %arg5[%get3A_611] {strides = array<i32>} : memref<2048xi32, #tpu.memory_space<vmem>>, vector<16xi32>,
    %get3A_613 = vector.shape_cast %get3A_612 : vector<16xi32> to vector<16xi32>
    %mul3A_614 = arith.constant 16 : i32
    %mul3A_615 = vector.broadcast %mul3A_614 : i32 to vector<16xi32>
    %mul3A_616 = arith.muli %get3A_610, %mul3A_615 : vector<16xi32>
    %add3A_617 = arith.addi %mul3A_616, %get3A_613 : vector<16xi32>
    %swap3A_618 = arith.constant 4 : i32
    %swap3A_619 = arith.index_cast %swap3A_618 : i32 to index
    %swap3A_620 = arith.constant 48 : index
    %swap3A_621 = tpu.vector_load %arg6[%swap3A_619, %swap3A_620] {strides = array<i32>} : memref<16x128xi32, #tpu.memory_space<vmem>>, vector<1x16xi32>,
    %swap3A_622 = vector.shape_cast %swap3A_621 : vector<1x16xi32> to vector<16xi32>
    %swap3A_623 = vector.shape_cast %add3A_617 : vector<16xi32> to vector<1x16xi32>
    tpu.vector_store %arg6[%swap3A_619, %swap3A_620], %swap3A_623 {strides = array<i32>} : memref<16x128xi32, #tpu.memory_space<vmem>>, vector<1x16xi32>,
    %get3A_624 = arith.constant 576 : index
    %get3A_625 = tpu.vector_load %arg4[%get3A_624] {strides = array<i32>} : memref<2048xi32, #tpu.memory_space<vmem>>, vector<16xi32>,
    %get3A_626 = vector.shape_cast %get3A_625 : vector<16xi32> to vector<16xi32>
    %get3A_627 = arith.constant 576 : index
    %get3A_628 = tpu.vector_load %arg5[%get3A_627] {strides = array<i32>} : memref<2048xi32, #tpu.memory_space<vmem>>, vector<16xi32>,
    %get3A_629 = vector.shape_cast %get3A_628 : vector<16xi32> to vector<16xi32>
    %mul3A_630 = arith.constant 16 : i32
    %mul3A_631 = vector.broadcast %mul3A_630 : i32 to vector<16xi32>
    %mul3A_632 = arith.muli %get3A_626, %mul3A_631 : vector<16xi32>
    %add3A_633 = arith.addi %mul3A_632, %get3A_629 : vector<16xi32>
    %swap3A_634 = arith.constant 4 : i32
    %swap3A_635 = arith.index_cast %swap3A_634 : i32 to index
    %swap3A_636 = arith.constant 64 : index
    %swap3A_637 = tpu.vector_load %arg6[%swap3A_635, %swap3A_636] {strides = array<i32>} : memref<16x128xi32, #tpu.memory_space<vmem>>, vector<1x16xi32>,
    %swap3A_638 = vector.shape_cast %swap3A_637 : vector<1x16xi32> to vector<16xi32>
    %swap3A_639 = vector.shape_cast %add3A_633 : vector<16xi32> to vector<1x16xi32>
    tpu.vector_store %arg6[%swap3A_635, %swap3A_636], %swap3A_639 {strides = array<i32>} : memref<16x128xi32, #tpu.memory_space<vmem>>, vector<1x16xi32>,
    %get3A_640 = arith.constant 592 : index
    %get3A_641 = tpu.vector_load %arg4[%get3A_640] {strides = array<i32>} : memref<2048xi32, #tpu.memory_space<vmem>>, vector<16xi32>,
    %get3A_642 = vector.shape_cast %get3A_641 : vector<16xi32> to vector<16xi32>
    %get3A_643 = arith.constant 592 : index
    %get3A_644 = tpu.vector_load %arg5[%get3A_643] {strides = array<i32>} : memref<2048xi32, #tpu.memory_space<vmem>>, vector<16xi32>,
    %get3A_645 = vector.shape_cast %get3A_644 : vector<16xi32> to vector<16xi32>
    %mul3A_646 = arith.constant 16 : i32
    %mul3A_647 = vector.broadcast %mul3A_646 : i32 to vector<16xi32>
    %mul3A_648 = arith.muli %get3A_642, %mul3A_647 : vector<16xi32>
    %add3A_649 = arith.addi %mul3A_648, %get3A_645 : vector<16xi32>
    %swap3A_650 = arith.constant 4 : i32
    %swap3A_651 = arith.index_cast %swap3A_650 : i32 to index
    %swap3A_652 = arith.constant 80 : index
    %swap3A_653 = tpu.vector_load %arg6[%swap3A_651, %swap3A_652] {strides = array<i32>} : memref<16x128xi32, #tpu.memory_space<vmem>>, vector<1x16xi32>,
    %swap3A_654 = vector.shape_cast %swap3A_653 : vector<1x16xi32> to vector<16xi32>
    %swap3A_655 = vector.shape_cast %add3A_649 : vector<16xi32> to vector<1x16xi32>
    tpu.vector_store %arg6[%swap3A_651, %swap3A_652], %swap3A_655 {strides = array<i32>} : memref<16x128xi32, #tpu.memory_space<vmem>>, vector<1x16xi32>,
    %get3A_656 = arith.constant 608 : index
    %get3A_657 = tpu.vector_load %arg4[%get3A_656] {strides = array<i32>} : memref<2048xi32, #tpu.memory_space<vmem>>, vector<16xi32>,
    %get3A_658 = vector.shape_cast %get3A_657 : vector<16xi32> to vector<16xi32>
    %get3A_659 = arith.constant 608 : index
    %get3A_660 = tpu.vector_load %arg5[%get3A_659] {strides = array<i32>} : memref<2048xi32, #tpu.memory_space<vmem>>, vector<16xi32>,
    %get3A_661 = vector.shape_cast %get3A_660 : vector<16xi32> to vector<16xi32>
    %mul3A_662 = arith.constant 16 : i32
    %mul3A_663 = vector.broadcast %mul3A_662 : i32 to vector<16xi32>
    %mul3A_664 = arith.muli %get3A_658, %mul3A_663 : vector<16xi32>
    %add3A_665 = arith.addi %mul3A_664, %get3A_661 : vector<16xi32>
    %swap3A_666 = arith.constant 4 : i32
    %swap3A_667 = arith.index_cast %swap3A_666 : i32 to index
    %swap3A_668 = arith.constant 96 : index
    %swap3A_669 = tpu.vector_load %arg6[%swap3A_667, %swap3A_668] {strides = array<i32>} : memref<16x128xi32, #tpu.memory_space<vmem>>, vector<1x16xi32>,
    %swap3A_670 = vector.shape_cast %swap3A_669 : vector<1x16xi32> to vector<16xi32>
    %swap3A_671 = vector.shape_cast %add3A_665 : vector<16xi32> to vector<1x16xi32>
    tpu.vector_store %arg6[%swap3A_667, %swap3A_668], %swap3A_671 {strides = array<i32>} : memref<16x128xi32, #tpu.memory_space<vmem>>, vector<1x16xi32>,
    %get3A_672 = arith.constant 624 : index
    %get3A_673 = tpu.vector_load %arg4[%get3A_672] {strides = array<i32>} : memref<2048xi32, #tpu.memory_space<vmem>>, vector<16xi32>,
    %get3A_674 = vector.shape_cast %get3A_673 : vector<16xi32> to vector<16xi32>
    %get3A_675 = arith.constant 624 : index
    %get3A_676 = tpu.vector_load %arg5[%get3A_675] {strides = array<i32>} : memref<2048xi32, #tpu.memory_space<vmem>>, vector<16xi32>,
    %get3A_677 = vector.shape_cast %get3A_676 : vector<16xi32> to vector<16xi32>
    %mul3A_678 = arith.constant 16 : i32
    %mul3A_679 = vector.broadcast %mul3A_678 : i32 to vector<16xi32>
    %mul3A_680 = arith.muli %get3A_674, %mul3A_679 : vector<16xi32>
    %add3A_681 = arith.addi %mul3A_680, %get3A_677 : vector<16xi32>
    %swap3A_682 = arith.constant 4 : i32
    %swap3A_683 = arith.index_cast %swap3A_682 : i32 to index
    %swap3A_684 = arith.constant 112 : index
    %swap3A_685 = tpu.vector_load %arg6[%swap3A_683, %swap3A_684] {strides = array<i32>} : memref<16x128xi32, #tpu.memory_space<vmem>>, vector<1x16xi32>,
    %swap3A_686 = vector.shape_cast %swap3A_685 : vector<1x16xi32> to vector<16xi32>
    %swap3A_687 = vector.shape_cast %add3A_681 : vector<16xi32> to vector<1x16xi32>
    tpu.vector_store %arg6[%swap3A_683, %swap3A_684], %swap3A_687 {strides = array<i32>} : memref<16x128xi32, #tpu.memory_space<vmem>>, vector<1x16xi32>,
    %get3A_688 = arith.constant 640 : index
    %get3A_689 = tpu.vector_load %arg4[%get3A_688] {strides = array<i32>} : memref<2048xi32, #tpu.memory_space<vmem>>, vector<16xi32>,
    %get3A_690 = vector.shape_cast %get3A_689 : vector<16xi32> to vector<16xi32>
    %get3A_691 = arith.constant 640 : index
    %get3A_692 = tpu.vector_load %arg5[%get3A_691] {strides = array<i32>} : memref<2048xi32, #tpu.memory_space<vmem>>, vector<16xi32>,
    %get3A_693 = vector.shape_cast %get3A_692 : vector<16xi32> to vector<16xi32>
    %mul3A_694 = arith.constant 16 : i32
    %mul3A_695 = vector.broadcast %mul3A_694 : i32 to vector<16xi32>
    %mul3A_696 = arith.muli %get3A_690, %mul3A_695 : vector<16xi32>
    %add3A_697 = arith.addi %mul3A_696, %get3A_693 : vector<16xi32>
    %swap3A_698 = arith.constant 5 : i32
    %swap3A_699 = arith.index_cast %swap3A_698 : i32 to index
    %swap3A_700 = arith.constant 0 : index
    %swap3A_701 = tpu.vector_load %arg6[%swap3A_699, %swap3A_700] {strides = array<i32>} : memref<16x128xi32, #tpu.memory_space<vmem>>, vector<1x16xi32>,
    %swap3A_702 = vector.shape_cast %swap3A_701 : vector<1x16xi32> to vector<16xi32>
    %swap3A_703 = vector.shape_cast %add3A_697 : vector<16xi32> to vector<1x16xi32>
    tpu.vector_store %arg6[%swap3A_699, %swap3A_700], %swap3A_703 {strides = array<i32>} : memref<16x128xi32, #tpu.memory_space<vmem>>, vector<1x16xi32>,
    %get3A_704 = arith.constant 656 : index
    %get3A_705 = tpu.vector_load %arg4[%get3A_704] {strides = array<i32>} : memref<2048xi32, #tpu.memory_space<vmem>>, vector<16xi32>,
    %get3A_706 = vector.shape_cast %get3A_705 : vector<16xi32> to vector<16xi32>
    %get3A_707 = arith.constant 656 : index
    %get3A_708 = tpu.vector_load %arg5[%get3A_707] {strides = array<i32>} : memref<2048xi32, #tpu.memory_space<vmem>>, vector<16xi32>,
    %get3A_709 = vector.shape_cast %get3A_708 : vector<16xi32> to vector<16xi32>
    %mul3A_710 = arith.constant 16 : i32
    %mul3A_711 = vector.broadcast %mul3A_710 : i32 to vector<16xi32>
    %mul3A_712 = arith.muli %get3A_706, %mul3A_711 : vector<16xi32>
    %add3A_713 = arith.addi %mul3A_712, %get3A_709 : vector<16xi32>
    %swap3A_714 = arith.constant 5 : i32
    %swap3A_715 = arith.index_cast %swap3A_714 : i32 to index
    %swap3A_716 = arith.constant 16 : index
    %swap3A_717 = tpu.vector_load %arg6[%swap3A_715, %swap3A_716] {strides = array<i32>} : memref<16x128xi32, #tpu.memory_space<vmem>>, vector<1x16xi32>,
    %swap3A_718 = vector.shape_cast %swap3A_717 : vector<1x16xi32> to vector<16xi32>
    %swap3A_719 = vector.shape_cast %add3A_713 : vector<16xi32> to vector<1x16xi32>
    tpu.vector_store %arg6[%swap3A_715, %swap3A_716], %swap3A_719 {strides = array<i32>} : memref<16x128xi32, #tpu.memory_space<vmem>>, vector<1x16xi32>,
    %get3A_720 = arith.constant 672 : index
    %get3A_721 = tpu.vector_load %arg4[%get3A_720] {strides = array<i32>} : memref<2048xi32, #tpu.memory_space<vmem>>, vector<16xi32>,
    %get3A_722 = vector.shape_cast %get3A_721 : vector<16xi32> to vector<16xi32>
    %get3A_723 = arith.constant 672 : index
    %get3A_724 = tpu.vector_load %arg5[%get3A_723] {strides = array<i32>} : memref<2048xi32, #tpu.memory_space<vmem>>, vector<16xi32>,
    %get3A_725 = vector.shape_cast %get3A_724 : vector<16xi32> to vector<16xi32>
    %mul3A_726 = arith.constant 16 : i32
    %mul3A_727 = vector.broadcast %mul3A_726 : i32 to vector<16xi32>
    %mul3A_728 = arith.muli %get3A_722, %mul3A_727 : vector<16xi32>
    %add3A_729 = arith.addi %mul3A_728, %get3A_725 : vector<16xi32>
    %swap3A_730 = arith.constant 5 : i32
    %swap3A_731 = arith.index_cast %swap3A_730 : i32 to index
    %swap3A_732 = arith.constant 32 : index
    %swap3A_733 = tpu.vector_load %arg6[%swap3A_731, %swap3A_732] {strides = array<i32>} : memref<16x128xi32, #tpu.memory_space<vmem>>, vector<1x16xi32>,
    %swap3A_734 = vector.shape_cast %swap3A_733 : vector<1x16xi32> to vector<16xi32>
    %swap3A_735 = vector.shape_cast %add3A_729 : vector<16xi32> to vector<1x16xi32>
    tpu.vector_store %arg6[%swap3A_731, %swap3A_732], %swap3A_735 {strides = array<i32>} : memref<16x128xi32, #tpu.memory_space<vmem>>, vector<1x16xi32>,
    %get3A_736 = arith.constant 688 : index
    %get3A_737 = tpu.vector_load %arg4[%get3A_736] {strides = array<i32>} : memref<2048xi32, #tpu.memory_space<vmem>>, vector<16xi32>,
    %get3A_738 = vector.shape_cast %get3A_737 : vector<16xi32> to vector<16xi32>
    %get3A_739 = arith.constant 688 : index
    %get3A_740 = tpu.vector_load %arg5[%get3A_739] {strides = array<i32>} : memref<2048xi32, #tpu.memory_space<vmem>>, vector<16xi32>,
    %get3A_741 = vector.shape_cast %get3A_740 : vector<16xi32> to vector<16xi32>
    %mul3A_742 = arith.constant 16 : i32
    %mul3A_743 = vector.broadcast %mul3A_742 : i32 to vector<16xi32>
    %mul3A_744 = arith.muli %get3A_738, %mul3A_743 : vector<16xi32>
    %add3A_745 = arith.addi %mul3A_744, %get3A_741 : vector<16xi32>
    %swap3A_746 = arith.constant 5 : i32
    %swap3A_747 = arith.index_cast %swap3A_746 : i32 to index
    %swap3A_748 = arith.constant 48 : index
    %swap3A_749 = tpu.vector_load %arg6[%swap3A_747, %swap3A_748] {strides = array<i32>} : memref<16x128xi32, #tpu.memory_space<vmem>>, vector<1x16xi32>,
    %swap3A_750 = vector.shape_cast %swap3A_749 : vector<1x16xi32> to vector<16xi32>
    %swap3A_751 = vector.shape_cast %add3A_745 : vector<16xi32> to vector<1x16xi32>
    tpu.vector_store %arg6[%swap3A_747, %swap3A_748], %swap3A_751 {strides = array<i32>} : memref<16x128xi32, #tpu.memory_space<vmem>>, vector<1x16xi32>,
    %get3A_752 = arith.constant 704 : index
    %get3A_753 = tpu.vector_load %arg4[%get3A_752] {strides = array<i32>} : memref<2048xi32, #tpu.memory_space<vmem>>, vector<16xi32>,
    %get3A_754 = vector.shape_cast %get3A_753 : vector<16xi32> to vector<16xi32>
    %get3A_755 = arith.constant 704 : index
    %get3A_756 = tpu.vector_load %arg5[%get3A_755] {strides = array<i32>} : memref<2048xi32, #tpu.memory_space<vmem>>, vector<16xi32>,
    %get3A_757 = vector.shape_cast %get3A_756 : vector<16xi32> to vector<16xi32>
    %mul3A_758 = arith.constant 16 : i32
    %mul3A_759 = vector.broadcast %mul3A_758 : i32 to vector<16xi32>
    %mul3A_760 = arith.muli %get3A_754, %mul3A_759 : vector<16xi32>
    %add3A_761 = arith.addi %mul3A_760, %get3A_757 : vector<16xi32>
    %swap3A_762 = arith.constant 5 : i32
    %swap3A_763 = arith.index_cast %swap3A_762 : i32 to index
    %swap3A_764 = arith.constant 64 : index
    %swap3A_765 = tpu.vector_load %arg6[%swap3A_763, %swap3A_764] {strides = array<i32>} : memref<16x128xi32, #tpu.memory_space<vmem>>, vector<1x16xi32>,
    %swap3A_766 = vector.shape_cast %swap3A_765 : vector<1x16xi32> to vector<16xi32>
    %swap3A_767 = vector.shape_cast %add3A_761 : vector<16xi32> to vector<1x16xi32>
    tpu.vector_store %arg6[%swap3A_763, %swap3A_764], %swap3A_767 {strides = array<i32>} : memref<16x128xi32, #tpu.memory_space<vmem>>, vector<1x16xi32>,
    %get3A_768 = arith.constant 720 : index
    %get3A_769 = tpu.vector_load %arg4[%get3A_768] {strides = array<i32>} : memref<2048xi32, #tpu.memory_space<vmem>>, vector<16xi32>,
    %get3A_770 = vector.shape_cast %get3A_769 : vector<16xi32> to vector<16xi32>
    %get3A_771 = arith.constant 720 : index
    %get3A_772 = tpu.vector_load %arg5[%get3A_771] {strides = array<i32>} : memref<2048xi32, #tpu.memory_space<vmem>>, vector<16xi32>,
    %get3A_773 = vector.shape_cast %get3A_772 : vector<16xi32> to vector<16xi32>
    %mul3A_774 = arith.constant 16 : i32
    %mul3A_775 = vector.broadcast %mul3A_774 : i32 to vector<16xi32>
    %mul3A_776 = arith.muli %get3A_770, %mul3A_775 : vector<16xi32>
    %add3A_777 = arith.addi %mul3A_776, %get3A_773 : vector<16xi32>
    %swap3A_778 = arith.constant 5 : i32
    %swap3A_779 = arith.index_cast %swap3A_778 : i32 to index
    %swap3A_780 = arith.constant 80 : index
    %swap3A_781 = tpu.vector_load %arg6[%swap3A_779, %swap3A_780] {strides = array<i32>} : memref<16x128xi32, #tpu.memory_space<vmem>>, vector<1x16xi32>,
    %swap3A_782 = vector.shape_cast %swap3A_781 : vector<1x16xi32> to vector<16xi32>
    %swap3A_783 = vector.shape_cast %add3A_777 : vector<16xi32> to vector<1x16xi32>
    tpu.vector_store %arg6[%swap3A_779, %swap3A_780], %swap3A_783 {strides = array<i32>} : memref<16x128xi32, #tpu.memory_space<vmem>>, vector<1x16xi32>,
    %get3A_784 = arith.constant 736 : index
    %get3A_785 = tpu.vector_load %arg4[%get3A_784] {strides = array<i32>} : memref<2048xi32, #tpu.memory_space<vmem>>, vector<16xi32>,
    %get3A_786 = vector.shape_cast %get3A_785 : vector<16xi32> to vector<16xi32>
    %get3A_787 = arith.constant 736 : index
    %get3A_788 = tpu.vector_load %arg5[%get3A_787] {strides = array<i32>} : memref<2048xi32, #tpu.memory_space<vmem>>, vector<16xi32>,
    %get3A_789 = vector.shape_cast %get3A_788 : vector<16xi32> to vector<16xi32>
    %mul3A_790 = arith.constant 16 : i32
    %mul3A_791 = vector.broadcast %mul3A_790 : i32 to vector<16xi32>
    %mul3A_792 = arith.muli %get3A_786, %mul3A_791 : vector<16xi32>
    %add3A_793 = arith.addi %mul3A_792, %get3A_789 : vector<16xi32>
    %swap3A_794 = arith.constant 5 : i32
    %swap3A_795 = arith.index_cast %swap3A_794 : i32 to index
    %swap3A_796 = arith.constant 96 : index
    %swap3A_797 = tpu.vector_load %arg6[%swap3A_795, %swap3A_796] {strides = array<i32>} : memref<16x128xi32, #tpu.memory_space<vmem>>, vector<1x16xi32>,
    %swap3A_798 = vector.shape_cast %swap3A_797 : vector<1x16xi32> to vector<16xi32>
    %swap3A_799 = vector.shape_cast %add3A_793 : vector<16xi32> to vector<1x16xi32>
    tpu.vector_store %arg6[%swap3A_795, %swap3A_796], %swap3A_799 {strides = array<i32>} : memref<16x128xi32, #tpu.memory_space<vmem>>, vector<1x16xi32>,
    %get3A_800 = arith.constant 752 : index
    %get3A_801 = tpu.vector_load %arg4[%get3A_800] {strides = array<i32>} : memref<2048xi32, #tpu.memory_space<vmem>>, vector<16xi32>,
    %get3A_802 = vector.shape_cast %get3A_801 : vector<16xi32> to vector<16xi32>
    %get3A_803 = arith.constant 752 : index
    %get3A_804 = tpu.vector_load %arg5[%get3A_803] {strides = array<i32>} : memref<2048xi32, #tpu.memory_space<vmem>>, vector<16xi32>,
    %get3A_805 = vector.shape_cast %get3A_804 : vector<16xi32> to vector<16xi32>
    %mul3A_806 = arith.constant 16 : i32
    %mul3A_807 = vector.broadcast %mul3A_806 : i32 to vector<16xi32>
    %mul3A_808 = arith.muli %get3A_802, %mul3A_807 : vector<16xi32>
    %add3A_809 = arith.addi %mul3A_808, %get3A_805 : vector<16xi32>
    %swap3A_810 = arith.constant 5 : i32
    %swap3A_811 = arith.index_cast %swap3A_810 : i32 to index
    %swap3A_812 = arith.constant 112 : index
    %swap3A_813 = tpu.vector_load %arg6[%swap3A_811, %swap3A_812] {strides = array<i32>} : memref<16x128xi32, #tpu.memory_space<vmem>>, vector<1x16xi32>,
    %swap3A_814 = vector.shape_cast %swap3A_813 : vector<1x16xi32> to vector<16xi32>
    %swap3A_815 = vector.shape_cast %add3A_809 : vector<16xi32> to vector<1x16xi32>
    tpu.vector_store %arg6[%swap3A_811, %swap3A_812], %swap3A_815 {strides = array<i32>} : memref<16x128xi32, #tpu.memory_space<vmem>>, vector<1x16xi32>,
    %get3A_816 = arith.constant 768 : index
    %get3A_817 = tpu.vector_load %arg4[%get3A_816] {strides = array<i32>} : memref<2048xi32, #tpu.memory_space<vmem>>, vector<16xi32>,
    %get3A_818 = vector.shape_cast %get3A_817 : vector<16xi32> to vector<16xi32>
    %get3A_819 = arith.constant 768 : index
    %get3A_820 = tpu.vector_load %arg5[%get3A_819] {strides = array<i32>} : memref<2048xi32, #tpu.memory_space<vmem>>, vector<16xi32>,
    %get3A_821 = vector.shape_cast %get3A_820 : vector<16xi32> to vector<16xi32>
    %mul3A_822 = arith.constant 16 : i32
    %mul3A_823 = vector.broadcast %mul3A_822 : i32 to vector<16xi32>
    %mul3A_824 = arith.muli %get3A_818, %mul3A_823 : vector<16xi32>
    %add3A_825 = arith.addi %mul3A_824, %get3A_821 : vector<16xi32>
    %swap3A_826 = arith.constant 6 : i32
    %swap3A_827 = arith.index_cast %swap3A_826 : i32 to index
    %swap3A_828 = arith.constant 0 : index
    %swap3A_829 = tpu.vector_load %arg6[%swap3A_827, %swap3A_828] {strides = array<i32>} : memref<16x128xi32, #tpu.memory_space<vmem>>, vector<1x16xi32>,
    %swap3A_830 = vector.shape_cast %swap3A_829 : vector<1x16xi32> to vector<16xi32>
    %swap3A_831 = vector.shape_cast %add3A_825 : vector<16xi32> to vector<1x16xi32>
    tpu.vector_store %arg6[%swap3A_827, %swap3A_828], %swap3A_831 {strides = array<i32>} : memref<16x128xi32, #tpu.memory_space<vmem>>, vector<1x16xi32>,
    %get3A_832 = arith.constant 784 : index
    %get3A_833 = tpu.vector_load %arg4[%get3A_832] {strides = array<i32>} : memref<2048xi32, #tpu.memory_space<vmem>>, vector<16xi32>,
    %get3A_834 = vector.shape_cast %get3A_833 : vector<16xi32> to vector<16xi32>
    %get3A_835 = arith.constant 784 : index
    %get3A_836 = tpu.vector_load %arg5[%get3A_835] {strides = array<i32>} : memref<2048xi32, #tpu.memory_space<vmem>>, vector<16xi32>,
    %get3A_837 = vector.shape_cast %get3A_836 : vector<16xi32> to vector<16xi32>
    %mul3A_838 = arith.constant 16 : i32
    %mul3A_839 = vector.broadcast %mul3A_838 : i32 to vector<16xi32>
    %mul3A_840 = arith.muli %get3A_834, %mul3A_839 : vector<16xi32>
    %add3A_841 = arith.addi %mul3A_840, %get3A_837 : vector<16xi32>
    %swap3A_842 = arith.constant 6 : i32
    %swap3A_843 = arith.index_cast %swap3A_842 : i32 to index
    %swap3A_844 = arith.constant 16 : index
    %swap3A_845 = tpu.vector_load %arg6[%swap3A_843, %swap3A_844] {strides = array<i32>} : memref<16x128xi32, #tpu.memory_space<vmem>>, vector<1x16xi32>,
    %swap3A_846 = vector.shape_cast %swap3A_845 : vector<1x16xi32> to vector<16xi32>
    %swap3A_847 = vector.shape_cast %add3A_841 : vector<16xi32> to vector<1x16xi32>
    tpu.vector_store %arg6[%swap3A_843, %swap3A_844], %swap3A_847 {strides = array<i32>} : memref<16x128xi32, #tpu.memory_space<vmem>>, vector<1x16xi32>,
    %get3A_848 = arith.constant 800 : index
    %get3A_849 = tpu.vector_load %arg4[%get3A_848] {strides = array<i32>} : memref<2048xi32, #tpu.memory_space<vmem>>, vector<16xi32>,
    %get3A_850 = vector.shape_cast %get3A_849 : vector<16xi32> to vector<16xi32>
    %get3A_851 = arith.constant 800 : index
    %get3A_852 = tpu.vector_load %arg5[%get3A_851] {strides = array<i32>} : memref<2048xi32, #tpu.memory_space<vmem>>, vector<16xi32>,
    %get3A_853 = vector.shape_cast %get3A_852 : vector<16xi32> to vector<16xi32>
    %mul3A_854 = arith.constant 16 : i32
    %mul3A_855 = vector.broadcast %mul3A_854 : i32 to vector<16xi32>
    %mul3A_856 = arith.muli %get3A_850, %mul3A_855 : vector<16xi32>
    %add3A_857 = arith.addi %mul3A_856, %get3A_853 : vector<16xi32>
    %swap3A_858 = arith.constant 6 : i32
    %swap3A_859 = arith.index_cast %swap3A_858 : i32 to index
    %swap3A_860 = arith.constant 32 : index
    %swap3A_861 = tpu.vector_load %arg6[%swap3A_859, %swap3A_860] {strides = array<i32>} : memref<16x128xi32, #tpu.memory_space<vmem>>, vector<1x16xi32>,
    %swap3A_862 = vector.shape_cast %swap3A_861 : vector<1x16xi32> to vector<16xi32>
    %swap3A_863 = vector.shape_cast %add3A_857 : vector<16xi32> to vector<1x16xi32>
    tpu.vector_store %arg6[%swap3A_859, %swap3A_860], %swap3A_863 {strides = array<i32>} : memref<16x128xi32, #tpu.memory_space<vmem>>, vector<1x16xi32>,
    %get3A_864 = arith.constant 816 : index
    %get3A_865 = tpu.vector_load %arg4[%get3A_864] {strides = array<i32>} : memref<2048xi32, #tpu.memory_space<vmem>>, vector<16xi32>,
    %get3A_866 = vector.shape_cast %get3A_865 : vector<16xi32> to vector<16xi32>
    %get3A_867 = arith.constant 816 : index
    %get3A_868 = tpu.vector_load %arg5[%get3A_867] {strides = array<i32>} : memref<2048xi32, #tpu.memory_space<vmem>>, vector<16xi32>,
    %get3A_869 = vector.shape_cast %get3A_868 : vector<16xi32> to vector<16xi32>
    %mul3A_870 = arith.constant 16 : i32
    %mul3A_871 = vector.broadcast %mul3A_870 : i32 to vector<16xi32>
    %mul3A_872 = arith.muli %get3A_866, %mul3A_871 : vector<16xi32>
    %add3A_873 = arith.addi %mul3A_872, %get3A_869 : vector<16xi32>
    %swap3A_874 = arith.constant 6 : i32
    %swap3A_875 = arith.index_cast %swap3A_874 : i32 to index
    %swap3A_876 = arith.constant 48 : index
    %swap3A_877 = tpu.vector_load %arg6[%swap3A_875, %swap3A_876] {strides = array<i32>} : memref<16x128xi32, #tpu.memory_space<vmem>>, vector<1x16xi32>,
    %swap3A_878 = vector.shape_cast %swap3A_877 : vector<1x16xi32> to vector<16xi32>
    %swap3A_879 = vector.shape_cast %add3A_873 : vector<16xi32> to vector<1x16xi32>
    tpu.vector_store %arg6[%swap3A_875, %swap3A_876], %swap3A_879 {strides = array<i32>} : memref<16x128xi32, #tpu.memory_space<vmem>>, vector<1x16xi32>,
    %get3A_880 = arith.constant 832 : index
    %get3A_881 = tpu.vector_load %arg4[%get3A_880] {strides = array<i32>} : memref<2048xi32, #tpu.memory_space<vmem>>, vector<16xi32>,
    %get3A_882 = vector.shape_cast %get3A_881 : vector<16xi32> to vector<16xi32>
    %get3A_883 = arith.constant 832 : index
    %get3A_884 = tpu.vector_load %arg5[%get3A_883] {strides = array<i32>} : memref<2048xi32, #tpu.memory_space<vmem>>, vector<16xi32>,
    %get3A_885 = vector.shape_cast %get3A_884 : vector<16xi32> to vector<16xi32>
    %mul3A_886 = arith.constant 16 : i32
    %mul3A_887 = vector.broadcast %mul3A_886 : i32 to vector<16xi32>
    %mul3A_888 = arith.muli %get3A_882, %mul3A_887 : vector<16xi32>
    %add3A_889 = arith.addi %mul3A_888, %get3A_885 : vector<16xi32>
    %swap3A_890 = arith.constant 6 : i32
    %swap3A_891 = arith.index_cast %swap3A_890 : i32 to index
    %swap3A_892 = arith.constant 64 : index
    %swap3A_893 = tpu.vector_load %arg6[%swap3A_891, %swap3A_892] {strides = array<i32>} : memref<16x128xi32, #tpu.memory_space<vmem>>, vector<1x16xi32>,
    %swap3A_894 = vector.shape_cast %swap3A_893 : vector<1x16xi32> to vector<16xi32>
    %swap3A_895 = vector.shape_cast %add3A_889 : vector<16xi32> to vector<1x16xi32>
    tpu.vector_store %arg6[%swap3A_891, %swap3A_892], %swap3A_895 {strides = array<i32>} : memref<16x128xi32, #tpu.memory_space<vmem>>, vector<1x16xi32>,
    %get3A_896 = arith.constant 848 : index
    %get3A_897 = tpu.vector_load %arg4[%get3A_896] {strides = array<i32>} : memref<2048xi32, #tpu.memory_space<vmem>>, vector<16xi32>,
    %get3A_898 = vector.shape_cast %get3A_897 : vector<16xi32> to vector<16xi32>
    %get3A_899 = arith.constant 848 : index
    %get3A_900 = tpu.vector_load %arg5[%get3A_899] {strides = array<i32>} : memref<2048xi32, #tpu.memory_space<vmem>>, vector<16xi32>,
    %get3A_901 = vector.shape_cast %get3A_900 : vector<16xi32> to vector<16xi32>
    %mul3A_902 = arith.constant 16 : i32
    %mul3A_903 = vector.broadcast %mul3A_902 : i32 to vector<16xi32>
    %mul3A_904 = arith.muli %get3A_898, %mul3A_903 : vector<16xi32>
    %add3A_905 = arith.addi %mul3A_904, %get3A_901 : vector<16xi32>
    %swap3A_906 = arith.constant 6 : i32
    %swap3A_907 = arith.index_cast %swap3A_906 : i32 to index
    %swap3A_908 = arith.constant 80 : index
    %swap3A_909 = tpu.vector_load %arg6[%swap3A_907, %swap3A_908] {strides = array<i32>} : memref<16x128xi32, #tpu.memory_space<vmem>>, vector<1x16xi32>,
    %swap3A_910 = vector.shape_cast %swap3A_909 : vector<1x16xi32> to vector<16xi32>
    %swap3A_911 = vector.shape_cast %add3A_905 : vector<16xi32> to vector<1x16xi32>
    tpu.vector_store %arg6[%swap3A_907, %swap3A_908], %swap3A_911 {strides = array<i32>} : memref<16x128xi32, #tpu.memory_space<vmem>>, vector<1x16xi32>,
    %get3A_912 = arith.constant 864 : index
    %get3A_913 = tpu.vector_load %arg4[%get3A_912] {strides = array<i32>} : memref<2048xi32, #tpu.memory_space<vmem>>, vector<16xi32>,
    %get3A_914 = vector.shape_cast %get3A_913 : vector<16xi32> to vector<16xi32>
    %get3A_915 = arith.constant 864 : index
    %get3A_916 = tpu.vector_load %arg5[%get3A_915] {strides = array<i32>} : memref<2048xi32, #tpu.memory_space<vmem>>, vector<16xi32>,
    %get3A_917 = vector.shape_cast %get3A_916 : vector<16xi32> to vector<16xi32>
    %mul3A_918 = arith.constant 16 : i32
    %mul3A_919 = vector.broadcast %mul3A_918 : i32 to vector<16xi32>
    %mul3A_920 = arith.muli %get3A_914, %mul3A_919 : vector<16xi32>
    %add3A_921 = arith.addi %mul3A_920, %get3A_917 : vector<16xi32>
    %swap3A_922 = arith.constant 6 : i32
    %swap3A_923 = arith.index_cast %swap3A_922 : i32 to index
    %swap3A_924 = arith.constant 96 : index
    %swap3A_925 = tpu.vector_load %arg6[%swap3A_923, %swap3A_924] {strides = array<i32>} : memref<16x128xi32, #tpu.memory_space<vmem>>, vector<1x16xi32>,
    %swap3A_926 = vector.shape_cast %swap3A_925 : vector<1x16xi32> to vector<16xi32>
    %swap3A_927 = vector.shape_cast %add3A_921 : vector<16xi32> to vector<1x16xi32>
    tpu.vector_store %arg6[%swap3A_923, %swap3A_924], %swap3A_927 {strides = array<i32>} : memref<16x128xi32, #tpu.memory_space<vmem>>, vector<1x16xi32>,
    %get3A_928 = arith.constant 880 : index
    %get3A_929 = tpu.vector_load %arg4[%get3A_928] {strides = array<i32>} : memref<2048xi32, #tpu.memory_space<vmem>>, vector<16xi32>,
    %get3A_930 = vector.shape_cast %get3A_929 : vector<16xi32> to vector<16xi32>
    %get3A_931 = arith.constant 880 : index
    %get3A_932 = tpu.vector_load %arg5[%get3A_931] {strides = array<i32>} : memref<2048xi32, #tpu.memory_space<vmem>>, vector<16xi32>,
    %get3A_933 = vector.shape_cast %get3A_932 : vector<16xi32> to vector<16xi32>
    %mul3A_934 = arith.constant 16 : i32
    %mul3A_935 = vector.broadcast %mul3A_934 : i32 to vector<16xi32>
    %mul3A_936 = arith.muli %get3A_930, %mul3A_935 : vector<16xi32>
    %add3A_937 = arith.addi %mul3A_936, %get3A_933 : vector<16xi32>
    %swap3A_938 = arith.constant 6 : i32
    %swap3A_939 = arith.index_cast %swap3A_938 : i32 to index
    %swap3A_940 = arith.constant 112 : index
    %swap3A_941 = tpu.vector_load %arg6[%swap3A_939, %swap3A_940] {strides = array<i32>} : memref<16x128xi32, #tpu.memory_space<vmem>>, vector<1x16xi32>,
    %swap3A_942 = vector.shape_cast %swap3A_941 : vector<1x16xi32> to vector<16xi32>
    %swap3A_943 = vector.shape_cast %add3A_937 : vector<16xi32> to vector<1x16xi32>
    tpu.vector_store %arg6[%swap3A_939, %swap3A_940], %swap3A_943 {strides = array<i32>} : memref<16x128xi32, #tpu.memory_space<vmem>>, vector<1x16xi32>,
    %get3A_944 = arith.constant 896 : index
    %get3A_945 = tpu.vector_load %arg4[%get3A_944] {strides = array<i32>} : memref<2048xi32, #tpu.memory_space<vmem>>, vector<16xi32>,
    %get3A_946 = vector.shape_cast %get3A_945 : vector<16xi32> to vector<16xi32>
    %get3A_947 = arith.constant 896 : index
    %get3A_948 = tpu.vector_load %arg5[%get3A_947] {strides = array<i32>} : memref<2048xi32, #tpu.memory_space<vmem>>, vector<16xi32>,
    %get3A_949 = vector.shape_cast %get3A_948 : vector<16xi32> to vector<16xi32>
    %mul3A_950 = arith.constant 16 : i32
    %mul3A_951 = vector.broadcast %mul3A_950 : i32 to vector<16xi32>
    %mul3A_952 = arith.muli %get3A_946, %mul3A_951 : vector<16xi32>
    %add3A_953 = arith.addi %mul3A_952, %get3A_949 : vector<16xi32>
    %swap3A_954 = arith.constant 7 : i32
    %swap3A_955 = arith.index_cast %swap3A_954 : i32 to index
    %swap3A_956 = arith.constant 0 : index
    %swap3A_957 = tpu.vector_load %arg6[%swap3A_955, %swap3A_956] {strides = array<i32>} : memref<16x128xi32, #tpu.memory_space<vmem>>, vector<1x16xi32>,
    %swap3A_958 = vector.shape_cast %swap3A_957 : vector<1x16xi32> to vector<16xi32>
    %swap3A_959 = vector.shape_cast %add3A_953 : vector<16xi32> to vector<1x16xi32>
    tpu.vector_store %arg6[%swap3A_955, %swap3A_956], %swap3A_959 {strides = array<i32>} : memref<16x128xi32, #tpu.memory_space<vmem>>, vector<1x16xi32>,
    %get3A_960 = arith.constant 912 : index
    %get3A_961 = tpu.vector_load %arg4[%get3A_960] {strides = array<i32>} : memref<2048xi32, #tpu.memory_space<vmem>>, vector<16xi32>,
    %get3A_962 = vector.shape_cast %get3A_961 : vector<16xi32> to vector<16xi32>
    %get3A_963 = arith.constant 912 : index
    %get3A_964 = tpu.vector_load %arg5[%get3A_963] {strides = array<i32>} : memref<2048xi32, #tpu.memory_space<vmem>>, vector<16xi32>,
    %get3A_965 = vector.shape_cast %get3A_964 : vector<16xi32> to vector<16xi32>
    %mul3A_966 = arith.constant 16 : i32
    %mul3A_967 = vector.broadcast %mul3A_966 : i32 to vector<16xi32>
    %mul3A_968 = arith.muli %get3A_962, %mul3A_967 : vector<16xi32>
    %add3A_969 = arith.addi %mul3A_968, %get3A_965 : vector<16xi32>
    %swap3A_970 = arith.constant 7 : i32
    %swap3A_971 = arith.index_cast %swap3A_970 : i32 to index
    %swap3A_972 = arith.constant 16 : index
    %swap3A_973 = tpu.vector_load %arg6[%swap3A_971, %swap3A_972] {strides = array<i32>} : memref<16x128xi32, #tpu.memory_space<vmem>>, vector<1x16xi32>,
    %swap3A_974 = vector.shape_cast %swap3A_973 : vector<1x16xi32> to vector<16xi32>
    %swap3A_975 = vector.shape_cast %add3A_969 : vector<16xi32> to vector<1x16xi32>
    tpu.vector_store %arg6[%swap3A_971, %swap3A_972], %swap3A_975 {strides = array<i32>} : memref<16x128xi32, #tpu.memory_space<vmem>>, vector<1x16xi32>,
    %get3A_976 = arith.constant 928 : index
    %get3A_977 = tpu.vector_load %arg4[%get3A_976] {strides = array<i32>} : memref<2048xi32, #tpu.memory_space<vmem>>, vector<16xi32>,
    %get3A_978 = vector.shape_cast %get3A_977 : vector<16xi32> to vector<16xi32>
    %get3A_979 = arith.constant 928 : index
    %get3A_980 = tpu.vector_load %arg5[%get3A_979] {strides = array<i32>} : memref<2048xi32, #tpu.memory_space<vmem>>, vector<16xi32>,
    %get3A_981 = vector.shape_cast %get3A_980 : vector<16xi32> to vector<16xi32>
    %mul3A_982 = arith.constant 16 : i32
    %mul3A_983 = vector.broadcast %mul3A_982 : i32 to vector<16xi32>
    %mul3A_984 = arith.muli %get3A_978, %mul3A_983 : vector<16xi32>
    %add3A_985 = arith.addi %mul3A_984, %get3A_981 : vector<16xi32>
    %swap3A_986 = arith.constant 7 : i32
    %swap3A_987 = arith.index_cast %swap3A_986 : i32 to index
    %swap3A_988 = arith.constant 32 : index
    %swap3A_989 = tpu.vector_load %arg6[%swap3A_987, %swap3A_988] {strides = array<i32>} : memref<16x128xi32, #tpu.memory_space<vmem>>, vector<1x16xi32>,
    %swap3A_990 = vector.shape_cast %swap3A_989 : vector<1x16xi32> to vector<16xi32>
    %swap3A_991 = vector.shape_cast %add3A_985 : vector<16xi32> to vector<1x16xi32>
    tpu.vector_store %arg6[%swap3A_987, %swap3A_988], %swap3A_991 {strides = array<i32>} : memref<16x128xi32, #tpu.memory_space<vmem>>, vector<1x16xi32>,
    %get3A_992 = arith.constant 944 : index
    %get3A_993 = tpu.vector_load %arg4[%get3A_992] {strides = array<i32>} : memref<2048xi32, #tpu.memory_space<vmem>>, vector<16xi32>,
    %get3A_994 = vector.shape_cast %get3A_993 : vector<16xi32> to vector<16xi32>
    %get3A_995 = arith.constant 944 : index
    %get3A_996 = tpu.vector_load %arg5[%get3A_995] {strides = array<i32>} : memref<2048xi32, #tpu.memory_space<vmem>>, vector<16xi32>,
    %get3A_997 = vector.shape_cast %get3A_996 : vector<16xi32> to vector<16xi32>
    %mul3A_998 = arith.constant 16 : i32
    %mul3A_999 = vector.broadcast %mul3A_998 : i32 to vector<16xi32>
    %mul3A_1000 = arith.muli %get3A_994, %mul3A_999 : vector<16xi32>
    %add3A_1001 = arith.addi %mul3A_1000, %get3A_997 : vector<16xi32>
    %swap3A_1002 = arith.constant 7 : i32
    %swap3A_1003 = arith.index_cast %swap3A_1002 : i32 to index
    %swap3A_1004 = arith.constant 48 : index
    %swap3A_1005 = tpu.vector_load %arg6[%swap3A_1003, %swap3A_1004] {strides = array<i32>} : memref<16x128xi32, #tpu.memory_space<vmem>>, vector<1x16xi32>,
    %swap3A_1006 = vector.shape_cast %swap3A_1005 : vector<1x16xi32> to vector<16xi32>
    %swap3A_1007 = vector.shape_cast %add3A_1001 : vector<16xi32> to vector<1x16xi32>
    tpu.vector_store %arg6[%swap3A_1003, %swap3A_1004], %swap3A_1007 {strides = array<i32>} : memref<16x128xi32, #tpu.memory_space<vmem>>, vector<1x16xi32>,
    %get3A_1008 = arith.constant 960 : index
    %get3A_1009 = tpu.vector_load %arg4[%get3A_1008] {strides = array<i32>} : memref<2048xi32, #tpu.memory_space<vmem>>, vector<16xi32>,
    %get3A_1010 = vector.shape_cast %get3A_1009 : vector<16xi32> to vector<16xi32>
    %get3A_1011 = arith.constant 960 : index
    %get3A_1012 = tpu.vector_load %arg5[%get3A_1011] {strides = array<i32>} : memref<2048xi32, #tpu.memory_space<vmem>>, vector<16xi32>,
    %get3A_1013 = vector.shape_cast %get3A_1012 : vector<16xi32> to vector<16xi32>
    %mul3A_1014 = arith.constant 16 : i32
    %mul3A_1015 = vector.broadcast %mul3A_1014 : i32 to vector<16xi32>
    %mul3A_1016 = arith.muli %get3A_1010, %mul3A_1015 : vector<16xi32>
    %add3A_1017 = arith.addi %mul3A_1016, %get3A_1013 : vector<16xi32>
    %swap3A_1018 = arith.constant 7 : i32
    %swap3A_1019 = arith.index_cast %swap3A_1018 : i32 to index
    %swap3A_1020 = arith.constant 64 : index
    %swap3A_1021 = tpu.vector_load %arg6[%swap3A_1019, %swap3A_1020] {strides = array<i32>} : memref<16x128xi32, #tpu.memory_space<vmem>>, vector<1x16xi32>,
    %swap3A_1022 = vector.shape_cast %swap3A_1021 : vector<1x16xi32> to vector<16xi32>
    %swap3A_1023 = vector.shape_cast %add3A_1017 : vector<16xi32> to vector<1x16xi32>
    tpu.vector_store %arg6[%swap3A_1019, %swap3A_1020], %swap3A_1023 {strides = array<i32>} : memref<16x128xi32, #tpu.memory_space<vmem>>, vector<1x16xi32>,
    %get3A_1024 = arith.constant 976 : index
    %get3A_1025 = tpu.vector_load %arg4[%get3A_1024] {strides = array<i32>} : memref<2048xi32, #tpu.memory_space<vmem>>, vector<16xi32>,
    %get3A_1026 = vector.shape_cast %get3A_1025 : vector<16xi32> to vector<16xi32>
    %get3A_1027 = arith.constant 976 : index
    %get3A_1028 = tpu.vector_load %arg5[%get3A_1027] {strides = array<i32>} : memref<2048xi32, #tpu.memory_space<vmem>>, vector<16xi32>,
    %get3A_1029 = vector.shape_cast %get3A_1028 : vector<16xi32> to vector<16xi32>
    %mul3A_1030 = arith.constant 16 : i32
    %mul3A_1031 = vector.broadcast %mul3A_1030 : i32 to vector<16xi32>
    %mul3A_1032 = arith.muli %get3A_1026, %mul3A_1031 : vector<16xi32>
    %add3A_1033 = arith.addi %mul3A_1032, %get3A_1029 : vector<16xi32>
    %swap3A_1034 = arith.constant 7 : i32
    %swap3A_1035 = arith.index_cast %swap3A_1034 : i32 to index
    %swap3A_1036 = arith.constant 80 : index
    %swap3A_1037 = tpu.vector_load %arg6[%swap3A_1035, %swap3A_1036] {strides = array<i32>} : memref<16x128xi32, #tpu.memory_space<vmem>>, vector<1x16xi32>,
    %swap3A_1038 = vector.shape_cast %swap3A_1037 : vector<1x16xi32> to vector<16xi32>
    %swap3A_1039 = vector.shape_cast %add3A_1033 : vector<16xi32> to vector<1x16xi32>
    tpu.vector_store %arg6[%swap3A_1035, %swap3A_1036], %swap3A_1039 {strides = array<i32>} : memref<16x128xi32, #tpu.memory_space<vmem>>, vector<1x16xi32>,
    %get3A_1040 = arith.constant 992 : index
    %get3A_1041 = tpu.vector_load %arg4[%get3A_1040] {strides = array<i32>} : memref<2048xi32, #tpu.memory_space<vmem>>, vector<16xi32>,
    %get3A_1042 = vector.shape_cast %get3A_1041 : vector<16xi32> to vector<16xi32>
    %get3A_1043 = arith.constant 992 : index
    %get3A_1044 = tpu.vector_load %arg5[%get3A_1043] {strides = array<i32>} : memref<2048xi32, #tpu.memory_space<vmem>>, vector<16xi32>,
    %get3A_1045 = vector.shape_cast %get3A_1044 : vector<16xi32> to vector<16xi32>
    %mul3A_1046 = arith.constant 16 : i32
    %mul3A_1047 = vector.broadcast %mul3A_1046 : i32 to vector<16xi32>
    %mul3A_1048 = arith.muli %get3A_1042, %mul3A_1047 : vector<16xi32>
    %add3A_1049 = arith.addi %mul3A_1048, %get3A_1045 : vector<16xi32>
    %swap3A_1050 = arith.constant 7 : i32
    %swap3A_1051 = arith.index_cast %swap3A_1050 : i32 to index
    %swap3A_1052 = arith.constant 96 : index
    %swap3A_1053 = tpu.vector_load %arg6[%swap3A_1051, %swap3A_1052] {strides = array<i32>} : memref<16x128xi32, #tpu.memory_space<vmem>>, vector<1x16xi32>,
    %swap3A_1054 = vector.shape_cast %swap3A_1053 : vector<1x16xi32> to vector<16xi32>
    %swap3A_1055 = vector.shape_cast %add3A_1049 : vector<16xi32> to vector<1x16xi32>
    tpu.vector_store %arg6[%swap3A_1051, %swap3A_1052], %swap3A_1055 {strides = array<i32>} : memref<16x128xi32, #tpu.memory_space<vmem>>, vector<1x16xi32>,
    %get3A_1056 = arith.constant 1008 : index
    %get3A_1057 = tpu.vector_load %arg4[%get3A_1056] {strides = array<i32>} : memref<2048xi32, #tpu.memory_space<vmem>>, vector<16xi32>,
    %get3A_1058 = vector.shape_cast %get3A_1057 : vector<16xi32> to vector<16xi32>
    %get3A_1059 = arith.constant 1008 : index
    %get3A_1060 = tpu.vector_load %arg5[%get3A_1059] {strides = array<i32>} : memref<2048xi32, #tpu.memory_space<vmem>>, vector<16xi32>,
    %get3A_1061 = vector.shape_cast %get3A_1060 : vector<16xi32> to vector<16xi32>
    %mul3A_1062 = arith.constant 16 : i32
    %mul3A_1063 = vector.broadcast %mul3A_1062 : i32 to vector<16xi32>
    %mul3A_1064 = arith.muli %get3A_1058, %mul3A_1063 : vector<16xi32>
    %add3A_1065 = arith.addi %mul3A_1064, %get3A_1061 : vector<16xi32>
    %swap3A_1066 = arith.constant 7 : i32
    %swap3A_1067 = arith.index_cast %swap3A_1066 : i32 to index
    %swap3A_1068 = arith.constant 112 : index
    %swap3A_1069 = tpu.vector_load %arg6[%swap3A_1067, %swap3A_1068] {strides = array<i32>} : memref<16x128xi32, #tpu.memory_space<vmem>>, vector<1x16xi32>,
    %swap3A_1070 = vector.shape_cast %swap3A_1069 : vector<1x16xi32> to vector<16xi32>
    %swap3A_1071 = vector.shape_cast %add3A_1065 : vector<16xi32> to vector<1x16xi32>
    tpu.vector_store %arg6[%swap3A_1067, %swap3A_1068], %swap3A_1071 {strides = array<i32>} : memref<16x128xi32, #tpu.memory_space<vmem>>, vector<1x16xi32>,
    %get3A_1072 = arith.constant 1024 : index
    %get3A_1073 = tpu.vector_load %arg4[%get3A_1072] {strides = array<i32>} : memref<2048xi32, #tpu.memory_space<vmem>>, vector<16xi32>,
    %get3A_1074 = vector.shape_cast %get3A_1073 : vector<16xi32> to vector<16xi32>
    %get3A_1075 = arith.constant 1024 : index
    %get3A_1076 = tpu.vector_load %arg5[%get3A_1075] {strides = array<i32>} : memref<2048xi32, #tpu.memory_space<vmem>>, vector<16xi32>,
    %get3A_1077 = vector.shape_cast %get3A_1076 : vector<16xi32> to vector<16xi32>
    %mul3A_1078 = arith.constant 16 : i32
    %mul3A_1079 = vector.broadcast %mul3A_1078 : i32 to vector<16xi32>
    %mul3A_1080 = arith.muli %get3A_1074, %mul3A_1079 : vector<16xi32>
    %add3A_1081 = arith.addi %mul3A_1080, %get3A_1077 : vector<16xi32>
    %swap3A_1082 = arith.constant 8 : i32
    %swap3A_1083 = arith.index_cast %swap3A_1082 : i32 to index
    %swap3A_1084 = arith.constant 0 : index
    %swap3A_1085 = tpu.vector_load %arg6[%swap3A_1083, %swap3A_1084] {strides = array<i32>} : memref<16x128xi32, #tpu.memory_space<vmem>>, vector<1x16xi32>,
    %swap3A_1086 = vector.shape_cast %swap3A_1085 : vector<1x16xi32> to vector<16xi32>
    %swap3A_1087 = vector.shape_cast %add3A_1081 : vector<16xi32> to vector<1x16xi32>
    tpu.vector_store %arg6[%swap3A_1083, %swap3A_1084], %swap3A_1087 {strides = array<i32>} : memref<16x128xi32, #tpu.memory_space<vmem>>, vector<1x16xi32>,
    %get3A_1088 = arith.constant 1040 : index
    %get3A_1089 = tpu.vector_load %arg4[%get3A_1088] {strides = array<i32>} : memref<2048xi32, #tpu.memory_space<vmem>>, vector<16xi32>,
    %get3A_1090 = vector.shape_cast %get3A_1089 : vector<16xi32> to vector<16xi32>
    %get3A_1091 = arith.constant 1040 : index
    %get3A_1092 = tpu.vector_load %arg5[%get3A_1091] {strides = array<i32>} : memref<2048xi32, #tpu.memory_space<vmem>>, vector<16xi32>,
    %get3A_1093 = vector.shape_cast %get3A_1092 : vector<16xi32> to vector<16xi32>
    %mul3A_1094 = arith.constant 16 : i32
    %mul3A_1095 = vector.broadcast %mul3A_1094 : i32 to vector<16xi32>
    %mul3A_1096 = arith.muli %get3A_1090, %mul3A_1095 : vector<16xi32>
    %add3A_1097 = arith.addi %mul3A_1096, %get3A_1093 : vector<16xi32>
    %swap3A_1098 = arith.constant 8 : i32
    %swap3A_1099 = arith.index_cast %swap3A_1098 : i32 to index
    %swap3A_1100 = arith.constant 16 : index
    %swap3A_1101 = tpu.vector_load %arg6[%swap3A_1099, %swap3A_1100] {strides = array<i32>} : memref<16x128xi32, #tpu.memory_space<vmem>>, vector<1x16xi32>,
    %swap3A_1102 = vector.shape_cast %swap3A_1101 : vector<1x16xi32> to vector<16xi32>
    %swap3A_1103 = vector.shape_cast %add3A_1097 : vector<16xi32> to vector<1x16xi32>
    tpu.vector_store %arg6[%swap3A_1099, %swap3A_1100], %swap3A_1103 {strides = array<i32>} : memref<16x128xi32, #tpu.memory_space<vmem>>, vector<1x16xi32>,
    %get3A_1104 = arith.constant 1056 : index
    %get3A_1105 = tpu.vector_load %arg4[%get3A_1104] {strides = array<i32>} : memref<2048xi32, #tpu.memory_space<vmem>>, vector<16xi32>,
    %get3A_1106 = vector.shape_cast %get3A_1105 : vector<16xi32> to vector<16xi32>
    %get3A_1107 = arith.constant 1056 : index
    %get3A_1108 = tpu.vector_load %arg5[%get3A_1107] {strides = array<i32>} : memref<2048xi32, #tpu.memory_space<vmem>>, vector<16xi32>,
    %get3A_1109 = vector.shape_cast %get3A_1108 : vector<16xi32> to vector<16xi32>
    %mul3A_1110 = arith.constant 16 : i32
    %mul3A_1111 = vector.broadcast %mul3A_1110 : i32 to vector<16xi32>
    %mul3A_1112 = arith.muli %get3A_1106, %mul3A_1111 : vector<16xi32>
    %add3A_1113 = arith.addi %mul3A_1112, %get3A_1109 : vector<16xi32>
    %swap3A_1114 = arith.constant 8 : i32
    %swap3A_1115 = arith.index_cast %swap3A_1114 : i32 to index
    %swap3A_1116 = arith.constant 32 : index
    %swap3A_1117 = tpu.vector_load %arg6[%swap3A_1115, %swap3A_1116] {strides = array<i32>} : memref<16x128xi32, #tpu.memory_space<vmem>>, vector<1x16xi32>,
    %swap3A_1118 = vector.shape_cast %swap3A_1117 : vector<1x16xi32> to vector<16xi32>
    %swap3A_1119 = vector.shape_cast %add3A_1113 : vector<16xi32> to vector<1x16xi32>
    tpu.vector_store %arg6[%swap3A_1115, %swap3A_1116], %swap3A_1119 {strides = array<i32>} : memref<16x128xi32, #tpu.memory_space<vmem>>, vector<1x16xi32>,
    %get3A_1120 = arith.constant 1072 : index
    %get3A_1121 = tpu.vector_load %arg4[%get3A_1120] {strides = array<i32>} : memref<2048xi32, #tpu.memory_space<vmem>>, vector<16xi32>,
    %get3A_1122 = vector.shape_cast %get3A_1121 : vector<16xi32> to vector<16xi32>
    %get3A_1123 = arith.constant 1072 : index
    %get3A_1124 = tpu.vector_load %arg5[%get3A_1123] {strides = array<i32>} : memref<2048xi32, #tpu.memory_space<vmem>>, vector<16xi32>,
    %get3A_1125 = vector.shape_cast %get3A_1124 : vector<16xi32> to vector<16xi32>
    %mul3A_1126 = arith.constant 16 : i32
    %mul3A_1127 = vector.broadcast %mul3A_1126 : i32 to vector<16xi32>
    %mul3A_1128 = arith.muli %get3A_1122, %mul3A_1127 : vector<16xi32>
    %add3A_1129 = arith.addi %mul3A_1128, %get3A_1125 : vector<16xi32>
    %swap3A_1130 = arith.constant 8 : i32
    %swap3A_1131 = arith.index_cast %swap3A_1130 : i32 to index
    %swap3A_1132 = arith.constant 48 : index
    %swap3A_1133 = tpu.vector_load %arg6[%swap3A_1131, %swap3A_1132] {strides = array<i32>} : memref<16x128xi32, #tpu.memory_space<vmem>>, vector<1x16xi32>,
    %swap3A_1134 = vector.shape_cast %swap3A_1133 : vector<1x16xi32> to vector<16xi32>
    %swap3A_1135 = vector.shape_cast %add3A_1129 : vector<16xi32> to vector<1x16xi32>
    tpu.vector_store %arg6[%swap3A_1131, %swap3A_1132], %swap3A_1135 {strides = array<i32>} : memref<16x128xi32, #tpu.memory_space<vmem>>, vector<1x16xi32>,
    %get3A_1136 = arith.constant 1088 : index
    %get3A_1137 = tpu.vector_load %arg4[%get3A_1136] {strides = array<i32>} : memref<2048xi32, #tpu.memory_space<vmem>>, vector<16xi32>,
    %get3A_1138 = vector.shape_cast %get3A_1137 : vector<16xi32> to vector<16xi32>
    %get3A_1139 = arith.constant 1088 : index
    %get3A_1140 = tpu.vector_load %arg5[%get3A_1139] {strides = array<i32>} : memref<2048xi32, #tpu.memory_space<vmem>>, vector<16xi32>,
    %get3A_1141 = vector.shape_cast %get3A_1140 : vector<16xi32> to vector<16xi32>
    %mul3A_1142 = arith.constant 16 : i32
    %mul3A_1143 = vector.broadcast %mul3A_1142 : i32 to vector<16xi32>
    %mul3A_1144 = arith.muli %get3A_1138, %mul3A_1143 : vector<16xi32>
    %add3A_1145 = arith.addi %mul3A_1144, %get3A_1141 : vector<16xi32>
    %swap3A_1146 = arith.constant 8 : i32
    %swap3A_1147 = arith.index_cast %swap3A_1146 : i32 to index
    %swap3A_1148 = arith.constant 64 : index
    %swap3A_1149 = tpu.vector_load %arg6[%swap3A_1147, %swap3A_1148] {strides = array<i32>} : memref<16x128xi32, #tpu.memory_space<vmem>>, vector<1x16xi32>,
    %swap3A_1150 = vector.shape_cast %swap3A_1149 : vector<1x16xi32> to vector<16xi32>
    %swap3A_1151 = vector.shape_cast %add3A_1145 : vector<16xi32> to vector<1x16xi32>
    tpu.vector_store %arg6[%swap3A_1147, %swap3A_1148], %swap3A_1151 {strides = array<i32>} : memref<16x128xi32, #tpu.memory_space<vmem>>, vector<1x16xi32>,
    %get3A_1152 = arith.constant 1104 : index
    %get3A_1153 = tpu.vector_load %arg4[%get3A_1152] {strides = array<i32>} : memref<2048xi32, #tpu.memory_space<vmem>>, vector<16xi32>,
    %get3A_1154 = vector.shape_cast %get3A_1153 : vector<16xi32> to vector<16xi32>
    %get3A_1155 = arith.constant 1104 : index
    %get3A_1156 = tpu.vector_load %arg5[%get3A_1155] {strides = array<i32>} : memref<2048xi32, #tpu.memory_space<vmem>>, vector<16xi32>,
    %get3A_1157 = vector.shape_cast %get3A_1156 : vector<16xi32> to vector<16xi32>
    %mul3A_1158 = arith.constant 16 : i32
    %mul3A_1159 = vector.broadcast %mul3A_1158 : i32 to vector<16xi32>
    %mul3A_1160 = arith.muli %get3A_1154, %mul3A_1159 : vector<16xi32>
    %add3A_1161 = arith.addi %mul3A_1160, %get3A_1157 : vector<16xi32>
    %swap3A_1162 = arith.constant 8 : i32
    %swap3A_1163 = arith.index_cast %swap3A_1162 : i32 to index
    %swap3A_1164 = arith.constant 80 : index
    %swap3A_1165 = tpu.vector_load %arg6[%swap3A_1163, %swap3A_1164] {strides = array<i32>} : memref<16x128xi32, #tpu.memory_space<vmem>>, vector<1x16xi32>,
    %swap3A_1166 = vector.shape_cast %swap3A_1165 : vector<1x16xi32> to vector<16xi32>
    %swap3A_1167 = vector.shape_cast %add3A_1161 : vector<16xi32> to vector<1x16xi32>
    tpu.vector_store %arg6[%swap3A_1163, %swap3A_1164], %swap3A_1167 {strides = array<i32>} : memref<16x128xi32, #tpu.memory_space<vmem>>, vector<1x16xi32>,
    %get3A_1168 = arith.constant 1120 : index
    %get3A_1169 = tpu.vector_load %arg4[%get3A_1168] {strides = array<i32>} : memref<2048xi32, #tpu.memory_space<vmem>>, vector<16xi32>,
    %get3A_1170 = vector.shape_cast %get3A_1169 : vector<16xi32> to vector<16xi32>
    %get3A_1171 = arith.constant 1120 : index
    %get3A_1172 = tpu.vector_load %arg5[%get3A_1171] {strides = array<i32>} : memref<2048xi32, #tpu.memory_space<vmem>>, vector<16xi32>,
    %get3A_1173 = vector.shape_cast %get3A_1172 : vector<16xi32> to vector<16xi32>
    %mul3A_1174 = arith.constant 16 : i32
    %mul3A_1175 = vector.broadcast %mul3A_1174 : i32 to vector<16xi32>
    %mul3A_1176 = arith.muli %get3A_1170, %mul3A_1175 : vector<16xi32>
    %add3A_1177 = arith.addi %mul3A_1176, %get3A_1173 : vector<16xi32>
    %swap3A_1178 = arith.constant 8 : i32
    %swap3A_1179 = arith.index_cast %swap3A_1178 : i32 to index
    %swap3A_1180 = arith.constant 96 : index
    %swap3A_1181 = tpu.vector_load %arg6[%swap3A_1179, %swap3A_1180] {strides = array<i32>} : memref<16x128xi32, #tpu.memory_space<vmem>>, vector<1x16xi32>,
    %swap3A_1182 = vector.shape_cast %swap3A_1181 : vector<1x16xi32> to vector<16xi32>
    %swap3A_1183 = vector.shape_cast %add3A_1177 : vector<16xi32> to vector<1x16xi32>
    tpu.vector_store %arg6[%swap3A_1179, %swap3A_1180], %swap3A_1183 {strides = array<i32>} : memref<16x128xi32, #tpu.memory_space<vmem>>, vector<1x16xi32>,
    %get3A_1184 = arith.constant 1136 : index
    %get3A_1185 = tpu.vector_load %arg4[%get3A_1184] {strides = array<i32>} : memref<2048xi32, #tpu.memory_space<vmem>>, vector<16xi32>,
    %get3A_1186 = vector.shape_cast %get3A_1185 : vector<16xi32> to vector<16xi32>
    %get3A_1187 = arith.constant 1136 : index
    %get3A_1188 = tpu.vector_load %arg5[%get3A_1187] {strides = array<i32>} : memref<2048xi32, #tpu.memory_space<vmem>>, vector<16xi32>,
    %get3A_1189 = vector.shape_cast %get3A_1188 : vector<16xi32> to vector<16xi32>
    %mul3A_1190 = arith.constant 16 : i32
    %mul3A_1191 = vector.broadcast %mul3A_1190 : i32 to vector<16xi32>
    %mul3A_1192 = arith.muli %get3A_1186, %mul3A_1191 : vector<16xi32>
    %add3A_1193 = arith.addi %mul3A_1192, %get3A_1189 : vector<16xi32>
    %swap3A_1194 = arith.constant 8 : i32
    %swap3A_1195 = arith.index_cast %swap3A_1194 : i32 to index
    %swap3A_1196 = arith.constant 112 : index
    %swap3A_1197 = tpu.vector_load %arg6[%swap3A_1195, %swap3A_1196] {strides = array<i32>} : memref<16x128xi32, #tpu.memory_space<vmem>>, vector<1x16xi32>,
    %swap3A_1198 = vector.shape_cast %swap3A_1197 : vector<1x16xi32> to vector<16xi32>
    %swap3A_1199 = vector.shape_cast %add3A_1193 : vector<16xi32> to vector<1x16xi32>
    tpu.vector_store %arg6[%swap3A_1195, %swap3A_1196], %swap3A_1199 {strides = array<i32>} : memref<16x128xi32, #tpu.memory_space<vmem>>, vector<1x16xi32>,
    %get3A_1200 = arith.constant 1152 : index
    %get3A_1201 = tpu.vector_load %arg4[%get3A_1200] {strides = array<i32>} : memref<2048xi32, #tpu.memory_space<vmem>>, vector<16xi32>,
    %get3A_1202 = vector.shape_cast %get3A_1201 : vector<16xi32> to vector<16xi32>
    %get3A_1203 = arith.constant 1152 : index
    %get3A_1204 = tpu.vector_load %arg5[%get3A_1203] {strides = array<i32>} : memref<2048xi32, #tpu.memory_space<vmem>>, vector<16xi32>,
    %get3A_1205 = vector.shape_cast %get3A_1204 : vector<16xi32> to vector<16xi32>
    %mul3A_1206 = arith.constant 16 : i32
    %mul3A_1207 = vector.broadcast %mul3A_1206 : i32 to vector<16xi32>
    %mul3A_1208 = arith.muli %get3A_1202, %mul3A_1207 : vector<16xi32>
    %add3A_1209 = arith.addi %mul3A_1208, %get3A_1205 : vector<16xi32>
    %swap3A_1210 = arith.constant 9 : i32
    %swap3A_1211 = arith.index_cast %swap3A_1210 : i32 to index
    %swap3A_1212 = arith.constant 0 : index
    %swap3A_1213 = tpu.vector_load %arg6[%swap3A_1211, %swap3A_1212] {strides = array<i32>} : memref<16x128xi32, #tpu.memory_space<vmem>>, vector<1x16xi32>,
    %swap3A_1214 = vector.shape_cast %swap3A_1213 : vector<1x16xi32> to vector<16xi32>
    %swap3A_1215 = vector.shape_cast %add3A_1209 : vector<16xi32> to vector<1x16xi32>
    tpu.vector_store %arg6[%swap3A_1211, %swap3A_1212], %swap3A_1215 {strides = array<i32>} : memref<16x128xi32, #tpu.memory_space<vmem>>, vector<1x16xi32>,
    %get3A_1216 = arith.constant 1168 : index
    %get3A_1217 = tpu.vector_load %arg4[%get3A_1216] {strides = array<i32>} : memref<2048xi32, #tpu.memory_space<vmem>>, vector<16xi32>,
    %get3A_1218 = vector.shape_cast %get3A_1217 : vector<16xi32> to vector<16xi32>
    %get3A_1219 = arith.constant 1168 : index
    %get3A_1220 = tpu.vector_load %arg5[%get3A_1219] {strides = array<i32>} : memref<2048xi32, #tpu.memory_space<vmem>>, vector<16xi32>,
    %get3A_1221 = vector.shape_cast %get3A_1220 : vector<16xi32> to vector<16xi32>
    %mul3A_1222 = arith.constant 16 : i32
    %mul3A_1223 = vector.broadcast %mul3A_1222 : i32 to vector<16xi32>
    %mul3A_1224 = arith.muli %get3A_1218, %mul3A_1223 : vector<16xi32>
    %add3A_1225 = arith.addi %mul3A_1224, %get3A_1221 : vector<16xi32>
    %swap3A_1226 = arith.constant 9 : i32
    %swap3A_1227 = arith.index_cast %swap3A_1226 : i32 to index
    %swap3A_1228 = arith.constant 16 : index
    %swap3A_1229 = tpu.vector_load %arg6[%swap3A_1227, %swap3A_1228] {strides = array<i32>} : memref<16x128xi32, #tpu.memory_space<vmem>>, vector<1x16xi32>,
    %swap3A_1230 = vector.shape_cast %swap3A_1229 : vector<1x16xi32> to vector<16xi32>
    %swap3A_1231 = vector.shape_cast %add3A_1225 : vector<16xi32> to vector<1x16xi32>
    tpu.vector_store %arg6[%swap3A_1227, %swap3A_1228], %swap3A_1231 {strides = array<i32>} : memref<16x128xi32, #tpu.memory_space<vmem>>, vector<1x16xi32>,
    %get3A_1232 = arith.constant 1184 : index
    %get3A_1233 = tpu.vector_load %arg4[%get3A_1232] {strides = array<i32>} : memref<2048xi32, #tpu.memory_space<vmem>>, vector<16xi32>,
    %get3A_1234 = vector.shape_cast %get3A_1233 : vector<16xi32> to vector<16xi32>
    %get3A_1235 = arith.constant 1184 : index
    %get3A_1236 = tpu.vector_load %arg5[%get3A_1235] {strides = array<i32>} : memref<2048xi32, #tpu.memory_space<vmem>>, vector<16xi32>,
    %get3A_1237 = vector.shape_cast %get3A_1236 : vector<16xi32> to vector<16xi32>
    %mul3A_1238 = arith.constant 16 : i32
    %mul3A_1239 = vector.broadcast %mul3A_1238 : i32 to vector<16xi32>
    %mul3A_1240 = arith.muli %get3A_1234, %mul3A_1239 : vector<16xi32>
    %add3A_1241 = arith.addi %mul3A_1240, %get3A_1237 : vector<16xi32>
    %swap3A_1242 = arith.constant 9 : i32
    %swap3A_1243 = arith.index_cast %swap3A_1242 : i32 to index
    %swap3A_1244 = arith.constant 32 : index
    %swap3A_1245 = tpu.vector_load %arg6[%swap3A_1243, %swap3A_1244] {strides = array<i32>} : memref<16x128xi32, #tpu.memory_space<vmem>>, vector<1x16xi32>,
    %swap3A_1246 = vector.shape_cast %swap3A_1245 : vector<1x16xi32> to vector<16xi32>
    %swap3A_1247 = vector.shape_cast %add3A_1241 : vector<16xi32> to vector<1x16xi32>
    tpu.vector_store %arg6[%swap3A_1243, %swap3A_1244], %swap3A_1247 {strides = array<i32>} : memref<16x128xi32, #tpu.memory_space<vmem>>, vector<1x16xi32>,
    %get3A_1248 = arith.constant 1200 : index
    %get3A_1249 = tpu.vector_load %arg4[%get3A_1248] {strides = array<i32>} : memref<2048xi32, #tpu.memory_space<vmem>>, vector<16xi32>,
    %get3A_1250 = vector.shape_cast %get3A_1249 : vector<16xi32> to vector<16xi32>
    %get3A_1251 = arith.constant 1200 : index
    %get3A_1252 = tpu.vector_load %arg5[%get3A_1251] {strides = array<i32>} : memref<2048xi32, #tpu.memory_space<vmem>>, vector<16xi32>,
    %get3A_1253 = vector.shape_cast %get3A_1252 : vector<16xi32> to vector<16xi32>
    %mul3A_1254 = arith.constant 16 : i32
    %mul3A_1255 = vector.broadcast %mul3A_1254 : i32 to vector<16xi32>
    %mul3A_1256 = arith.muli %get3A_1250, %mul3A_1255 : vector<16xi32>
    %add3A_1257 = arith.addi %mul3A_1256, %get3A_1253 : vector<16xi32>
    %swap3A_1258 = arith.constant 9 : i32
    %swap3A_1259 = arith.index_cast %swap3A_1258 : i32 to index
    %swap3A_1260 = arith.constant 48 : index
    %swap3A_1261 = tpu.vector_load %arg6[%swap3A_1259, %swap3A_1260] {strides = array<i32>} : memref<16x128xi32, #tpu.memory_space<vmem>>, vector<1x16xi32>,
    %swap3A_1262 = vector.shape_cast %swap3A_1261 : vector<1x16xi32> to vector<16xi32>
    %swap3A_1263 = vector.shape_cast %add3A_1257 : vector<16xi32> to vector<1x16xi32>
    tpu.vector_store %arg6[%swap3A_1259, %swap3A_1260], %swap3A_1263 {strides = array<i32>} : memref<16x128xi32, #tpu.memory_space<vmem>>, vector<1x16xi32>,
    %get3A_1264 = arith.constant 1216 : index
    %get3A_1265 = tpu.vector_load %arg4[%get3A_1264] {strides = array<i32>} : memref<2048xi32, #tpu.memory_space<vmem>>, vector<16xi32>,
    %get3A_1266 = vector.shape_cast %get3A_1265 : vector<16xi32> to vector<16xi32>
    %get3A_1267 = arith.constant 1216 : index
    %get3A_1268 = tpu.vector_load %arg5[%get3A_1267] {strides = array<i32>} : memref<2048xi32, #tpu.memory_space<vmem>>, vector<16xi32>,
    %get3A_1269 = vector.shape_cast %get3A_1268 : vector<16xi32> to vector<16xi32>
    %mul3A_1270 = arith.constant 16 : i32
    %mul3A_1271 = vector.broadcast %mul3A_1270 : i32 to vector<16xi32>
    %mul3A_1272 = arith.muli %get3A_1266, %mul3A_1271 : vector<16xi32>
    %add3A_1273 = arith.addi %mul3A_1272, %get3A_1269 : vector<16xi32>
    %swap3A_1274 = arith.constant 9 : i32
    %swap3A_1275 = arith.index_cast %swap3A_1274 : i32 to index
    %swap3A_1276 = arith.constant 64 : index
    %swap3A_1277 = tpu.vector_load %arg6[%swap3A_1275, %swap3A_1276] {strides = array<i32>} : memref<16x128xi32, #tpu.memory_space<vmem>>, vector<1x16xi32>,
    %swap3A_1278 = vector.shape_cast %swap3A_1277 : vector<1x16xi32> to vector<16xi32>
    %swap3A_1279 = vector.shape_cast %add3A_1273 : vector<16xi32> to vector<1x16xi32>
    tpu.vector_store %arg6[%swap3A_1275, %swap3A_1276], %swap3A_1279 {strides = array<i32>} : memref<16x128xi32, #tpu.memory_space<vmem>>, vector<1x16xi32>,
    %get3A_1280 = arith.constant 1232 : index
    %get3A_1281 = tpu.vector_load %arg4[%get3A_1280] {strides = array<i32>} : memref<2048xi32, #tpu.memory_space<vmem>>, vector<16xi32>,
    %get3A_1282 = vector.shape_cast %get3A_1281 : vector<16xi32> to vector<16xi32>
    %get3A_1283 = arith.constant 1232 : index
    %get3A_1284 = tpu.vector_load %arg5[%get3A_1283] {strides = array<i32>} : memref<2048xi32, #tpu.memory_space<vmem>>, vector<16xi32>,
    %get3A_1285 = vector.shape_cast %get3A_1284 : vector<16xi32> to vector<16xi32>
    %mul3A_1286 = arith.constant 16 : i32
    %mul3A_1287 = vector.broadcast %mul3A_1286 : i32 to vector<16xi32>
    %mul3A_1288 = arith.muli %get3A_1282, %mul3A_1287 : vector<16xi32>
    %add3A_1289 = arith.addi %mul3A_1288, %get3A_1285 : vector<16xi32>
    %swap3A_1290 = arith.constant 9 : i32
    %swap3A_1291 = arith.index_cast %swap3A_1290 : i32 to index
    %swap3A_1292 = arith.constant 80 : index
    %swap3A_1293 = tpu.vector_load %arg6[%swap3A_1291, %swap3A_1292] {strides = array<i32>} : memref<16x128xi32, #tpu.memory_space<vmem>>, vector<1x16xi32>,
    %swap3A_1294 = vector.shape_cast %swap3A_1293 : vector<1x16xi32> to vector<16xi32>
    %swap3A_1295 = vector.shape_cast %add3A_1289 : vector<16xi32> to vector<1x16xi32>
    tpu.vector_store %arg6[%swap3A_1291, %swap3A_1292], %swap3A_1295 {strides = array<i32>} : memref<16x128xi32, #tpu.memory_space<vmem>>, vector<1x16xi32>,
    %get3A_1296 = arith.constant 1248 : index
    %get3A_1297 = tpu.vector_load %arg4[%get3A_1296] {strides = array<i32>} : memref<2048xi32, #tpu.memory_space<vmem>>, vector<16xi32>,
    %get3A_1298 = vector.shape_cast %get3A_1297 : vector<16xi32> to vector<16xi32>
    %get3A_1299 = arith.constant 1248 : index
    %get3A_1300 = tpu.vector_load %arg5[%get3A_1299] {strides = array<i32>} : memref<2048xi32, #tpu.memory_space<vmem>>, vector<16xi32>,
    %get3A_1301 = vector.shape_cast %get3A_1300 : vector<16xi32> to vector<16xi32>
    %mul3A_1302 = arith.constant 16 : i32
    %mul3A_1303 = vector.broadcast %mul3A_1302 : i32 to vector<16xi32>
    %mul3A_1304 = arith.muli %get3A_1298, %mul3A_1303 : vector<16xi32>
    %add3A_1305 = arith.addi %mul3A_1304, %get3A_1301 : vector<16xi32>
    %swap3A_1306 = arith.constant 9 : i32
    %swap3A_1307 = arith.index_cast %swap3A_1306 : i32 to index
    %swap3A_1308 = arith.constant 96 : index
    %swap3A_1309 = tpu.vector_load %arg6[%swap3A_1307, %swap3A_1308] {strides = array<i32>} : memref<16x128xi32, #tpu.memory_space<vmem>>, vector<1x16xi32>,
    %swap3A_1310 = vector.shape_cast %swap3A_1309 : vector<1x16xi32> to vector<16xi32>
    %swap3A_1311 = vector.shape_cast %add3A_1305 : vector<16xi32> to vector<1x16xi32>
    tpu.vector_store %arg6[%swap3A_1307, %swap3A_1308], %swap3A_1311 {strides = array<i32>} : memref<16x128xi32, #tpu.memory_space<vmem>>, vector<1x16xi32>,
    %get3A_1312 = arith.constant 1264 : index
    %get3A_1313 = tpu.vector_load %arg4[%get3A_1312] {strides = array<i32>} : memref<2048xi32, #tpu.memory_space<vmem>>, vector<16xi32>,
    %get3A_1314 = vector.shape_cast %get3A_1313 : vector<16xi32> to vector<16xi32>
    %get3A_1315 = arith.constant 1264 : index
    %get3A_1316 = tpu.vector_load %arg5[%get3A_1315] {strides = array<i32>} : memref<2048xi32, #tpu.memory_space<vmem>>, vector<16xi32>,
    %get3A_1317 = vector.shape_cast %get3A_1316 : vector<16xi32> to vector<16xi32>
    %mul3A_1318 = arith.constant 16 : i32
    %mul3A_1319 = vector.broadcast %mul3A_1318 : i32 to vector<16xi32>
    %mul3A_1320 = arith.muli %get3A_1314, %mul3A_1319 : vector<16xi32>
    %add3A_1321 = arith.addi %mul3A_1320, %get3A_1317 : vector<16xi32>
    %swap3A_1322 = arith.constant 9 : i32
    %swap3A_1323 = arith.index_cast %swap3A_1322 : i32 to index
    %swap3A_1324 = arith.constant 112 : index
    %swap3A_1325 = tpu.vector_load %arg6[%swap3A_1323, %swap3A_1324] {strides = array<i32>} : memref<16x128xi32, #tpu.memory_space<vmem>>, vector<1x16xi32>,
    %swap3A_1326 = vector.shape_cast %swap3A_1325 : vector<1x16xi32> to vector<16xi32>
    %swap3A_1327 = vector.shape_cast %add3A_1321 : vector<16xi32> to vector<1x16xi32>
    tpu.vector_store %arg6[%swap3A_1323, %swap3A_1324], %swap3A_1327 {strides = array<i32>} : memref<16x128xi32, #tpu.memory_space<vmem>>, vector<1x16xi32>,
    %get3A_1328 = arith.constant 1280 : index
    %get3A_1329 = tpu.vector_load %arg4[%get3A_1328] {strides = array<i32>} : memref<2048xi32, #tpu.memory_space<vmem>>, vector<16xi32>,
    %get3A_1330 = vector.shape_cast %get3A_1329 : vector<16xi32> to vector<16xi32>
    %get3A_1331 = arith.constant 1280 : index
    %get3A_1332 = tpu.vector_load %arg5[%get3A_1331] {strides = array<i32>} : memref<2048xi32, #tpu.memory_space<vmem>>, vector<16xi32>,
    %get3A_1333 = vector.shape_cast %get3A_1332 : vector<16xi32> to vector<16xi32>
    %mul3A_1334 = arith.constant 16 : i32
    %mul3A_1335 = vector.broadcast %mul3A_1334 : i32 to vector<16xi32>
    %mul3A_1336 = arith.muli %get3A_1330, %mul3A_1335 : vector<16xi32>
    %add3A_1337 = arith.addi %mul3A_1336, %get3A_1333 : vector<16xi32>
    %swap3A_1338 = arith.constant 10 : i32
    %swap3A_1339 = arith.index_cast %swap3A_1338 : i32 to index
    %swap3A_1340 = arith.constant 0 : index
    %swap3A_1341 = tpu.vector_load %arg6[%swap3A_1339, %swap3A_1340] {strides = array<i32>} : memref<16x128xi32, #tpu.memory_space<vmem>>, vector<1x16xi32>,
    %swap3A_1342 = vector.shape_cast %swap3A_1341 : vector<1x16xi32> to vector<16xi32>
    %swap3A_1343 = vector.shape_cast %add3A_1337 : vector<16xi32> to vector<1x16xi32>
    tpu.vector_store %arg6[%swap3A_1339, %swap3A_1340], %swap3A_1343 {strides = array<i32>} : memref<16x128xi32, #tpu.memory_space<vmem>>, vector<1x16xi32>,
    %get3A_1344 = arith.constant 1296 : index
    %get3A_1345 = tpu.vector_load %arg4[%get3A_1344] {strides = array<i32>} : memref<2048xi32, #tpu.memory_space<vmem>>, vector<16xi32>,
    %get3A_1346 = vector.shape_cast %get3A_1345 : vector<16xi32> to vector<16xi32>
    %get3A_1347 = arith.constant 1296 : index
    %get3A_1348 = tpu.vector_load %arg5[%get3A_1347] {strides = array<i32>} : memref<2048xi32, #tpu.memory_space<vmem>>, vector<16xi32>,
    %get3A_1349 = vector.shape_cast %get3A_1348 : vector<16xi32> to vector<16xi32>
    %mul3A_1350 = arith.constant 16 : i32
    %mul3A_1351 = vector.broadcast %mul3A_1350 : i32 to vector<16xi32>
    %mul3A_1352 = arith.muli %get3A_1346, %mul3A_1351 : vector<16xi32>
    %add3A_1353 = arith.addi %mul3A_1352, %get3A_1349 : vector<16xi32>
    %swap3A_1354 = arith.constant 10 : i32
    %swap3A_1355 = arith.index_cast %swap3A_1354 : i32 to index
    %swap3A_1356 = arith.constant 16 : index
    %swap3A_1357 = tpu.vector_load %arg6[%swap3A_1355, %swap3A_1356] {strides = array<i32>} : memref<16x128xi32, #tpu.memory_space<vmem>>, vector<1x16xi32>,
    %swap3A_1358 = vector.shape_cast %swap3A_1357 : vector<1x16xi32> to vector<16xi32>
    %swap3A_1359 = vector.shape_cast %add3A_1353 : vector<16xi32> to vector<1x16xi32>
    tpu.vector_store %arg6[%swap3A_1355, %swap3A_1356], %swap3A_1359 {strides = array<i32>} : memref<16x128xi32, #tpu.memory_space<vmem>>, vector<1x16xi32>,
    %get3A_1360 = arith.constant 1312 : index
    %get3A_1361 = tpu.vector_load %arg4[%get3A_1360] {strides = array<i32>} : memref<2048xi32, #tpu.memory_space<vmem>>, vector<16xi32>,
    %get3A_1362 = vector.shape_cast %get3A_1361 : vector<16xi32> to vector<16xi32>
    %get3A_1363 = arith.constant 1312 : index
    %get3A_1364 = tpu.vector_load %arg5[%get3A_1363] {strides = array<i32>} : memref<2048xi32, #tpu.memory_space<vmem>>, vector<16xi32>,
    %get3A_1365 = vector.shape_cast %get3A_1364 : vector<16xi32> to vector<16xi32>
    %mul3A_1366 = arith.constant 16 : i32
    %mul3A_1367 = vector.broadcast %mul3A_1366 : i32 to vector<16xi32>
    %mul3A_1368 = arith.muli %get3A_1362, %mul3A_1367 : vector<16xi32>
    %add3A_1369 = arith.addi %mul3A_1368, %get3A_1365 : vector<16xi32>
    %swap3A_1370 = arith.constant 10 : i32
    %swap3A_1371 = arith.index_cast %swap3A_1370 : i32 to index
    %swap3A_1372 = arith.constant 32 : index
    %swap3A_1373 = tpu.vector_load %arg6[%swap3A_1371, %swap3A_1372] {strides = array<i32>} : memref<16x128xi32, #tpu.memory_space<vmem>>, vector<1x16xi32>,
    %swap3A_1374 = vector.shape_cast %swap3A_1373 : vector<1x16xi32> to vector<16xi32>
    %swap3A_1375 = vector.shape_cast %add3A_1369 : vector<16xi32> to vector<1x16xi32>
    tpu.vector_store %arg6[%swap3A_1371, %swap3A_1372], %swap3A_1375 {strides = array<i32>} : memref<16x128xi32, #tpu.memory_space<vmem>>, vector<1x16xi32>,
    %get3A_1376 = arith.constant 1328 : index
    %get3A_1377 = tpu.vector_load %arg4[%get3A_1376] {strides = array<i32>} : memref<2048xi32, #tpu.memory_space<vmem>>, vector<16xi32>,
    %get3A_1378 = vector.shape_cast %get3A_1377 : vector<16xi32> to vector<16xi32>
    %get3A_1379 = arith.constant 1328 : index
    %get3A_1380 = tpu.vector_load %arg5[%get3A_1379] {strides = array<i32>} : memref<2048xi32, #tpu.memory_space<vmem>>, vector<16xi32>,
    %get3A_1381 = vector.shape_cast %get3A_1380 : vector<16xi32> to vector<16xi32>
    %mul3A_1382 = arith.constant 16 : i32
    %mul3A_1383 = vector.broadcast %mul3A_1382 : i32 to vector<16xi32>
    %mul3A_1384 = arith.muli %get3A_1378, %mul3A_1383 : vector<16xi32>
    %add3A_1385 = arith.addi %mul3A_1384, %get3A_1381 : vector<16xi32>
    %swap3A_1386 = arith.constant 10 : i32
    %swap3A_1387 = arith.index_cast %swap3A_1386 : i32 to index
    %swap3A_1388 = arith.constant 48 : index
    %swap3A_1389 = tpu.vector_load %arg6[%swap3A_1387, %swap3A_1388] {strides = array<i32>} : memref<16x128xi32, #tpu.memory_space<vmem>>, vector<1x16xi32>,
    %swap3A_1390 = vector.shape_cast %swap3A_1389 : vector<1x16xi32> to vector<16xi32>
    %swap3A_1391 = vector.shape_cast %add3A_1385 : vector<16xi32> to vector<1x16xi32>
    tpu.vector_store %arg6[%swap3A_1387, %swap3A_1388], %swap3A_1391 {strides = array<i32>} : memref<16x128xi32, #tpu.memory_space<vmem>>, vector<1x16xi32>,
    %get3A_1392 = arith.constant 1344 : index
    %get3A_1393 = tpu.vector_load %arg4[%get3A_1392] {strides = array<i32>} : memref<2048xi32, #tpu.memory_space<vmem>>, vector<16xi32>,
    %get3A_1394 = vector.shape_cast %get3A_1393 : vector<16xi32> to vector<16xi32>
    %get3A_1395 = arith.constant 1344 : index
    %get3A_1396 = tpu.vector_load %arg5[%get3A_1395] {strides = array<i32>} : memref<2048xi32, #tpu.memory_space<vmem>>, vector<16xi32>,
    %get3A_1397 = vector.shape_cast %get3A_1396 : vector<16xi32> to vector<16xi32>
    %mul3A_1398 = arith.constant 16 : i32
    %mul3A_1399 = vector.broadcast %mul3A_1398 : i32 to vector<16xi32>
    %mul3A_1400 = arith.muli %get3A_1394, %mul3A_1399 : vector<16xi32>
    %add3A_1401 = arith.addi %mul3A_1400, %get3A_1397 : vector<16xi32>
    %swap3A_1402 = arith.constant 10 : i32
    %swap3A_1403 = arith.index_cast %swap3A_1402 : i32 to index
    %swap3A_1404 = arith.constant 64 : index
    %swap3A_1405 = tpu.vector_load %arg6[%swap3A_1403, %swap3A_1404] {strides = array<i32>} : memref<16x128xi32, #tpu.memory_space<vmem>>, vector<1x16xi32>,
    %swap3A_1406 = vector.shape_cast %swap3A_1405 : vector<1x16xi32> to vector<16xi32>
    %swap3A_1407 = vector.shape_cast %add3A_1401 : vector<16xi32> to vector<1x16xi32>
    tpu.vector_store %arg6[%swap3A_1403, %swap3A_1404], %swap3A_1407 {strides = array<i32>} : memref<16x128xi32, #tpu.memory_space<vmem>>, vector<1x16xi32>,
    %get3A_1408 = arith.constant 1360 : index
    %get3A_1409 = tpu.vector_load %arg4[%get3A_1408] {strides = array<i32>} : memref<2048xi32, #tpu.memory_space<vmem>>, vector<16xi32>,
    %get3A_1410 = vector.shape_cast %get3A_1409 : vector<16xi32> to vector<16xi32>
    %get3A_1411 = arith.constant 1360 : index
    %get3A_1412 = tpu.vector_load %arg5[%get3A_1411] {strides = array<i32>} : memref<2048xi32, #tpu.memory_space<vmem>>, vector<16xi32>,
    %get3A_1413 = vector.shape_cast %get3A_1412 : vector<16xi32> to vector<16xi32>
    %mul3A_1414 = arith.constant 16 : i32
    %mul3A_1415 = vector.broadcast %mul3A_1414 : i32 to vector<16xi32>
    %mul3A_1416 = arith.muli %get3A_1410, %mul3A_1415 : vector<16xi32>
    %add3A_1417 = arith.addi %mul3A_1416, %get3A_1413 : vector<16xi32>
    %swap3A_1418 = arith.constant 10 : i32
    %swap3A_1419 = arith.index_cast %swap3A_1418 : i32 to index
    %swap3A_1420 = arith.constant 80 : index
    %swap3A_1421 = tpu.vector_load %arg6[%swap3A_1419, %swap3A_1420] {strides = array<i32>} : memref<16x128xi32, #tpu.memory_space<vmem>>, vector<1x16xi32>,
    %swap3A_1422 = vector.shape_cast %swap3A_1421 : vector<1x16xi32> to vector<16xi32>
    %swap3A_1423 = vector.shape_cast %add3A_1417 : vector<16xi32> to vector<1x16xi32>
    tpu.vector_store %arg6[%swap3A_1419, %swap3A_1420], %swap3A_1423 {strides = array<i32>} : memref<16x128xi32, #tpu.memory_space<vmem>>, vector<1x16xi32>,
    %get3A_1424 = arith.constant 1376 : index
    %get3A_1425 = tpu.vector_load %arg4[%get3A_1424] {strides = array<i32>} : memref<2048xi32, #tpu.memory_space<vmem>>, vector<16xi32>,
    %get3A_1426 = vector.shape_cast %get3A_1425 : vector<16xi32> to vector<16xi32>
    %get3A_1427 = arith.constant 1376 : index
    %get3A_1428 = tpu.vector_load %arg5[%get3A_1427] {strides = array<i32>} : memref<2048xi32, #tpu.memory_space<vmem>>, vector<16xi32>,
    %get3A_1429 = vector.shape_cast %get3A_1428 : vector<16xi32> to vector<16xi32>
    %mul3A_1430 = arith.constant 16 : i32
    %mul3A_1431 = vector.broadcast %mul3A_1430 : i32 to vector<16xi32>
    %mul3A_1432 = arith.muli %get3A_1426, %mul3A_1431 : vector<16xi32>
    %add3A_1433 = arith.addi %mul3A_1432, %get3A_1429 : vector<16xi32>
    %swap3A_1434 = arith.constant 10 : i32
    %swap3A_1435 = arith.index_cast %swap3A_1434 : i32 to index
    %swap3A_1436 = arith.constant 96 : index
    %swap3A_1437 = tpu.vector_load %arg6[%swap3A_1435, %swap3A_1436] {strides = array<i32>} : memref<16x128xi32, #tpu.memory_space<vmem>>, vector<1x16xi32>,
    %swap3A_1438 = vector.shape_cast %swap3A_1437 : vector<1x16xi32> to vector<16xi32>
    %swap3A_1439 = vector.shape_cast %add3A_1433 : vector<16xi32> to vector<1x16xi32>
    tpu.vector_store %arg6[%swap3A_1435, %swap3A_1436], %swap3A_1439 {strides = array<i32>} : memref<16x128xi32, #tpu.memory_space<vmem>>, vector<1x16xi32>,
    %get3A_1440 = arith.constant 1392 : index
    %get3A_1441 = tpu.vector_load %arg4[%get3A_1440] {strides = array<i32>} : memref<2048xi32, #tpu.memory_space<vmem>>, vector<16xi32>,
    %get3A_1442 = vector.shape_cast %get3A_1441 : vector<16xi32> to vector<16xi32>
    %get3A_1443 = arith.constant 1392 : index
    %get3A_1444 = tpu.vector_load %arg5[%get3A_1443] {strides = array<i32>} : memref<2048xi32, #tpu.memory_space<vmem>>, vector<16xi32>,
    %get3A_1445 = vector.shape_cast %get3A_1444 : vector<16xi32> to vector<16xi32>
    %mul3A_1446 = arith.constant 16 : i32
    %mul3A_1447 = vector.broadcast %mul3A_1446 : i32 to vector<16xi32>
    %mul3A_1448 = arith.muli %get3A_1442, %mul3A_1447 : vector<16xi32>
    %add3A_1449 = arith.addi %mul3A_1448, %get3A_1445 : vector<16xi32>
    %swap3A_1450 = arith.constant 10 : i32
    %swap3A_1451 = arith.index_cast %swap3A_1450 : i32 to index
    %swap3A_1452 = arith.constant 112 : index
    %swap3A_1453 = tpu.vector_load %arg6[%swap3A_1451, %swap3A_1452] {strides = array<i32>} : memref<16x128xi32, #tpu.memory_space<vmem>>, vector<1x16xi32>,
    %swap3A_1454 = vector.shape_cast %swap3A_1453 : vector<1x16xi32> to vector<16xi32>
    %swap3A_1455 = vector.shape_cast %add3A_1449 : vector<16xi32> to vector<1x16xi32>
    tpu.vector_store %arg6[%swap3A_1451, %swap3A_1452], %swap3A_1455 {strides = array<i32>} : memref<16x128xi32, #tpu.memory_space<vmem>>, vector<1x16xi32>,
    %get3A_1456 = arith.constant 1408 : index
    %get3A_1457 = tpu.vector_load %arg4[%get3A_1456] {strides = array<i32>} : memref<2048xi32, #tpu.memory_space<vmem>>, vector<16xi32>,
    %get3A_1458 = vector.shape_cast %get3A_1457 : vector<16xi32> to vector<16xi32>
    %get3A_1459 = arith.constant 1408 : index
    %get3A_1460 = tpu.vector_load %arg5[%get3A_1459] {strides = array<i32>} : memref<2048xi32, #tpu.memory_space<vmem>>, vector<16xi32>,
    %get3A_1461 = vector.shape_cast %get3A_1460 : vector<16xi32> to vector<16xi32>
    %mul3A_1462 = arith.constant 16 : i32
    %mul3A_1463 = vector.broadcast %mul3A_1462 : i32 to vector<16xi32>
    %mul3A_1464 = arith.muli %get3A_1458, %mul3A_1463 : vector<16xi32>
    %add3A_1465 = arith.addi %mul3A_1464, %get3A_1461 : vector<16xi32>
    %swap3A_1466 = arith.constant 11 : i32
    %swap3A_1467 = arith.index_cast %swap3A_1466 : i32 to index
    %swap3A_1468 = arith.constant 0 : index
    %swap3A_1469 = tpu.vector_load %arg6[%swap3A_1467, %swap3A_1468] {strides = array<i32>} : memref<16x128xi32, #tpu.memory_space<vmem>>, vector<1x16xi32>,
    %swap3A_1470 = vector.shape_cast %swap3A_1469 : vector<1x16xi32> to vector<16xi32>
    %swap3A_1471 = vector.shape_cast %add3A_1465 : vector<16xi32> to vector<1x16xi32>
    tpu.vector_store %arg6[%swap3A_1467, %swap3A_1468], %swap3A_1471 {strides = array<i32>} : memref<16x128xi32, #tpu.memory_space<vmem>>, vector<1x16xi32>,
    %get3A_1472 = arith.constant 1424 : index
    %get3A_1473 = tpu.vector_load %arg4[%get3A_1472] {strides = array<i32>} : memref<2048xi32, #tpu.memory_space<vmem>>, vector<16xi32>,
    %get3A_1474 = vector.shape_cast %get3A_1473 : vector<16xi32> to vector<16xi32>
    %get3A_1475 = arith.constant 1424 : index
    %get3A_1476 = tpu.vector_load %arg5[%get3A_1475] {strides = array<i32>} : memref<2048xi32, #tpu.memory_space<vmem>>, vector<16xi32>,
    %get3A_1477 = vector.shape_cast %get3A_1476 : vector<16xi32> to vector<16xi32>
    %mul3A_1478 = arith.constant 16 : i32
    %mul3A_1479 = vector.broadcast %mul3A_1478 : i32 to vector<16xi32>
    %mul3A_1480 = arith.muli %get3A_1474, %mul3A_1479 : vector<16xi32>
    %add3A_1481 = arith.addi %mul3A_1480, %get3A_1477 : vector<16xi32>
    %swap3A_1482 = arith.constant 11 : i32
    %swap3A_1483 = arith.index_cast %swap3A_1482 : i32 to index
    %swap3A_1484 = arith.constant 16 : index
    %swap3A_1485 = tpu.vector_load %arg6[%swap3A_1483, %swap3A_1484] {strides = array<i32>} : memref<16x128xi32, #tpu.memory_space<vmem>>, vector<1x16xi32>,
    %swap3A_1486 = vector.shape_cast %swap3A_1485 : vector<1x16xi32> to vector<16xi32>
    %swap3A_1487 = vector.shape_cast %add3A_1481 : vector<16xi32> to vector<1x16xi32>
    tpu.vector_store %arg6[%swap3A_1483, %swap3A_1484], %swap3A_1487 {strides = array<i32>} : memref<16x128xi32, #tpu.memory_space<vmem>>, vector<1x16xi32>,
    %get3A_1488 = arith.constant 1440 : index
    %get3A_1489 = tpu.vector_load %arg4[%get3A_1488] {strides = array<i32>} : memref<2048xi32, #tpu.memory_space<vmem>>, vector<16xi32>,
    %get3A_1490 = vector.shape_cast %get3A_1489 : vector<16xi32> to vector<16xi32>
    %get3A_1491 = arith.constant 1440 : index
    %get3A_1492 = tpu.vector_load %arg5[%get3A_1491] {strides = array<i32>} : memref<2048xi32, #tpu.memory_space<vmem>>, vector<16xi32>,
    %get3A_1493 = vector.shape_cast %get3A_1492 : vector<16xi32> to vector<16xi32>
    %mul3A_1494 = arith.constant 16 : i32
    %mul3A_1495 = vector.broadcast %mul3A_1494 : i32 to vector<16xi32>
    %mul3A_1496 = arith.muli %get3A_1490, %mul3A_1495 : vector<16xi32>
    %add3A_1497 = arith.addi %mul3A_1496, %get3A_1493 : vector<16xi32>
    %swap3A_1498 = arith.constant 11 : i32
    %swap3A_1499 = arith.index_cast %swap3A_1498 : i32 to index
    %swap3A_1500 = arith.constant 32 : index
    %swap3A_1501 = tpu.vector_load %arg6[%swap3A_1499, %swap3A_1500] {strides = array<i32>} : memref<16x128xi32, #tpu.memory_space<vmem>>, vector<1x16xi32>,
    %swap3A_1502 = vector.shape_cast %swap3A_1501 : vector<1x16xi32> to vector<16xi32>
    %swap3A_1503 = vector.shape_cast %add3A_1497 : vector<16xi32> to vector<1x16xi32>
    tpu.vector_store %arg6[%swap3A_1499, %swap3A_1500], %swap3A_1503 {strides = array<i32>} : memref<16x128xi32, #tpu.memory_space<vmem>>, vector<1x16xi32>,
    %get3A_1504 = arith.constant 1456 : index
    %get3A_1505 = tpu.vector_load %arg4[%get3A_1504] {strides = array<i32>} : memref<2048xi32, #tpu.memory_space<vmem>>, vector<16xi32>,
    %get3A_1506 = vector.shape_cast %get3A_1505 : vector<16xi32> to vector<16xi32>
    %get3A_1507 = arith.constant 1456 : index
    %get3A_1508 = tpu.vector_load %arg5[%get3A_1507] {strides = array<i32>} : memref<2048xi32, #tpu.memory_space<vmem>>, vector<16xi32>,
    %get3A_1509 = vector.shape_cast %get3A_1508 : vector<16xi32> to vector<16xi32>
    %mul3A_1510 = arith.constant 16 : i32
    %mul3A_1511 = vector.broadcast %mul3A_1510 : i32 to vector<16xi32>
    %mul3A_1512 = arith.muli %get3A_1506, %mul3A_1511 : vector<16xi32>
    %add3A_1513 = arith.addi %mul3A_1512, %get3A_1509 : vector<16xi32>
    %swap3A_1514 = arith.constant 11 : i32
    %swap3A_1515 = arith.index_cast %swap3A_1514 : i32 to index
    %swap3A_1516 = arith.constant 48 : index
    %swap3A_1517 = tpu.vector_load %arg6[%swap3A_1515, %swap3A_1516] {strides = array<i32>} : memref<16x128xi32, #tpu.memory_space<vmem>>, vector<1x16xi32>,
    %swap3A_1518 = vector.shape_cast %swap3A_1517 : vector<1x16xi32> to vector<16xi32>
    %swap3A_1519 = vector.shape_cast %add3A_1513 : vector<16xi32> to vector<1x16xi32>
    tpu.vector_store %arg6[%swap3A_1515, %swap3A_1516], %swap3A_1519 {strides = array<i32>} : memref<16x128xi32, #tpu.memory_space<vmem>>, vector<1x16xi32>,
    %get3A_1520 = arith.constant 1472 : index
    %get3A_1521 = tpu.vector_load %arg4[%get3A_1520] {strides = array<i32>} : memref<2048xi32, #tpu.memory_space<vmem>>, vector<16xi32>,
    %get3A_1522 = vector.shape_cast %get3A_1521 : vector<16xi32> to vector<16xi32>
    %get3A_1523 = arith.constant 1472 : index
    %get3A_1524 = tpu.vector_load %arg5[%get3A_1523] {strides = array<i32>} : memref<2048xi32, #tpu.memory_space<vmem>>, vector<16xi32>,
    %get3A_1525 = vector.shape_cast %get3A_1524 : vector<16xi32> to vector<16xi32>
    %mul3A_1526 = arith.constant 16 : i32
    %mul3A_1527 = vector.broadcast %mul3A_1526 : i32 to vector<16xi32>
    %mul3A_1528 = arith.muli %get3A_1522, %mul3A_1527 : vector<16xi32>
    %add3A_1529 = arith.addi %mul3A_1528, %get3A_1525 : vector<16xi32>
    %swap3A_1530 = arith.constant 11 : i32
    %swap3A_1531 = arith.index_cast %swap3A_1530 : i32 to index
    %swap3A_1532 = arith.constant 64 : index
    %swap3A_1533 = tpu.vector_load %arg6[%swap3A_1531, %swap3A_1532] {strides = array<i32>} : memref<16x128xi32, #tpu.memory_space<vmem>>, vector<1x16xi32>,
    %swap3A_1534 = vector.shape_cast %swap3A_1533 : vector<1x16xi32> to vector<16xi32>
    %swap3A_1535 = vector.shape_cast %add3A_1529 : vector<16xi32> to vector<1x16xi32>
    tpu.vector_store %arg6[%swap3A_1531, %swap3A_1532], %swap3A_1535 {strides = array<i32>} : memref<16x128xi32, #tpu.memory_space<vmem>>, vector<1x16xi32>,
    %get3A_1536 = arith.constant 1488 : index
    %get3A_1537 = tpu.vector_load %arg4[%get3A_1536] {strides = array<i32>} : memref<2048xi32, #tpu.memory_space<vmem>>, vector<16xi32>,
    %get3A_1538 = vector.shape_cast %get3A_1537 : vector<16xi32> to vector<16xi32>
    %get3A_1539 = arith.constant 1488 : index
    %get3A_1540 = tpu.vector_load %arg5[%get3A_1539] {strides = array<i32>} : memref<2048xi32, #tpu.memory_space<vmem>>, vector<16xi32>,
    %get3A_1541 = vector.shape_cast %get3A_1540 : vector<16xi32> to vector<16xi32>
    %mul3A_1542 = arith.constant 16 : i32
    %mul3A_1543 = vector.broadcast %mul3A_1542 : i32 to vector<16xi32>
    %mul3A_1544 = arith.muli %get3A_1538, %mul3A_1543 : vector<16xi32>
    %add3A_1545 = arith.addi %mul3A_1544, %get3A_1541 : vector<16xi32>
    %swap3A_1546 = arith.constant 11 : i32
    %swap3A_1547 = arith.index_cast %swap3A_1546 : i32 to index
    %swap3A_1548 = arith.constant 80 : index
    %swap3A_1549 = tpu.vector_load %arg6[%swap3A_1547, %swap3A_1548] {strides = array<i32>} : memref<16x128xi32, #tpu.memory_space<vmem>>, vector<1x16xi32>,
    %swap3A_1550 = vector.shape_cast %swap3A_1549 : vector<1x16xi32> to vector<16xi32>
    %swap3A_1551 = vector.shape_cast %add3A_1545 : vector<16xi32> to vector<1x16xi32>
    tpu.vector_store %arg6[%swap3A_1547, %swap3A_1548], %swap3A_1551 {strides = array<i32>} : memref<16x128xi32, #tpu.memory_space<vmem>>, vector<1x16xi32>,
    %get3A_1552 = arith.constant 1504 : index
    %get3A_1553 = tpu.vector_load %arg4[%get3A_1552] {strides = array<i32>} : memref<2048xi32, #tpu.memory_space<vmem>>, vector<16xi32>,
    %get3A_1554 = vector.shape_cast %get3A_1553 : vector<16xi32> to vector<16xi32>
    %get3A_1555 = arith.constant 1504 : index
    %get3A_1556 = tpu.vector_load %arg5[%get3A_1555] {strides = array<i32>} : memref<2048xi32, #tpu.memory_space<vmem>>, vector<16xi32>,
    %get3A_1557 = vector.shape_cast %get3A_1556 : vector<16xi32> to vector<16xi32>
    %mul3A_1558 = arith.constant 16 : i32
    %mul3A_1559 = vector.broadcast %mul3A_1558 : i32 to vector<16xi32>
    %mul3A_1560 = arith.muli %get3A_1554, %mul3A_1559 : vector<16xi32>
    %add3A_1561 = arith.addi %mul3A_1560, %get3A_1557 : vector<16xi32>
    %swap3A_1562 = arith.constant 11 : i32
    %swap3A_1563 = arith.index_cast %swap3A_1562 : i32 to index
    %swap3A_1564 = arith.constant 96 : index
    %swap3A_1565 = tpu.vector_load %arg6[%swap3A_1563, %swap3A_1564] {strides = array<i32>} : memref<16x128xi32, #tpu.memory_space<vmem>>, vector<1x16xi32>,
    %swap3A_1566 = vector.shape_cast %swap3A_1565 : vector<1x16xi32> to vector<16xi32>
    %swap3A_1567 = vector.shape_cast %add3A_1561 : vector<16xi32> to vector<1x16xi32>
    tpu.vector_store %arg6[%swap3A_1563, %swap3A_1564], %swap3A_1567 {strides = array<i32>} : memref<16x128xi32, #tpu.memory_space<vmem>>, vector<1x16xi32>,
    %get3A_1568 = arith.constant 1520 : index
    %get3A_1569 = tpu.vector_load %arg4[%get3A_1568] {strides = array<i32>} : memref<2048xi32, #tpu.memory_space<vmem>>, vector<16xi32>,
    %get3A_1570 = vector.shape_cast %get3A_1569 : vector<16xi32> to vector<16xi32>
    %get3A_1571 = arith.constant 1520 : index
    %get3A_1572 = tpu.vector_load %arg5[%get3A_1571] {strides = array<i32>} : memref<2048xi32, #tpu.memory_space<vmem>>, vector<16xi32>,
    %get3A_1573 = vector.shape_cast %get3A_1572 : vector<16xi32> to vector<16xi32>
    %mul3A_1574 = arith.constant 16 : i32
    %mul3A_1575 = vector.broadcast %mul3A_1574 : i32 to vector<16xi32>
    %mul3A_1576 = arith.muli %get3A_1570, %mul3A_1575 : vector<16xi32>
    %add3A_1577 = arith.addi %mul3A_1576, %get3A_1573 : vector<16xi32>
    %swap3A_1578 = arith.constant 11 : i32
    %swap3A_1579 = arith.index_cast %swap3A_1578 : i32 to index
    %swap3A_1580 = arith.constant 112 : index
    %swap3A_1581 = tpu.vector_load %arg6[%swap3A_1579, %swap3A_1580] {strides = array<i32>} : memref<16x128xi32, #tpu.memory_space<vmem>>, vector<1x16xi32>,
    %swap3A_1582 = vector.shape_cast %swap3A_1581 : vector<1x16xi32> to vector<16xi32>
    %swap3A_1583 = vector.shape_cast %add3A_1577 : vector<16xi32> to vector<1x16xi32>
    tpu.vector_store %arg6[%swap3A_1579, %swap3A_1580], %swap3A_1583 {strides = array<i32>} : memref<16x128xi32, #tpu.memory_space<vmem>>, vector<1x16xi32>,
    %get3A_1584 = arith.constant 1536 : index
    %get3A_1585 = tpu.vector_load %arg4[%get3A_1584] {strides = array<i32>} : memref<2048xi32, #tpu.memory_space<vmem>>, vector<16xi32>,
    %get3A_1586 = vector.shape_cast %get3A_1585 : vector<16xi32> to vector<16xi32>
    %get3A_1587 = arith.constant 1536 : index
    %get3A_1588 = tpu.vector_load %arg5[%get3A_1587] {strides = array<i32>} : memref<2048xi32, #tpu.memory_space<vmem>>, vector<16xi32>,
    %get3A_1589 = vector.shape_cast %get3A_1588 : vector<16xi32> to vector<16xi32>
    %mul3A_1590 = arith.constant 16 : i32
    %mul3A_1591 = vector.broadcast %mul3A_1590 : i32 to vector<16xi32>
    %mul3A_1592 = arith.muli %get3A_1586, %mul3A_1591 : vector<16xi32>
    %add3A_1593 = arith.addi %mul3A_1592, %get3A_1589 : vector<16xi32>
    %swap3A_1594 = arith.constant 12 : i32
    %swap3A_1595 = arith.index_cast %swap3A_1594 : i32 to index
    %swap3A_1596 = arith.constant 0 : index
    %swap3A_1597 = tpu.vector_load %arg6[%swap3A_1595, %swap3A_1596] {strides = array<i32>} : memref<16x128xi32, #tpu.memory_space<vmem>>, vector<1x16xi32>,
    %swap3A_1598 = vector.shape_cast %swap3A_1597 : vector<1x16xi32> to vector<16xi32>
    %swap3A_1599 = vector.shape_cast %add3A_1593 : vector<16xi32> to vector<1x16xi32>
    tpu.vector_store %arg6[%swap3A_1595, %swap3A_1596], %swap3A_1599 {strides = array<i32>} : memref<16x128xi32, #tpu.memory_space<vmem>>, vector<1x16xi32>,
    %get3A_1600 = arith.constant 1552 : index
    %get3A_1601 = tpu.vector_load %arg4[%get3A_1600] {strides = array<i32>} : memref<2048xi32, #tpu.memory_space<vmem>>, vector<16xi32>,
    %get3A_1602 = vector.shape_cast %get3A_1601 : vector<16xi32> to vector<16xi32>
    %get3A_1603 = arith.constant 1552 : index
    %get3A_1604 = tpu.vector_load %arg5[%get3A_1603] {strides = array<i32>} : memref<2048xi32, #tpu.memory_space<vmem>>, vector<16xi32>,
    %get3A_1605 = vector.shape_cast %get3A_1604 : vector<16xi32> to vector<16xi32>
    %mul3A_1606 = arith.constant 16 : i32
    %mul3A_1607 = vector.broadcast %mul3A_1606 : i32 to vector<16xi32>
    %mul3A_1608 = arith.muli %get3A_1602, %mul3A_1607 : vector<16xi32>
    %add3A_1609 = arith.addi %mul3A_1608, %get3A_1605 : vector<16xi32>
    %swap3A_1610 = arith.constant 12 : i32
    %swap3A_1611 = arith.index_cast %swap3A_1610 : i32 to index
    %swap3A_1612 = arith.constant 16 : index
    %swap3A_1613 = tpu.vector_load %arg6[%swap3A_1611, %swap3A_1612] {strides = array<i32>} : memref<16x128xi32, #tpu.memory_space<vmem>>, vector<1x16xi32>,
    %swap3A_1614 = vector.shape_cast %swap3A_1613 : vector<1x16xi32> to vector<16xi32>
    %swap3A_1615 = vector.shape_cast %add3A_1609 : vector<16xi32> to vector<1x16xi32>
    tpu.vector_store %arg6[%swap3A_1611, %swap3A_1612], %swap3A_1615 {strides = array<i32>} : memref<16x128xi32, #tpu.memory_space<vmem>>, vector<1x16xi32>,
    %get3A_1616 = arith.constant 1568 : index
    %get3A_1617 = tpu.vector_load %arg4[%get3A_1616] {strides = array<i32>} : memref<2048xi32, #tpu.memory_space<vmem>>, vector<16xi32>,
    %get3A_1618 = vector.shape_cast %get3A_1617 : vector<16xi32> to vector<16xi32>
    %get3A_1619 = arith.constant 1568 : index
    %get3A_1620 = tpu.vector_load %arg5[%get3A_1619] {strides = array<i32>} : memref<2048xi32, #tpu.memory_space<vmem>>, vector<16xi32>,
    %get3A_1621 = vector.shape_cast %get3A_1620 : vector<16xi32> to vector<16xi32>
    %mul3A_1622 = arith.constant 16 : i32
    %mul3A_1623 = vector.broadcast %mul3A_1622 : i32 to vector<16xi32>
    %mul3A_1624 = arith.muli %get3A_1618, %mul3A_1623 : vector<16xi32>
    %add3A_1625 = arith.addi %mul3A_1624, %get3A_1621 : vector<16xi32>
    %swap3A_1626 = arith.constant 12 : i32
    %swap3A_1627 = arith.index_cast %swap3A_1626 : i32 to index
    %swap3A_1628 = arith.constant 32 : index
    %swap3A_1629 = tpu.vector_load %arg6[%swap3A_1627, %swap3A_1628] {strides = array<i32>} : memref<16x128xi32, #tpu.memory_space<vmem>>, vector<1x16xi32>,
    %swap3A_1630 = vector.shape_cast %swap3A_1629 : vector<1x16xi32> to vector<16xi32>
    %swap3A_1631 = vector.shape_cast %add3A_1625 : vector<16xi32> to vector<1x16xi32>
    tpu.vector_store %arg6[%swap3A_1627, %swap3A_1628], %swap3A_1631 {strides = array<i32>} : memref<16x128xi32, #tpu.memory_space<vmem>>, vector<1x16xi32>,
    %get3A_1632 = arith.constant 1584 : index
    %get3A_1633 = tpu.vector_load %arg4[%get3A_1632] {strides = array<i32>} : memref<2048xi32, #tpu.memory_space<vmem>>, vector<16xi32>,
    %get3A_1634 = vector.shape_cast %get3A_1633 : vector<16xi32> to vector<16xi32>
    %get3A_1635 = arith.constant 1584 : index
    %get3A_1636 = tpu.vector_load %arg5[%get3A_1635] {strides = array<i32>} : memref<2048xi32, #tpu.memory_space<vmem>>, vector<16xi32>,
    %get3A_1637 = vector.shape_cast %get3A_1636 : vector<16xi32> to vector<16xi32>
    %mul3A_1638 = arith.constant 16 : i32
    %mul3A_1639 = vector.broadcast %mul3A_1638 : i32 to vector<16xi32>
    %mul3A_1640 = arith.muli %get3A_1634, %mul3A_1639 : vector<16xi32>
    %add3A_1641 = arith.addi %mul3A_1640, %get3A_1637 : vector<16xi32>
    %swap3A_1642 = arith.constant 12 : i32
    %swap3A_1643 = arith.index_cast %swap3A_1642 : i32 to index
    %swap3A_1644 = arith.constant 48 : index
    %swap3A_1645 = tpu.vector_load %arg6[%swap3A_1643, %swap3A_1644] {strides = array<i32>} : memref<16x128xi32, #tpu.memory_space<vmem>>, vector<1x16xi32>,
    %swap3A_1646 = vector.shape_cast %swap3A_1645 : vector<1x16xi32> to vector<16xi32>
    %swap3A_1647 = vector.shape_cast %add3A_1641 : vector<16xi32> to vector<1x16xi32>
    tpu.vector_store %arg6[%swap3A_1643, %swap3A_1644], %swap3A_1647 {strides = array<i32>} : memref<16x128xi32, #tpu.memory_space<vmem>>, vector<1x16xi32>,
    %get3A_1648 = arith.constant 1600 : index
    %get3A_1649 = tpu.vector_load %arg4[%get3A_1648] {strides = array<i32>} : memref<2048xi32, #tpu.memory_space<vmem>>, vector<16xi32>,
    %get3A_1650 = vector.shape_cast %get3A_1649 : vector<16xi32> to vector<16xi32>
    %get3A_1651 = arith.constant 1600 : index
    %get3A_1652 = tpu.vector_load %arg5[%get3A_1651] {strides = array<i32>} : memref<2048xi32, #tpu.memory_space<vmem>>, vector<16xi32>,
    %get3A_1653 = vector.shape_cast %get3A_1652 : vector<16xi32> to vector<16xi32>
    %mul3A_1654 = arith.constant 16 : i32
    %mul3A_1655 = vector.broadcast %mul3A_1654 : i32 to vector<16xi32>
    %mul3A_1656 = arith.muli %get3A_1650, %mul3A_1655 : vector<16xi32>
    %add3A_1657 = arith.addi %mul3A_1656, %get3A_1653 : vector<16xi32>
    %swap3A_1658 = arith.constant 12 : i32
    %swap3A_1659 = arith.index_cast %swap3A_1658 : i32 to index
    %swap3A_1660 = arith.constant 64 : index
    %swap3A_1661 = tpu.vector_load %arg6[%swap3A_1659, %swap3A_1660] {strides = array<i32>} : memref<16x128xi32, #tpu.memory_space<vmem>>, vector<1x16xi32>,
    %swap3A_1662 = vector.shape_cast %swap3A_1661 : vector<1x16xi32> to vector<16xi32>
    %swap3A_1663 = vector.shape_cast %add3A_1657 : vector<16xi32> to vector<1x16xi32>
    tpu.vector_store %arg6[%swap3A_1659, %swap3A_1660], %swap3A_1663 {strides = array<i32>} : memref<16x128xi32, #tpu.memory_space<vmem>>, vector<1x16xi32>,
    %get3A_1664 = arith.constant 1616 : index
    %get3A_1665 = tpu.vector_load %arg4[%get3A_1664] {strides = array<i32>} : memref<2048xi32, #tpu.memory_space<vmem>>, vector<16xi32>,
    %get3A_1666 = vector.shape_cast %get3A_1665 : vector<16xi32> to vector<16xi32>
    %get3A_1667 = arith.constant 1616 : index
    %get3A_1668 = tpu.vector_load %arg5[%get3A_1667] {strides = array<i32>} : memref<2048xi32, #tpu.memory_space<vmem>>, vector<16xi32>,
    %get3A_1669 = vector.shape_cast %get3A_1668 : vector<16xi32> to vector<16xi32>
    %mul3A_1670 = arith.constant 16 : i32
    %mul3A_1671 = vector.broadcast %mul3A_1670 : i32 to vector<16xi32>
    %mul3A_1672 = arith.muli %get3A_1666, %mul3A_1671 : vector<16xi32>
    %add3A_1673 = arith.addi %mul3A_1672, %get3A_1669 : vector<16xi32>
    %swap3A_1674 = arith.constant 12 : i32
    %swap3A_1675 = arith.index_cast %swap3A_1674 : i32 to index
    %swap3A_1676 = arith.constant 80 : index
    %swap3A_1677 = tpu.vector_load %arg6[%swap3A_1675, %swap3A_1676] {strides = array<i32>} : memref<16x128xi32, #tpu.memory_space<vmem>>, vector<1x16xi32>,
    %swap3A_1678 = vector.shape_cast %swap3A_1677 : vector<1x16xi32> to vector<16xi32>
    %swap3A_1679 = vector.shape_cast %add3A_1673 : vector<16xi32> to vector<1x16xi32>
    tpu.vector_store %arg6[%swap3A_1675, %swap3A_1676], %swap3A_1679 {strides = array<i32>} : memref<16x128xi32, #tpu.memory_space<vmem>>, vector<1x16xi32>,
    %get3A_1680 = arith.constant 1632 : index
    %get3A_1681 = tpu.vector_load %arg4[%get3A_1680] {strides = array<i32>} : memref<2048xi32, #tpu.memory_space<vmem>>, vector<16xi32>,
    %get3A_1682 = vector.shape_cast %get3A_1681 : vector<16xi32> to vector<16xi32>
    %get3A_1683 = arith.constant 1632 : index
    %get3A_1684 = tpu.vector_load %arg5[%get3A_1683] {strides = array<i32>} : memref<2048xi32, #tpu.memory_space<vmem>>, vector<16xi32>,
    %get3A_1685 = vector.shape_cast %get3A_1684 : vector<16xi32> to vector<16xi32>
    %mul3A_1686 = arith.constant 16 : i32
    %mul3A_1687 = vector.broadcast %mul3A_1686 : i32 to vector<16xi32>
    %mul3A_1688 = arith.muli %get3A_1682, %mul3A_1687 : vector<16xi32>
    %add3A_1689 = arith.addi %mul3A_1688, %get3A_1685 : vector<16xi32>
    %swap3A_1690 = arith.constant 12 : i32
    %swap3A_1691 = arith.index_cast %swap3A_1690 : i32 to index
    %swap3A_1692 = arith.constant 96 : index
    %swap3A_1693 = tpu.vector_load %arg6[%swap3A_1691, %swap3A_1692] {strides = array<i32>} : memref<16x128xi32, #tpu.memory_space<vmem>>, vector<1x16xi32>,
    %swap3A_1694 = vector.shape_cast %swap3A_1693 : vector<1x16xi32> to vector<16xi32>
    %swap3A_1695 = vector.shape_cast %add3A_1689 : vector<16xi32> to vector<1x16xi32>
    tpu.vector_store %arg6[%swap3A_1691, %swap3A_1692], %swap3A_1695 {strides = array<i32>} : memref<16x128xi32, #tpu.memory_space<vmem>>, vector<1x16xi32>,
    %get3A_1696 = arith.constant 1648 : index
    %get3A_1697 = tpu.vector_load %arg4[%get3A_1696] {strides = array<i32>} : memref<2048xi32, #tpu.memory_space<vmem>>, vector<16xi32>,
    %get3A_1698 = vector.shape_cast %get3A_1697 : vector<16xi32> to vector<16xi32>
    %get3A_1699 = arith.constant 1648 : index
    %get3A_1700 = tpu.vector_load %arg5[%get3A_1699] {strides = array<i32>} : memref<2048xi32, #tpu.memory_space<vmem>>, vector<16xi32>,
    %get3A_1701 = vector.shape_cast %get3A_1700 : vector<16xi32> to vector<16xi32>
    %mul3A_1702 = arith.constant 16 : i32
    %mul3A_1703 = vector.broadcast %mul3A_1702 : i32 to vector<16xi32>
    %mul3A_1704 = arith.muli %get3A_1698, %mul3A_1703 : vector<16xi32>
    %add3A_1705 = arith.addi %mul3A_1704, %get3A_1701 : vector<16xi32>
    %swap3A_1706 = arith.constant 12 : i32
    %swap3A_1707 = arith.index_cast %swap3A_1706 : i32 to index
    %swap3A_1708 = arith.constant 112 : index
    %swap3A_1709 = tpu.vector_load %arg6[%swap3A_1707, %swap3A_1708] {strides = array<i32>} : memref<16x128xi32, #tpu.memory_space<vmem>>, vector<1x16xi32>,
    %swap3A_1710 = vector.shape_cast %swap3A_1709 : vector<1x16xi32> to vector<16xi32>
    %swap3A_1711 = vector.shape_cast %add3A_1705 : vector<16xi32> to vector<1x16xi32>
    tpu.vector_store %arg6[%swap3A_1707, %swap3A_1708], %swap3A_1711 {strides = array<i32>} : memref<16x128xi32, #tpu.memory_space<vmem>>, vector<1x16xi32>,
    %get3A_1712 = arith.constant 1664 : index
    %get3A_1713 = tpu.vector_load %arg4[%get3A_1712] {strides = array<i32>} : memref<2048xi32, #tpu.memory_space<vmem>>, vector<16xi32>,
    %get3A_1714 = vector.shape_cast %get3A_1713 : vector<16xi32> to vector<16xi32>
    %get3A_1715 = arith.constant 1664 : index
    %get3A_1716 = tpu.vector_load %arg5[%get3A_1715] {strides = array<i32>} : memref<2048xi32, #tpu.memory_space<vmem>>, vector<16xi32>,
    %get3A_1717 = vector.shape_cast %get3A_1716 : vector<16xi32> to vector<16xi32>
    %mul3A_1718 = arith.constant 16 : i32
    %mul3A_1719 = vector.broadcast %mul3A_1718 : i32 to vector<16xi32>
    %mul3A_1720 = arith.muli %get3A_1714, %mul3A_1719 : vector<16xi32>
    %add3A_1721 = arith.addi %mul3A_1720, %get3A_1717 : vector<16xi32>
    %swap3A_1722 = arith.constant 13 : i32
    %swap3A_1723 = arith.index_cast %swap3A_1722 : i32 to index
    %swap3A_1724 = arith.constant 0 : index
    %swap3A_1725 = tpu.vector_load %arg6[%swap3A_1723, %swap3A_1724] {strides = array<i32>} : memref<16x128xi32, #tpu.memory_space<vmem>>, vector<1x16xi32>,
    %swap3A_1726 = vector.shape_cast %swap3A_1725 : vector<1x16xi32> to vector<16xi32>
    %swap3A_1727 = vector.shape_cast %add3A_1721 : vector<16xi32> to vector<1x16xi32>
    tpu.vector_store %arg6[%swap3A_1723, %swap3A_1724], %swap3A_1727 {strides = array<i32>} : memref<16x128xi32, #tpu.memory_space<vmem>>, vector<1x16xi32>,
    %get3A_1728 = arith.constant 1680 : index
    %get3A_1729 = tpu.vector_load %arg4[%get3A_1728] {strides = array<i32>} : memref<2048xi32, #tpu.memory_space<vmem>>, vector<16xi32>,
    %get3A_1730 = vector.shape_cast %get3A_1729 : vector<16xi32> to vector<16xi32>
    %get3A_1731 = arith.constant 1680 : index
    %get3A_1732 = tpu.vector_load %arg5[%get3A_1731] {strides = array<i32>} : memref<2048xi32, #tpu.memory_space<vmem>>, vector<16xi32>,
    %get3A_1733 = vector.shape_cast %get3A_1732 : vector<16xi32> to vector<16xi32>
    %mul3A_1734 = arith.constant 16 : i32
    %mul3A_1735 = vector.broadcast %mul3A_1734 : i32 to vector<16xi32>
    %mul3A_1736 = arith.muli %get3A_1730, %mul3A_1735 : vector<16xi32>
    %add3A_1737 = arith.addi %mul3A_1736, %get3A_1733 : vector<16xi32>
    %swap3A_1738 = arith.constant 13 : i32
    %swap3A_1739 = arith.index_cast %swap3A_1738 : i32 to index
    %swap3A_1740 = arith.constant 16 : index
    %swap3A_1741 = tpu.vector_load %arg6[%swap3A_1739, %swap3A_1740] {strides = array<i32>} : memref<16x128xi32, #tpu.memory_space<vmem>>, vector<1x16xi32>,
    %swap3A_1742 = vector.shape_cast %swap3A_1741 : vector<1x16xi32> to vector<16xi32>
    %swap3A_1743 = vector.shape_cast %add3A_1737 : vector<16xi32> to vector<1x16xi32>
    tpu.vector_store %arg6[%swap3A_1739, %swap3A_1740], %swap3A_1743 {strides = array<i32>} : memref<16x128xi32, #tpu.memory_space<vmem>>, vector<1x16xi32>,
    %get3A_1744 = arith.constant 1696 : index
    %get3A_1745 = tpu.vector_load %arg4[%get3A_1744] {strides = array<i32>} : memref<2048xi32, #tpu.memory_space<vmem>>, vector<16xi32>,
    %get3A_1746 = vector.shape_cast %get3A_1745 : vector<16xi32> to vector<16xi32>
    %get3A_1747 = arith.constant 1696 : index
    %get3A_1748 = tpu.vector_load %arg5[%get3A_1747] {strides = array<i32>} : memref<2048xi32, #tpu.memory_space<vmem>>, vector<16xi32>,
    %get3A_1749 = vector.shape_cast %get3A_1748 : vector<16xi32> to vector<16xi32>
    %mul3A_1750 = arith.constant 16 : i32
    %mul3A_1751 = vector.broadcast %mul3A_1750 : i32 to vector<16xi32>
    %mul3A_1752 = arith.muli %get3A_1746, %mul3A_1751 : vector<16xi32>
    %add3A_1753 = arith.addi %mul3A_1752, %get3A_1749 : vector<16xi32>
    %swap3A_1754 = arith.constant 13 : i32
    %swap3A_1755 = arith.index_cast %swap3A_1754 : i32 to index
    %swap3A_1756 = arith.constant 32 : index
    %swap3A_1757 = tpu.vector_load %arg6[%swap3A_1755, %swap3A_1756] {strides = array<i32>} : memref<16x128xi32, #tpu.memory_space<vmem>>, vector<1x16xi32>,
    %swap3A_1758 = vector.shape_cast %swap3A_1757 : vector<1x16xi32> to vector<16xi32>
    %swap3A_1759 = vector.shape_cast %add3A_1753 : vector<16xi32> to vector<1x16xi32>
    tpu.vector_store %arg6[%swap3A_1755, %swap3A_1756], %swap3A_1759 {strides = array<i32>} : memref<16x128xi32, #tpu.memory_space<vmem>>, vector<1x16xi32>,
    %get3A_1760 = arith.constant 1712 : index
    %get3A_1761 = tpu.vector_load %arg4[%get3A_1760] {strides = array<i32>} : memref<2048xi32, #tpu.memory_space<vmem>>, vector<16xi32>,
    %get3A_1762 = vector.shape_cast %get3A_1761 : vector<16xi32> to vector<16xi32>
    %get3A_1763 = arith.constant 1712 : index
    %get3A_1764 = tpu.vector_load %arg5[%get3A_1763] {strides = array<i32>} : memref<2048xi32, #tpu.memory_space<vmem>>, vector<16xi32>,
    %get3A_1765 = vector.shape_cast %get3A_1764 : vector<16xi32> to vector<16xi32>
    %mul3A_1766 = arith.constant 16 : i32
    %mul3A_1767 = vector.broadcast %mul3A_1766 : i32 to vector<16xi32>
    %mul3A_1768 = arith.muli %get3A_1762, %mul3A_1767 : vector<16xi32>
    %add3A_1769 = arith.addi %mul3A_1768, %get3A_1765 : vector<16xi32>
    %swap3A_1770 = arith.constant 13 : i32
    %swap3A_1771 = arith.index_cast %swap3A_1770 : i32 to index
    %swap3A_1772 = arith.constant 48 : index
    %swap3A_1773 = tpu.vector_load %arg6[%swap3A_1771, %swap3A_1772] {strides = array<i32>} : memref<16x128xi32, #tpu.memory_space<vmem>>, vector<1x16xi32>,
    %swap3A_1774 = vector.shape_cast %swap3A_1773 : vector<1x16xi32> to vector<16xi32>
    %swap3A_1775 = vector.shape_cast %add3A_1769 : vector<16xi32> to vector<1x16xi32>
    tpu.vector_store %arg6[%swap3A_1771, %swap3A_1772], %swap3A_1775 {strides = array<i32>} : memref<16x128xi32, #tpu.memory_space<vmem>>, vector<1x16xi32>,
    %get3A_1776 = arith.constant 1728 : index
    %get3A_1777 = tpu.vector_load %arg4[%get3A_1776] {strides = array<i32>} : memref<2048xi32, #tpu.memory_space<vmem>>, vector<16xi32>,
    %get3A_1778 = vector.shape_cast %get3A_1777 : vector<16xi32> to vector<16xi32>
    %get3A_1779 = arith.constant 1728 : index
    %get3A_1780 = tpu.vector_load %arg5[%get3A_1779] {strides = array<i32>} : memref<2048xi32, #tpu.memory_space<vmem>>, vector<16xi32>,
    %get3A_1781 = vector.shape_cast %get3A_1780 : vector<16xi32> to vector<16xi32>
    %mul3A_1782 = arith.constant 16 : i32
    %mul3A_1783 = vector.broadcast %mul3A_1782 : i32 to vector<16xi32>
    %mul3A_1784 = arith.muli %get3A_1778, %mul3A_1783 : vector<16xi32>
    %add3A_1785 = arith.addi %mul3A_1784, %get3A_1781 : vector<16xi32>
    %swap3A_1786 = arith.constant 13 : i32
    %swap3A_1787 = arith.index_cast %swap3A_1786 : i32 to index
    %swap3A_1788 = arith.constant 64 : index
    %swap3A_1789 = tpu.vector_load %arg6[%swap3A_1787, %swap3A_1788] {strides = array<i32>} : memref<16x128xi32, #tpu.memory_space<vmem>>, vector<1x16xi32>,
    %swap3A_1790 = vector.shape_cast %swap3A_1789 : vector<1x16xi32> to vector<16xi32>
    %swap3A_1791 = vector.shape_cast %add3A_1785 : vector<16xi32> to vector<1x16xi32>
    tpu.vector_store %arg6[%swap3A_1787, %swap3A_1788], %swap3A_1791 {strides = array<i32>} : memref<16x128xi32, #tpu.memory_space<vmem>>, vector<1x16xi32>,
    %get3A_1792 = arith.constant 1744 : index
    %get3A_1793 = tpu.vector_load %arg4[%get3A_1792] {strides = array<i32>} : memref<2048xi32, #tpu.memory_space<vmem>>, vector<16xi32>,
    %get3A_1794 = vector.shape_cast %get3A_1793 : vector<16xi32> to vector<16xi32>
    %get3A_1795 = arith.constant 1744 : index
    %get3A_1796 = tpu.vector_load %arg5[%get3A_1795] {strides = array<i32>} : memref<2048xi32, #tpu.memory_space<vmem>>, vector<16xi32>,
    %get3A_1797 = vector.shape_cast %get3A_1796 : vector<16xi32> to vector<16xi32>
    %mul3A_1798 = arith.constant 16 : i32
    %mul3A_1799 = vector.broadcast %mul3A_1798 : i32 to vector<16xi32>
    %mul3A_1800 = arith.muli %get3A_1794, %mul3A_1799 : vector<16xi32>
    %add3A_1801 = arith.addi %mul3A_1800, %get3A_1797 : vector<16xi32>
    %swap3A_1802 = arith.constant 13 : i32
    %swap3A_1803 = arith.index_cast %swap3A_1802 : i32 to index
    %swap3A_1804 = arith.constant 80 : index
    %swap3A_1805 = tpu.vector_load %arg6[%swap3A_1803, %swap3A_1804] {strides = array<i32>} : memref<16x128xi32, #tpu.memory_space<vmem>>, vector<1x16xi32>,
    %swap3A_1806 = vector.shape_cast %swap3A_1805 : vector<1x16xi32> to vector<16xi32>
    %swap3A_1807 = vector.shape_cast %add3A_1801 : vector<16xi32> to vector<1x16xi32>
    tpu.vector_store %arg6[%swap3A_1803, %swap3A_1804], %swap3A_1807 {strides = array<i32>} : memref<16x128xi32, #tpu.memory_space<vmem>>, vector<1x16xi32>,
    %get3A_1808 = arith.constant 1760 : index
    %get3A_1809 = tpu.vector_load %arg4[%get3A_1808] {strides = array<i32>} : memref<2048xi32, #tpu.memory_space<vmem>>, vector<16xi32>,
    %get3A_1810 = vector.shape_cast %get3A_1809 : vector<16xi32> to vector<16xi32>
    %get3A_1811 = arith.constant 1760 : index
    %get3A_1812 = tpu.vector_load %arg5[%get3A_1811] {strides = array<i32>} : memref<2048xi32, #tpu.memory_space<vmem>>, vector<16xi32>,
    %get3A_1813 = vector.shape_cast %get3A_1812 : vector<16xi32> to vector<16xi32>
    %mul3A_1814 = arith.constant 16 : i32
    %mul3A_1815 = vector.broadcast %mul3A_1814 : i32 to vector<16xi32>
    %mul3A_1816 = arith.muli %get3A_1810, %mul3A_1815 : vector<16xi32>
    %add3A_1817 = arith.addi %mul3A_1816, %get3A_1813 : vector<16xi32>
    %swap3A_1818 = arith.constant 13 : i32
    %swap3A_1819 = arith.index_cast %swap3A_1818 : i32 to index
    %swap3A_1820 = arith.constant 96 : index
    %swap3A_1821 = tpu.vector_load %arg6[%swap3A_1819, %swap3A_1820] {strides = array<i32>} : memref<16x128xi32, #tpu.memory_space<vmem>>, vector<1x16xi32>,
    %swap3A_1822 = vector.shape_cast %swap3A_1821 : vector<1x16xi32> to vector<16xi32>
    %swap3A_1823 = vector.shape_cast %add3A_1817 : vector<16xi32> to vector<1x16xi32>
    tpu.vector_store %arg6[%swap3A_1819, %swap3A_1820], %swap3A_1823 {strides = array<i32>} : memref<16x128xi32, #tpu.memory_space<vmem>>, vector<1x16xi32>,
    %get3A_1824 = arith.constant 1776 : index
    %get3A_1825 = tpu.vector_load %arg4[%get3A_1824] {strides = array<i32>} : memref<2048xi32, #tpu.memory_space<vmem>>, vector<16xi32>,
    %get3A_1826 = vector.shape_cast %get3A_1825 : vector<16xi32> to vector<16xi32>
    %get3A_1827 = arith.constant 1776 : index
    %get3A_1828 = tpu.vector_load %arg5[%get3A_1827] {strides = array<i32>} : memref<2048xi32, #tpu.memory_space<vmem>>, vector<16xi32>,
    %get3A_1829 = vector.shape_cast %get3A_1828 : vector<16xi32> to vector<16xi32>
    %mul3A_1830 = arith.constant 16 : i32
    %mul3A_1831 = vector.broadcast %mul3A_1830 : i32 to vector<16xi32>
    %mul3A_1832 = arith.muli %get3A_1826, %mul3A_1831 : vector<16xi32>
    %add3A_1833 = arith.addi %mul3A_1832, %get3A_1829 : vector<16xi32>
    %swap3A_1834 = arith.constant 13 : i32
    %swap3A_1835 = arith.index_cast %swap3A_1834 : i32 to index
    %swap3A_1836 = arith.constant 112 : index
    %swap3A_1837 = tpu.vector_load %arg6[%swap3A_1835, %swap3A_1836] {strides = array<i32>} : memref<16x128xi32, #tpu.memory_space<vmem>>, vector<1x16xi32>,
    %swap3A_1838 = vector.shape_cast %swap3A_1837 : vector<1x16xi32> to vector<16xi32>
    %swap3A_1839 = vector.shape_cast %add3A_1833 : vector<16xi32> to vector<1x16xi32>
    tpu.vector_store %arg6[%swap3A_1835, %swap3A_1836], %swap3A_1839 {strides = array<i32>} : memref<16x128xi32, #tpu.memory_space<vmem>>, vector<1x16xi32>,
    %get3A_1840 = arith.constant 1792 : index
    %get3A_1841 = tpu.vector_load %arg4[%get3A_1840] {strides = array<i32>} : memref<2048xi32, #tpu.memory_space<vmem>>, vector<16xi32>,
    %get3A_1842 = vector.shape_cast %get3A_1841 : vector<16xi32> to vector<16xi32>
    %get3A_1843 = arith.constant 1792 : index
    %get3A_1844 = tpu.vector_load %arg5[%get3A_1843] {strides = array<i32>} : memref<2048xi32, #tpu.memory_space<vmem>>, vector<16xi32>,
    %get3A_1845 = vector.shape_cast %get3A_1844 : vector<16xi32> to vector<16xi32>
    %mul3A_1846 = arith.constant 16 : i32
    %mul3A_1847 = vector.broadcast %mul3A_1846 : i32 to vector<16xi32>
    %mul3A_1848 = arith.muli %get3A_1842, %mul3A_1847 : vector<16xi32>
    %add3A_1849 = arith.addi %mul3A_1848, %get3A_1845 : vector<16xi32>
    %swap3A_1850 = arith.constant 14 : i32
    %swap3A_1851 = arith.index_cast %swap3A_1850 : i32 to index
    %swap3A_1852 = arith.constant 0 : index
    %swap3A_1853 = tpu.vector_load %arg6[%swap3A_1851, %swap3A_1852] {strides = array<i32>} : memref<16x128xi32, #tpu.memory_space<vmem>>, vector<1x16xi32>,
    %swap3A_1854 = vector.shape_cast %swap3A_1853 : vector<1x16xi32> to vector<16xi32>
    %swap3A_1855 = vector.shape_cast %add3A_1849 : vector<16xi32> to vector<1x16xi32>
    tpu.vector_store %arg6[%swap3A_1851, %swap3A_1852], %swap3A_1855 {strides = array<i32>} : memref<16x128xi32, #tpu.memory_space<vmem>>, vector<1x16xi32>,
    %get3A_1856 = arith.constant 1808 : index
    %get3A_1857 = tpu.vector_load %arg4[%get3A_1856] {strides = array<i32>} : memref<2048xi32, #tpu.memory_space<vmem>>, vector<16xi32>,
    %get3A_1858 = vector.shape_cast %get3A_1857 : vector<16xi32> to vector<16xi32>
    %get3A_1859 = arith.constant 1808 : index
    %get3A_1860 = tpu.vector_load %arg5[%get3A_1859] {strides = array<i32>} : memref<2048xi32, #tpu.memory_space<vmem>>, vector<16xi32>,
    %get3A_1861 = vector.shape_cast %get3A_1860 : vector<16xi32> to vector<16xi32>
    %mul3A_1862 = arith.constant 16 : i32
    %mul3A_1863 = vector.broadcast %mul3A_1862 : i32 to vector<16xi32>
    %mul3A_1864 = arith.muli %get3A_1858, %mul3A_1863 : vector<16xi32>
    %add3A_1865 = arith.addi %mul3A_1864, %get3A_1861 : vector<16xi32>
    %swap3A_1866 = arith.constant 14 : i32
    %swap3A_1867 = arith.index_cast %swap3A_1866 : i32 to index
    %swap3A_1868 = arith.constant 16 : index
    %swap3A_1869 = tpu.vector_load %arg6[%swap3A_1867, %swap3A_1868] {strides = array<i32>} : memref<16x128xi32, #tpu.memory_space<vmem>>, vector<1x16xi32>,
    %swap3A_1870 = vector.shape_cast %swap3A_1869 : vector<1x16xi32> to vector<16xi32>
    %swap3A_1871 = vector.shape_cast %add3A_1865 : vector<16xi32> to vector<1x16xi32>
    tpu.vector_store %arg6[%swap3A_1867, %swap3A_1868], %swap3A_1871 {strides = array<i32>} : memref<16x128xi32, #tpu.memory_space<vmem>>, vector<1x16xi32>,
    %get3A_1872 = arith.constant 1824 : index
    %get3A_1873 = tpu.vector_load %arg4[%get3A_1872] {strides = array<i32>} : memref<2048xi32, #tpu.memory_space<vmem>>, vector<16xi32>,
    %get3A_1874 = vector.shape_cast %get3A_1873 : vector<16xi32> to vector<16xi32>
    %get3A_1875 = arith.constant 1824 : index
    %get3A_1876 = tpu.vector_load %arg5[%get3A_1875] {strides = array<i32>} : memref<2048xi32, #tpu.memory_space<vmem>>, vector<16xi32>,
    %get3A_1877 = vector.shape_cast %get3A_1876 : vector<16xi32> to vector<16xi32>
    %mul3A_1878 = arith.constant 16 : i32
    %mul3A_1879 = vector.broadcast %mul3A_1878 : i32 to vector<16xi32>
    %mul3A_1880 = arith.muli %get3A_1874, %mul3A_1879 : vector<16xi32>
    %add3A_1881 = arith.addi %mul3A_1880, %get3A_1877 : vector<16xi32>
    %swap3A_1882 = arith.constant 14 : i32
    %swap3A_1883 = arith.index_cast %swap3A_1882 : i32 to index
    %swap3A_1884 = arith.constant 32 : index
    %swap3A_1885 = tpu.vector_load %arg6[%swap3A_1883, %swap3A_1884] {strides = array<i32>} : memref<16x128xi32, #tpu.memory_space<vmem>>, vector<1x16xi32>,
    %swap3A_1886 = vector.shape_cast %swap3A_1885 : vector<1x16xi32> to vector<16xi32>
    %swap3A_1887 = vector.shape_cast %add3A_1881 : vector<16xi32> to vector<1x16xi32>
    tpu.vector_store %arg6[%swap3A_1883, %swap3A_1884], %swap3A_1887 {strides = array<i32>} : memref<16x128xi32, #tpu.memory_space<vmem>>, vector<1x16xi32>,
    %get3A_1888 = arith.constant 1840 : index
    %get3A_1889 = tpu.vector_load %arg4[%get3A_1888] {strides = array<i32>} : memref<2048xi32, #tpu.memory_space<vmem>>, vector<16xi32>,
    %get3A_1890 = vector.shape_cast %get3A_1889 : vector<16xi32> to vector<16xi32>
    %get3A_1891 = arith.constant 1840 : index
    %get3A_1892 = tpu.vector_load %arg5[%get3A_1891] {strides = array<i32>} : memref<2048xi32, #tpu.memory_space<vmem>>, vector<16xi32>,
    %get3A_1893 = vector.shape_cast %get3A_1892 : vector<16xi32> to vector<16xi32>
    %mul3A_1894 = arith.constant 16 : i32
    %mul3A_1895 = vector.broadcast %mul3A_1894 : i32 to vector<16xi32>
    %mul3A_1896 = arith.muli %get3A_1890, %mul3A_1895 : vector<16xi32>
    %add3A_1897 = arith.addi %mul3A_1896, %get3A_1893 : vector<16xi32>
    %swap3A_1898 = arith.constant 14 : i32
    %swap3A_1899 = arith.index_cast %swap3A_1898 : i32 to index
    %swap3A_1900 = arith.constant 48 : index
    %swap3A_1901 = tpu.vector_load %arg6[%swap3A_1899, %swap3A_1900] {strides = array<i32>} : memref<16x128xi32, #tpu.memory_space<vmem>>, vector<1x16xi32>,
    %swap3A_1902 = vector.shape_cast %swap3A_1901 : vector<1x16xi32> to vector<16xi32>
    %swap3A_1903 = vector.shape_cast %add3A_1897 : vector<16xi32> to vector<1x16xi32>
    tpu.vector_store %arg6[%swap3A_1899, %swap3A_1900], %swap3A_1903 {strides = array<i32>} : memref<16x128xi32, #tpu.memory_space<vmem>>, vector<1x16xi32>,
    %get3A_1904 = arith.constant 1856 : index
    %get3A_1905 = tpu.vector_load %arg4[%get3A_1904] {strides = array<i32>} : memref<2048xi32, #tpu.memory_space<vmem>>, vector<16xi32>,
    %get3A_1906 = vector.shape_cast %get3A_1905 : vector<16xi32> to vector<16xi32>
    %get3A_1907 = arith.constant 1856 : index
    %get3A_1908 = tpu.vector_load %arg5[%get3A_1907] {strides = array<i32>} : memref<2048xi32, #tpu.memory_space<vmem>>, vector<16xi32>,
    %get3A_1909 = vector.shape_cast %get3A_1908 : vector<16xi32> to vector<16xi32>
    %mul3A_1910 = arith.constant 16 : i32
    %mul3A_1911 = vector.broadcast %mul3A_1910 : i32 to vector<16xi32>
    %mul3A_1912 = arith.muli %get3A_1906, %mul3A_1911 : vector<16xi32>
    %add3A_1913 = arith.addi %mul3A_1912, %get3A_1909 : vector<16xi32>
    %swap3A_1914 = arith.constant 14 : i32
    %swap3A_1915 = arith.index_cast %swap3A_1914 : i32 to index
    %swap3A_1916 = arith.constant 64 : index
    %swap3A_1917 = tpu.vector_load %arg6[%swap3A_1915, %swap3A_1916] {strides = array<i32>} : memref<16x128xi32, #tpu.memory_space<vmem>>, vector<1x16xi32>,
    %swap3A_1918 = vector.shape_cast %swap3A_1917 : vector<1x16xi32> to vector<16xi32>
    %swap3A_1919 = vector.shape_cast %add3A_1913 : vector<16xi32> to vector<1x16xi32>
    tpu.vector_store %arg6[%swap3A_1915, %swap3A_1916], %swap3A_1919 {strides = array<i32>} : memref<16x128xi32, #tpu.memory_space<vmem>>, vector<1x16xi32>,
    %get3A_1920 = arith.constant 1872 : index
    %get3A_1921 = tpu.vector_load %arg4[%get3A_1920] {strides = array<i32>} : memref<2048xi32, #tpu.memory_space<vmem>>, vector<16xi32>,
    %get3A_1922 = vector.shape_cast %get3A_1921 : vector<16xi32> to vector<16xi32>
    %get3A_1923 = arith.constant 1872 : index
    %get3A_1924 = tpu.vector_load %arg5[%get3A_1923] {strides = array<i32>} : memref<2048xi32, #tpu.memory_space<vmem>>, vector<16xi32>,
    %get3A_1925 = vector.shape_cast %get3A_1924 : vector<16xi32> to vector<16xi32>
    %mul3A_1926 = arith.constant 16 : i32
    %mul3A_1927 = vector.broadcast %mul3A_1926 : i32 to vector<16xi32>
    %mul3A_1928 = arith.muli %get3A_1922, %mul3A_1927 : vector<16xi32>
    %add3A_1929 = arith.addi %mul3A_1928, %get3A_1925 : vector<16xi32>
    %swap3A_1930 = arith.constant 14 : i32
    %swap3A_1931 = arith.index_cast %swap3A_1930 : i32 to index
    %swap3A_1932 = arith.constant 80 : index
    %swap3A_1933 = tpu.vector_load %arg6[%swap3A_1931, %swap3A_1932] {strides = array<i32>} : memref<16x128xi32, #tpu.memory_space<vmem>>, vector<1x16xi32>,
    %swap3A_1934 = vector.shape_cast %swap3A_1933 : vector<1x16xi32> to vector<16xi32>
    %swap3A_1935 = vector.shape_cast %add3A_1929 : vector<16xi32> to vector<1x16xi32>
    tpu.vector_store %arg6[%swap3A_1931, %swap3A_1932], %swap3A_1935 {strides = array<i32>} : memref<16x128xi32, #tpu.memory_space<vmem>>, vector<1x16xi32>,
    %get3A_1936 = arith.constant 1888 : index
    %get3A_1937 = tpu.vector_load %arg4[%get3A_1936] {strides = array<i32>} : memref<2048xi32, #tpu.memory_space<vmem>>, vector<16xi32>,
    %get3A_1938 = vector.shape_cast %get3A_1937 : vector<16xi32> to vector<16xi32>
    %get3A_1939 = arith.constant 1888 : index
    %get3A_1940 = tpu.vector_load %arg5[%get3A_1939] {strides = array<i32>} : memref<2048xi32, #tpu.memory_space<vmem>>, vector<16xi32>,
    %get3A_1941 = vector.shape_cast %get3A_1940 : vector<16xi32> to vector<16xi32>
    %mul3A_1942 = arith.constant 16 : i32
    %mul3A_1943 = vector.broadcast %mul3A_1942 : i32 to vector<16xi32>
    %mul3A_1944 = arith.muli %get3A_1938, %mul3A_1943 : vector<16xi32>
    %add3A_1945 = arith.addi %mul3A_1944, %get3A_1941 : vector<16xi32>
    %swap3A_1946 = arith.constant 14 : i32
    %swap3A_1947 = arith.index_cast %swap3A_1946 : i32 to index
    %swap3A_1948 = arith.constant 96 : index
    %swap3A_1949 = tpu.vector_load %arg6[%swap3A_1947, %swap3A_1948] {strides = array<i32>} : memref<16x128xi32, #tpu.memory_space<vmem>>, vector<1x16xi32>,
    %swap3A_1950 = vector.shape_cast %swap3A_1949 : vector<1x16xi32> to vector<16xi32>
    %swap3A_1951 = vector.shape_cast %add3A_1945 : vector<16xi32> to vector<1x16xi32>
    tpu.vector_store %arg6[%swap3A_1947, %swap3A_1948], %swap3A_1951 {strides = array<i32>} : memref<16x128xi32, #tpu.memory_space<vmem>>, vector<1x16xi32>,
    %get3A_1952 = arith.constant 1904 : index
    %get3A_1953 = tpu.vector_load %arg4[%get3A_1952] {strides = array<i32>} : memref<2048xi32, #tpu.memory_space<vmem>>, vector<16xi32>,
    %get3A_1954 = vector.shape_cast %get3A_1953 : vector<16xi32> to vector<16xi32>
    %get3A_1955 = arith.constant 1904 : index
    %get3A_1956 = tpu.vector_load %arg5[%get3A_1955] {strides = array<i32>} : memref<2048xi32, #tpu.memory_space<vmem>>, vector<16xi32>,
    %get3A_1957 = vector.shape_cast %get3A_1956 : vector<16xi32> to vector<16xi32>
    %mul3A_1958 = arith.constant 16 : i32
    %mul3A_1959 = vector.broadcast %mul3A_1958 : i32 to vector<16xi32>
    %mul3A_1960 = arith.muli %get3A_1954, %mul3A_1959 : vector<16xi32>
    %add3A_1961 = arith.addi %mul3A_1960, %get3A_1957 : vector<16xi32>
    %swap3A_1962 = arith.constant 14 : i32
    %swap3A_1963 = arith.index_cast %swap3A_1962 : i32 to index
    %swap3A_1964 = arith.constant 112 : index
    %swap3A_1965 = tpu.vector_load %arg6[%swap3A_1963, %swap3A_1964] {strides = array<i32>} : memref<16x128xi32, #tpu.memory_space<vmem>>, vector<1x16xi32>,
    %swap3A_1966 = vector.shape_cast %swap3A_1965 : vector<1x16xi32> to vector<16xi32>
    %swap3A_1967 = vector.shape_cast %add3A_1961 : vector<16xi32> to vector<1x16xi32>
    tpu.vector_store %arg6[%swap3A_1963, %swap3A_1964], %swap3A_1967 {strides = array<i32>} : memref<16x128xi32, #tpu.memory_space<vmem>>, vector<1x16xi32>,
    %get3A_1968 = arith.constant 1920 : index
    %get3A_1969 = tpu.vector_load %arg4[%get3A_1968] {strides = array<i32>} : memref<2048xi32, #tpu.memory_space<vmem>>, vector<16xi32>,
    %get3A_1970 = vector.shape_cast %get3A_1969 : vector<16xi32> to vector<16xi32>
    %get3A_1971 = arith.constant 1920 : index
    %get3A_1972 = tpu.vector_load %arg5[%get3A_1971] {strides = array<i32>} : memref<2048xi32, #tpu.memory_space<vmem>>, vector<16xi32>,
    %get3A_1973 = vector.shape_cast %get3A_1972 : vector<16xi32> to vector<16xi32>
    %mul3A_1974 = arith.constant 16 : i32
    %mul3A_1975 = vector.broadcast %mul3A_1974 : i32 to vector<16xi32>
    %mul3A_1976 = arith.muli %get3A_1970, %mul3A_1975 : vector<16xi32>
    %add3A_1977 = arith.addi %mul3A_1976, %get3A_1973 : vector<16xi32>
    %swap3A_1978 = arith.constant 15 : i32
    %swap3A_1979 = arith.index_cast %swap3A_1978 : i32 to index
    %swap3A_1980 = arith.constant 0 : index
    %swap3A_1981 = tpu.vector_load %arg6[%swap3A_1979, %swap3A_1980] {strides = array<i32>} : memref<16x128xi32, #tpu.memory_space<vmem>>, vector<1x16xi32>,
    %swap3A_1982 = vector.shape_cast %swap3A_1981 : vector<1x16xi32> to vector<16xi32>
    %swap3A_1983 = vector.shape_cast %add3A_1977 : vector<16xi32> to vector<1x16xi32>
    tpu.vector_store %arg6[%swap3A_1979, %swap3A_1980], %swap3A_1983 {strides = array<i32>} : memref<16x128xi32, #tpu.memory_space<vmem>>, vector<1x16xi32>,
    %get3A_1984 = arith.constant 1936 : index
    %get3A_1985 = tpu.vector_load %arg4[%get3A_1984] {strides = array<i32>} : memref<2048xi32, #tpu.memory_space<vmem>>, vector<16xi32>,
    %get3A_1986 = vector.shape_cast %get3A_1985 : vector<16xi32> to vector<16xi32>
    %get3A_1987 = arith.constant 1936 : index
    %get3A_1988 = tpu.vector_load %arg5[%get3A_1987] {strides = array<i32>} : memref<2048xi32, #tpu.memory_space<vmem>>, vector<16xi32>,
    %get3A_1989 = vector.shape_cast %get3A_1988 : vector<16xi32> to vector<16xi32>
    %mul3A_1990 = arith.constant 16 : i32
    %mul3A_1991 = vector.broadcast %mul3A_1990 : i32 to vector<16xi32>
    %mul3A_1992 = arith.muli %get3A_1986, %mul3A_1991 : vector<16xi32>
    %add3A_1993 = arith.addi %mul3A_1992, %get3A_1989 : vector<16xi32>
    %swap3A_1994 = arith.constant 15 : i32
    %swap3A_1995 = arith.index_cast %swap3A_1994 : i32 to index
    %swap3A_1996 = arith.constant 16 : index
    %swap3A_1997 = tpu.vector_load %arg6[%swap3A_1995, %swap3A_1996] {strides = array<i32>} : memref<16x128xi32, #tpu.memory_space<vmem>>, vector<1x16xi32>,
    %swap3A_1998 = vector.shape_cast %swap3A_1997 : vector<1x16xi32> to vector<16xi32>
    %swap3A_1999 = vector.shape_cast %add3A_1993 : vector<16xi32> to vector<1x16xi32>
    tpu.vector_store %arg6[%swap3A_1995, %swap3A_1996], %swap3A_1999 {strides = array<i32>} : memref<16x128xi32, #tpu.memory_space<vmem>>, vector<1x16xi32>,
    %get3A_2000 = arith.constant 1952 : index
    %get3A_2001 = tpu.vector_load %arg4[%get3A_2000] {strides = array<i32>} : memref<2048xi32, #tpu.memory_space<vmem>>, vector<16xi32>,
    %get3A_2002 = vector.shape_cast %get3A_2001 : vector<16xi32> to vector<16xi32>
    %get3A_2003 = arith.constant 1952 : index
    %get3A_2004 = tpu.vector_load %arg5[%get3A_2003] {strides = array<i32>} : memref<2048xi32, #tpu.memory_space<vmem>>, vector<16xi32>,
    %get3A_2005 = vector.shape_cast %get3A_2004 : vector<16xi32> to vector<16xi32>
    %mul3A_2006 = arith.constant 16 : i32
    %mul3A_2007 = vector.broadcast %mul3A_2006 : i32 to vector<16xi32>
    %mul3A_2008 = arith.muli %get3A_2002, %mul3A_2007 : vector<16xi32>
    %add3A_2009 = arith.addi %mul3A_2008, %get3A_2005 : vector<16xi32>
    %swap3A_2010 = arith.constant 15 : i32
    %swap3A_2011 = arith.index_cast %swap3A_2010 : i32 to index
    %swap3A_2012 = arith.constant 32 : index
    %swap3A_2013 = tpu.vector_load %arg6[%swap3A_2011, %swap3A_2012] {strides = array<i32>} : memref<16x128xi32, #tpu.memory_space<vmem>>, vector<1x16xi32>,
    %swap3A_2014 = vector.shape_cast %swap3A_2013 : vector<1x16xi32> to vector<16xi32>
    %swap3A_2015 = vector.shape_cast %add3A_2009 : vector<16xi32> to vector<1x16xi32>
    tpu.vector_store %arg6[%swap3A_2011, %swap3A_2012], %swap3A_2015 {strides = array<i32>} : memref<16x128xi32, #tpu.memory_space<vmem>>, vector<1x16xi32>,
    %get3A_2016 = arith.constant 1968 : index
    %get3A_2017 = tpu.vector_load %arg4[%get3A_2016] {strides = array<i32>} : memref<2048xi32, #tpu.memory_space<vmem>>, vector<16xi32>,
    %get3A_2018 = vector.shape_cast %get3A_2017 : vector<16xi32> to vector<16xi32>
    %get3A_2019 = arith.constant 1968 : index
    %get3A_2020 = tpu.vector_load %arg5[%get3A_2019] {strides = array<i32>} : memref<2048xi32, #tpu.memory_space<vmem>>, vector<16xi32>,
    %get3A_2021 = vector.shape_cast %get3A_2020 : vector<16xi32> to vector<16xi32>
    %mul3A_2022 = arith.constant 16 : i32
    %mul3A_2023 = vector.broadcast %mul3A_2022 : i32 to vector<16xi32>
    %mul3A_2024 = arith.muli %get3A_2018, %mul3A_2023 : vector<16xi32>
    %add3A_2025 = arith.addi %mul3A_2024, %get3A_2021 : vector<16xi32>
    %swap3A_2026 = arith.constant 15 : i32
    %swap3A_2027 = arith.index_cast %swap3A_2026 : i32 to index
    %swap3A_2028 = arith.constant 48 : index
    %swap3A_2029 = tpu.vector_load %arg6[%swap3A_2027, %swap3A_2028] {strides = array<i32>} : memref<16x128xi32, #tpu.memory_space<vmem>>, vector<1x16xi32>,
    %swap3A_2030 = vector.shape_cast %swap3A_2029 : vector<1x16xi32> to vector<16xi32>
    %swap3A_2031 = vector.shape_cast %add3A_2025 : vector<16xi32> to vector<1x16xi32>
    tpu.vector_store %arg6[%swap3A_2027, %swap3A_2028], %swap3A_2031 {strides = array<i32>} : memref<16x128xi32, #tpu.memory_space<vmem>>, vector<1x16xi32>,
    %get3A_2032 = arith.constant 1984 : index
    %get3A_2033 = tpu.vector_load %arg4[%get3A_2032] {strides = array<i32>} : memref<2048xi32, #tpu.memory_space<vmem>>, vector<16xi32>,
    %get3A_2034 = vector.shape_cast %get3A_2033 : vector<16xi32> to vector<16xi32>
    %get3A_2035 = arith.constant 1984 : index
    %get3A_2036 = tpu.vector_load %arg5[%get3A_2035] {strides = array<i32>} : memref<2048xi32, #tpu.memory_space<vmem>>, vector<16xi32>,
    %get3A_2037 = vector.shape_cast %get3A_2036 : vector<16xi32> to vector<16xi32>
    %mul3A_2038 = arith.constant 16 : i32
    %mul3A_2039 = vector.broadcast %mul3A_2038 : i32 to vector<16xi32>
    %mul3A_2040 = arith.muli %get3A_2034, %mul3A_2039 : vector<16xi32>
    %add3A_2041 = arith.addi %mul3A_2040, %get3A_2037 : vector<16xi32>
    %swap3A_2042 = arith.constant 15 : i32
    %swap3A_2043 = arith.index_cast %swap3A_2042 : i32 to index
    %swap3A_2044 = arith.constant 64 : index
    %swap3A_2045 = tpu.vector_load %arg6[%swap3A_2043, %swap3A_2044] {strides = array<i32>} : memref<16x128xi32, #tpu.memory_space<vmem>>, vector<1x16xi32>,
    %swap3A_2046 = vector.shape_cast %swap3A_2045 : vector<1x16xi32> to vector<16xi32>
    %swap3A_2047 = vector.shape_cast %add3A_2041 : vector<16xi32> to vector<1x16xi32>
    tpu.vector_store %arg6[%swap3A_2043, %swap3A_2044], %swap3A_2047 {strides = array<i32>} : memref<16x128xi32, #tpu.memory_space<vmem>>, vector<1x16xi32>,
    %get3A_2048 = arith.constant 2000 : index
    %get3A_2049 = tpu.vector_load %arg4[%get3A_2048] {strides = array<i32>} : memref<2048xi32, #tpu.memory_space<vmem>>, vector<16xi32>,
    %get3A_2050 = vector.shape_cast %get3A_2049 : vector<16xi32> to vector<16xi32>
    %get3A_2051 = arith.constant 2000 : index
    %get3A_2052 = tpu.vector_load %arg5[%get3A_2051] {strides = array<i32>} : memref<2048xi32, #tpu.memory_space<vmem>>, vector<16xi32>,
    %get3A_2053 = vector.shape_cast %get3A_2052 : vector<16xi32> to vector<16xi32>
    %mul3A_2054 = arith.constant 16 : i32
    %mul3A_2055 = vector.broadcast %mul3A_2054 : i32 to vector<16xi32>
    %mul3A_2056 = arith.muli %get3A_2050, %mul3A_2055 : vector<16xi32>
    %add3A_2057 = arith.addi %mul3A_2056, %get3A_2053 : vector<16xi32>
    %swap3A_2058 = arith.constant 15 : i32
    %swap3A_2059 = arith.index_cast %swap3A_2058 : i32 to index
    %swap3A_2060 = arith.constant 80 : index
    %swap3A_2061 = tpu.vector_load %arg6[%swap3A_2059, %swap3A_2060] {strides = array<i32>} : memref<16x128xi32, #tpu.memory_space<vmem>>, vector<1x16xi32>,
    %swap3A_2062 = vector.shape_cast %swap3A_2061 : vector<1x16xi32> to vector<16xi32>
    %swap3A_2063 = vector.shape_cast %add3A_2057 : vector<16xi32> to vector<1x16xi32>
    tpu.vector_store %arg6[%swap3A_2059, %swap3A_2060], %swap3A_2063 {strides = array<i32>} : memref<16x128xi32, #tpu.memory_space<vmem>>, vector<1x16xi32>,
    %get3A_2064 = arith.constant 2016 : index
    %get3A_2065 = tpu.vector_load %arg4[%get3A_2064] {strides = array<i32>} : memref<2048xi32, #tpu.memory_space<vmem>>, vector<16xi32>,
    %get3A_2066 = vector.shape_cast %get3A_2065 : vector<16xi32> to vector<16xi32>
    %get3A_2067 = arith.constant 2016 : index
    %get3A_2068 = tpu.vector_load %arg5[%get3A_2067] {strides = array<i32>} : memref<2048xi32, #tpu.memory_space<vmem>>, vector<16xi32>,
    %get3A_2069 = vector.shape_cast %get3A_2068 : vector<16xi32> to vector<16xi32>
    %mul3A_2070 = arith.constant 16 : i32
    %mul3A_2071 = vector.broadcast %mul3A_2070 : i32 to vector<16xi32>
    %mul3A_2072 = arith.muli %get3A_2066, %mul3A_2071 : vector<16xi32>
    %add3A_2073 = arith.addi %mul3A_2072, %get3A_2069 : vector<16xi32>
    %swap3A_2074 = arith.constant 15 : i32
    %swap3A_2075 = arith.index_cast %swap3A_2074 : i32 to index
    %swap3A_2076 = arith.constant 96 : index
    %swap3A_2077 = tpu.vector_load %arg6[%swap3A_2075, %swap3A_2076] {strides = array<i32>} : memref<16x128xi32, #tpu.memory_space<vmem>>, vector<1x16xi32>,
    %swap3A_2078 = vector.shape_cast %swap3A_2077 : vector<1x16xi32> to vector<16xi32>
    %swap3A_2079 = vector.shape_cast %add3A_2073 : vector<16xi32> to vector<1x16xi32>
    tpu.vector_store %arg6[%swap3A_2075, %swap3A_2076], %swap3A_2079 {strides = array<i32>} : memref<16x128xi32, #tpu.memory_space<vmem>>, vector<1x16xi32>,
    %get3A_2080 = arith.constant 2032 : index
    %get3A_2081 = tpu.vector_load %arg4[%get3A_2080] {strides = array<i32>} : memref<2048xi32, #tpu.memory_space<vmem>>, vector<16xi32>,
    %get3A_2082 = vector.shape_cast %get3A_2081 : vector<16xi32> to vector<16xi32>
    %get3A_2083 = arith.constant 2032 : index
    %get3A_2084 = tpu.vector_load %arg5[%get3A_2083] {strides = array<i32>} : memref<2048xi32, #tpu.memory_space<vmem>>, vector<16xi32>,
    %get3A_2085 = vector.shape_cast %get3A_2084 : vector<16xi32> to vector<16xi32>
    %mul3A_2086 = arith.constant 16 : i32
    %mul3A_2087 = vector.broadcast %mul3A_2086 : i32 to vector<16xi32>
    %mul3A_2088 = arith.muli %get3A_2082, %mul3A_2087 : vector<16xi32>
    %add3A_2089 = arith.addi %mul3A_2088, %get3A_2085 : vector<16xi32>
    %swap3A_2090 = arith.constant 15 : i32
    %swap3A_2091 = arith.index_cast %swap3A_2090 : i32 to index
    %swap3A_2092 = arith.constant 112 : index
    %swap3A_2093 = tpu.vector_load %arg6[%swap3A_2091, %swap3A_2092] {strides = array<i32>} : memref<16x128xi32, #tpu.memory_space<vmem>>, vector<1x16xi32>,
    %swap3A_2094 = vector.shape_cast %swap3A_2093 : vector<1x16xi32> to vector<16xi32>
    %swap3A_2095 = vector.shape_cast %add3A_2089 : vector<16xi32> to vector<1x16xi32>
    tpu.vector_store %arg6[%swap3A_2091, %swap3A_2092], %swap3A_2095 {strides = array<i32>} : memref<16x128xi32, #tpu.memory_space<vmem>>, vector<1x16xi32>,
    %eq3A_2096 = arith.constant 0 : i32
    %eq3A_2097 = arith.cmpi eq, %arg1, %eq3A_2096 : i32
    %convert_element_type3A_2098 = arith.extui %eq3A_2097 : i1 to i32
    %cond3A_2099 = arith.constant 0 : i32
    %cond3A_2100 = arith.cmpi ne, %convert_element_type3A_2098, %cond3A_2099 : i32
    scf.if %cond3A_2100 {
      "tpu.region"() ({
        %run_scoped3A_2123 = tpu.sem_alloc : memref<!tpu.dma_semaphore, #tpu.memory_space<semaphore_mem>>
        tpu.enqueue_dma source(%arg8 : memref<256xf32, #tpu.memory_space<vmem>>) target(%arg9 : memref<256xf32, #tpu.memory_space<vmem_shared>>) target_semaphore(%run_scoped3A_2123 : memref<!tpu.dma_semaphore, #tpu.memory_space<semaphore_mem>>)
        tpu.wait_dma2 semaphore(%run_scoped3A_2123 : memref<!tpu.dma_semaphore, #tpu.memory_space<semaphore_mem>>) src(%arg8 : memref<256xf32, #tpu.memory_space<vmem>>) dst(%arg9 : memref<256xf32, #tpu.memory_space<vmem_shared>>)
        tpu.yield
      }) : () -> ()
    } else {
    }
    %barrier3A = arith.constant 0 : index
    tpu.barrier barrier_id(%barrier3A)
    %run_scoped3A_2101 = arith.constant 0 : i32
    "tpu.region"() ({
      %run_scoped3A_2123 = tpu.sem_alloc : memref<!tpu.dma_semaphore, #tpu.memory_space<semaphore_mem>>
      %dma_start3A = arith.constant 0 : i32
      %dma_start3A_2124 = tpu.memref_slice %arg6[%run_scoped3A_2101, %dma_start3A] : memref<16x128xi32, #tpu.memory_space<vmem>> -> memref<1x128xi32, #tpu.memory_space<vmem>>
      %dma_start3A_2125 = tpu.memref_squeeze %dma_start3A_2124 : memref<1x128xi32, #tpu.memory_space<vmem>> -> memref<128xi32, #tpu.memory_space<vmem>>
      %dma_start3A_2126 = arith.constant 0 : i32
      %dma_start3A_2127 = tpu.memref_slice %arg9[%dma_start3A_2126] : memref<256xf32, #tpu.memory_space<vmem_shared>> -> memref<256xf32, #tpu.memory_space<vmem_shared>>
      tpu.enqueue_indirect_dma source(%arg7 : memref<128xf32, #tpu.memory_space<vmem>>) target(%dma_start3A_2127 : memref<256xf32, #tpu.memory_space<vmem_shared>>) offsets(%dma_start3A_2125 : memref<128xi32, #tpu.memory_space<vmem>>) semaphore(%run_scoped3A_2123 : memref<!tpu.dma_semaphore, #tpu.memory_space<semaphore_mem>>)
      %dma_wait3A = arith.constant 0 : i32
      %dma_wait3A_2128 = tpu.memref_slice %arg6[%run_scoped3A_2101, %dma_wait3A] : memref<16x128xi32, #tpu.memory_space<vmem>> -> memref<1x128xi32, #tpu.memory_space<vmem>>
      %dma_wait3A_2129 = tpu.memref_squeeze %dma_wait3A_2128 : memref<1x128xi32, #tpu.memory_space<vmem>> -> memref<128xi32, #tpu.memory_space<vmem>>
      %dma_wait3A_2130 = arith.constant 0 : i32
      %dma_wait3A_2131 = tpu.memref_slice %arg9[%dma_wait3A_2130] : memref<256xf32, #tpu.memory_space<vmem_shared>> -> memref<256xf32, #tpu.memory_space<vmem_shared>>
      tpu.wait_indirect_dma semaphore(%run_scoped3A_2123 : memref<!tpu.dma_semaphore, #tpu.memory_space<semaphore_mem>>) src(%arg7 : memref<128xf32, #tpu.memory_space<vmem>>) dst(%dma_wait3A_2131 : memref<256xf32, #tpu.memory_space<vmem_shared>>)
      tpu.yield
    }) : () -> ()
    %run_scoped3A_2102 = arith.constant 1 : i32
    "tpu.region"() ({
      %run_scoped3A_2123 = tpu.sem_alloc : memref<!tpu.dma_semaphore, #tpu.memory_space<semaphore_mem>>
      %dma_start3A = arith.constant 0 : i32
      %dma_start3A_2124 = tpu.memref_slice %arg6[%run_scoped3A_2102, %dma_start3A] : memref<16x128xi32, #tpu.memory_space<vmem>> -> memref<1x128xi32, #tpu.memory_space<vmem>>
      %dma_start3A_2125 = tpu.memref_squeeze %dma_start3A_2124 : memref<1x128xi32, #tpu.memory_space<vmem>> -> memref<128xi32, #tpu.memory_space<vmem>>
      %dma_start3A_2126 = arith.constant 0 : i32
      %dma_start3A_2127 = tpu.memref_slice %arg9[%dma_start3A_2126] : memref<256xf32, #tpu.memory_space<vmem_shared>> -> memref<256xf32, #tpu.memory_space<vmem_shared>>
      tpu.enqueue_indirect_dma source(%arg7 : memref<128xf32, #tpu.memory_space<vmem>>) target(%dma_start3A_2127 : memref<256xf32, #tpu.memory_space<vmem_shared>>) offsets(%dma_start3A_2125 : memref<128xi32, #tpu.memory_space<vmem>>) semaphore(%run_scoped3A_2123 : memref<!tpu.dma_semaphore, #tpu.memory_space<semaphore_mem>>)
      %dma_wait3A = arith.constant 0 : i32
      %dma_wait3A_2128 = tpu.memref_slice %arg6[%run_scoped3A_2102, %dma_wait3A] : memref<16x128xi32, #tpu.memory_space<vmem>> -> memref<1x128xi32, #tpu.memory_space<vmem>>
      %dma_wait3A_2129 = tpu.memref_squeeze %dma_wait3A_2128 : memref<1x128xi32, #tpu.memory_space<vmem>> -> memref<128xi32, #tpu.memory_space<vmem>>
      %dma_wait3A_2130 = arith.constant 0 : i32
      %dma_wait3A_2131 = tpu.memref_slice %arg9[%dma_wait3A_2130] : memref<256xf32, #tpu.memory_space<vmem_shared>> -> memref<256xf32, #tpu.memory_space<vmem_shared>>
      tpu.wait_indirect_dma semaphore(%run_scoped3A_2123 : memref<!tpu.dma_semaphore, #tpu.memory_space<semaphore_mem>>) src(%arg7 : memref<128xf32, #tpu.memory_space<vmem>>) dst(%dma_wait3A_2131 : memref<256xf32, #tpu.memory_space<vmem_shared>>)
      tpu.yield
    }) : () -> ()
    %run_scoped3A_2103 = arith.constant 2 : i32
    "tpu.region"() ({
      %run_scoped3A_2123 = tpu.sem_alloc : memref<!tpu.dma_semaphore, #tpu.memory_space<semaphore_mem>>
      %dma_start3A = arith.constant 0 : i32
      %dma_start3A_2124 = tpu.memref_slice %arg6[%run_scoped3A_2103, %dma_start3A] : memref<16x128xi32, #tpu.memory_space<vmem>> -> memref<1x128xi32, #tpu.memory_space<vmem>>
      %dma_start3A_2125 = tpu.memref_squeeze %dma_start3A_2124 : memref<1x128xi32, #tpu.memory_space<vmem>> -> memref<128xi32, #tpu.memory_space<vmem>>
      %dma_start3A_2126 = arith.constant 0 : i32
      %dma_start3A_2127 = tpu.memref_slice %arg9[%dma_start3A_2126] : memref<256xf32, #tpu.memory_space<vmem_shared>> -> memref<256xf32, #tpu.memory_space<vmem_shared>>
      tpu.enqueue_indirect_dma source(%arg7 : memref<128xf32, #tpu.memory_space<vmem>>) target(%dma_start3A_2127 : memref<256xf32, #tpu.memory_space<vmem_shared>>) offsets(%dma_start3A_2125 : memref<128xi32, #tpu.memory_space<vmem>>) semaphore(%run_scoped3A_2123 : memref<!tpu.dma_semaphore, #tpu.memory_space<semaphore_mem>>)
      %dma_wait3A = arith.constant 0 : i32
      %dma_wait3A_2128 = tpu.memref_slice %arg6[%run_scoped3A_2103, %dma_wait3A] : memref<16x128xi32, #tpu.memory_space<vmem>> -> memref<1x128xi32, #tpu.memory_space<vmem>>
      %dma_wait3A_2129 = tpu.memref_squeeze %dma_wait3A_2128 : memref<1x128xi32, #tpu.memory_space<vmem>> -> memref<128xi32, #tpu.memory_space<vmem>>
      %dma_wait3A_2130 = arith.constant 0 : i32
      %dma_wait3A_2131 = tpu.memref_slice %arg9[%dma_wait3A_2130] : memref<256xf32, #tpu.memory_space<vmem_shared>> -> memref<256xf32, #tpu.memory_space<vmem_shared>>
      tpu.wait_indirect_dma semaphore(%run_scoped3A_2123 : memref<!tpu.dma_semaphore, #tpu.memory_space<semaphore_mem>>) src(%arg7 : memref<128xf32, #tpu.memory_space<vmem>>) dst(%dma_wait3A_2131 : memref<256xf32, #tpu.memory_space<vmem_shared>>)
      tpu.yield
    }) : () -> ()
    %run_scoped3A_2104 = arith.constant 3 : i32
    "tpu.region"() ({
      %run_scoped3A_2123 = tpu.sem_alloc : memref<!tpu.dma_semaphore, #tpu.memory_space<semaphore_mem>>
      %dma_start3A = arith.constant 0 : i32
      %dma_start3A_2124 = tpu.memref_slice %arg6[%run_scoped3A_2104, %dma_start3A] : memref<16x128xi32, #tpu.memory_space<vmem>> -> memref<1x128xi32, #tpu.memory_space<vmem>>
      %dma_start3A_2125 = tpu.memref_squeeze %dma_start3A_2124 : memref<1x128xi32, #tpu.memory_space<vmem>> -> memref<128xi32, #tpu.memory_space<vmem>>
      %dma_start3A_2126 = arith.constant 0 : i32
      %dma_start3A_2127 = tpu.memref_slice %arg9[%dma_start3A_2126] : memref<256xf32, #tpu.memory_space<vmem_shared>> -> memref<256xf32, #tpu.memory_space<vmem_shared>>
      tpu.enqueue_indirect_dma source(%arg7 : memref<128xf32, #tpu.memory_space<vmem>>) target(%dma_start3A_2127 : memref<256xf32, #tpu.memory_space<vmem_shared>>) offsets(%dma_start3A_2125 : memref<128xi32, #tpu.memory_space<vmem>>) semaphore(%run_scoped3A_2123 : memref<!tpu.dma_semaphore, #tpu.memory_space<semaphore_mem>>)
      %dma_wait3A = arith.constant 0 : i32
      %dma_wait3A_2128 = tpu.memref_slice %arg6[%run_scoped3A_2104, %dma_wait3A] : memref<16x128xi32, #tpu.memory_space<vmem>> -> memref<1x128xi32, #tpu.memory_space<vmem>>
      %dma_wait3A_2129 = tpu.memref_squeeze %dma_wait3A_2128 : memref<1x128xi32, #tpu.memory_space<vmem>> -> memref<128xi32, #tpu.memory_space<vmem>>
      %dma_wait3A_2130 = arith.constant 0 : i32
      %dma_wait3A_2131 = tpu.memref_slice %arg9[%dma_wait3A_2130] : memref<256xf32, #tpu.memory_space<vmem_shared>> -> memref<256xf32, #tpu.memory_space<vmem_shared>>
      tpu.wait_indirect_dma semaphore(%run_scoped3A_2123 : memref<!tpu.dma_semaphore, #tpu.memory_space<semaphore_mem>>) src(%arg7 : memref<128xf32, #tpu.memory_space<vmem>>) dst(%dma_wait3A_2131 : memref<256xf32, #tpu.memory_space<vmem_shared>>)
      tpu.yield
    }) : () -> ()
    %run_scoped3A_2105 = arith.constant 4 : i32
    "tpu.region"() ({
      %run_scoped3A_2123 = tpu.sem_alloc : memref<!tpu.dma_semaphore, #tpu.memory_space<semaphore_mem>>
      %dma_start3A = arith.constant 0 : i32
      %dma_start3A_2124 = tpu.memref_slice %arg6[%run_scoped3A_2105, %dma_start3A] : memref<16x128xi32, #tpu.memory_space<vmem>> -> memref<1x128xi32, #tpu.memory_space<vmem>>
      %dma_start3A_2125 = tpu.memref_squeeze %dma_start3A_2124 : memref<1x128xi32, #tpu.memory_space<vmem>> -> memref<128xi32, #tpu.memory_space<vmem>>
      %dma_start3A_2126 = arith.constant 0 : i32
      %dma_start3A_2127 = tpu.memref_slice %arg9[%dma_start3A_2126] : memref<256xf32, #tpu.memory_space<vmem_shared>> -> memref<256xf32, #tpu.memory_space<vmem_shared>>
      tpu.enqueue_indirect_dma source(%arg7 : memref<128xf32, #tpu.memory_space<vmem>>) target(%dma_start3A_2127 : memref<256xf32, #tpu.memory_space<vmem_shared>>) offsets(%dma_start3A_2125 : memref<128xi32, #tpu.memory_space<vmem>>) semaphore(%run_scoped3A_2123 : memref<!tpu.dma_semaphore, #tpu.memory_space<semaphore_mem>>)
      %dma_wait3A = arith.constant 0 : i32
      %dma_wait3A_2128 = tpu.memref_slice %arg6[%run_scoped3A_2105, %dma_wait3A] : memref<16x128xi32, #tpu.memory_space<vmem>> -> memref<1x128xi32, #tpu.memory_space<vmem>>
      %dma_wait3A_2129 = tpu.memref_squeeze %dma_wait3A_2128 : memref<1x128xi32, #tpu.memory_space<vmem>> -> memref<128xi32, #tpu.memory_space<vmem>>
      %dma_wait3A_2130 = arith.constant 0 : i32
      %dma_wait3A_2131 = tpu.memref_slice %arg9[%dma_wait3A_2130] : memref<256xf32, #tpu.memory_space<vmem_shared>> -> memref<256xf32, #tpu.memory_space<vmem_shared>>
      tpu.wait_indirect_dma semaphore(%run_scoped3A_2123 : memref<!tpu.dma_semaphore, #tpu.memory_space<semaphore_mem>>) src(%arg7 : memref<128xf32, #tpu.memory_space<vmem>>) dst(%dma_wait3A_2131 : memref<256xf32, #tpu.memory_space<vmem_shared>>)
      tpu.yield
    }) : () -> ()
    %run_scoped3A_2106 = arith.constant 5 : i32
    "tpu.region"() ({
      %run_scoped3A_2123 = tpu.sem_alloc : memref<!tpu.dma_semaphore, #tpu.memory_space<semaphore_mem>>
      %dma_start3A = arith.constant 0 : i32
      %dma_start3A_2124 = tpu.memref_slice %arg6[%run_scoped3A_2106, %dma_start3A] : memref<16x128xi32, #tpu.memory_space<vmem>> -> memref<1x128xi32, #tpu.memory_space<vmem>>
      %dma_start3A_2125 = tpu.memref_squeeze %dma_start3A_2124 : memref<1x128xi32, #tpu.memory_space<vmem>> -> memref<128xi32, #tpu.memory_space<vmem>>
      %dma_start3A_2126 = arith.constant 0 : i32
      %dma_start3A_2127 = tpu.memref_slice %arg9[%dma_start3A_2126] : memref<256xf32, #tpu.memory_space<vmem_shared>> -> memref<256xf32, #tpu.memory_space<vmem_shared>>
      tpu.enqueue_indirect_dma source(%arg7 : memref<128xf32, #tpu.memory_space<vmem>>) target(%dma_start3A_2127 : memref<256xf32, #tpu.memory_space<vmem_shared>>) offsets(%dma_start3A_2125 : memref<128xi32, #tpu.memory_space<vmem>>) semaphore(%run_scoped3A_2123 : memref<!tpu.dma_semaphore, #tpu.memory_space<semaphore_mem>>)
      %dma_wait3A = arith.constant 0 : i32
      %dma_wait3A_2128 = tpu.memref_slice %arg6[%run_scoped3A_2106, %dma_wait3A] : memref<16x128xi32, #tpu.memory_space<vmem>> -> memref<1x128xi32, #tpu.memory_space<vmem>>
      %dma_wait3A_2129 = tpu.memref_squeeze %dma_wait3A_2128 : memref<1x128xi32, #tpu.memory_space<vmem>> -> memref<128xi32, #tpu.memory_space<vmem>>
      %dma_wait3A_2130 = arith.constant 0 : i32
      %dma_wait3A_2131 = tpu.memref_slice %arg9[%dma_wait3A_2130] : memref<256xf32, #tpu.memory_space<vmem_shared>> -> memref<256xf32, #tpu.memory_space<vmem_shared>>
      tpu.wait_indirect_dma semaphore(%run_scoped3A_2123 : memref<!tpu.dma_semaphore, #tpu.memory_space<semaphore_mem>>) src(%arg7 : memref<128xf32, #tpu.memory_space<vmem>>) dst(%dma_wait3A_2131 : memref<256xf32, #tpu.memory_space<vmem_shared>>)
      tpu.yield
    }) : () -> ()
    %run_scoped3A_2107 = arith.constant 6 : i32
    "tpu.region"() ({
      %run_scoped3A_2123 = tpu.sem_alloc : memref<!tpu.dma_semaphore, #tpu.memory_space<semaphore_mem>>
      %dma_start3A = arith.constant 0 : i32
      %dma_start3A_2124 = tpu.memref_slice %arg6[%run_scoped3A_2107, %dma_start3A] : memref<16x128xi32, #tpu.memory_space<vmem>> -> memref<1x128xi32, #tpu.memory_space<vmem>>
      %dma_start3A_2125 = tpu.memref_squeeze %dma_start3A_2124 : memref<1x128xi32, #tpu.memory_space<vmem>> -> memref<128xi32, #tpu.memory_space<vmem>>
      %dma_start3A_2126 = arith.constant 0 : i32
      %dma_start3A_2127 = tpu.memref_slice %arg9[%dma_start3A_2126] : memref<256xf32, #tpu.memory_space<vmem_shared>> -> memref<256xf32, #tpu.memory_space<vmem_shared>>
      tpu.enqueue_indirect_dma source(%arg7 : memref<128xf32, #tpu.memory_space<vmem>>) target(%dma_start3A_2127 : memref<256xf32, #tpu.memory_space<vmem_shared>>) offsets(%dma_start3A_2125 : memref<128xi32, #tpu.memory_space<vmem>>) semaphore(%run_scoped3A_2123 : memref<!tpu.dma_semaphore, #tpu.memory_space<semaphore_mem>>)
      %dma_wait3A = arith.constant 0 : i32
      %dma_wait3A_2128 = tpu.memref_slice %arg6[%run_scoped3A_2107, %dma_wait3A] : memref<16x128xi32, #tpu.memory_space<vmem>> -> memref<1x128xi32, #tpu.memory_space<vmem>>
      %dma_wait3A_2129 = tpu.memref_squeeze %dma_wait3A_2128 : memref<1x128xi32, #tpu.memory_space<vmem>> -> memref<128xi32, #tpu.memory_space<vmem>>
      %dma_wait3A_2130 = arith.constant 0 : i32
      %dma_wait3A_2131 = tpu.memref_slice %arg9[%dma_wait3A_2130] : memref<256xf32, #tpu.memory_space<vmem_shared>> -> memref<256xf32, #tpu.memory_space<vmem_shared>>
      tpu.wait_indirect_dma semaphore(%run_scoped3A_2123 : memref<!tpu.dma_semaphore, #tpu.memory_space<semaphore_mem>>) src(%arg7 : memref<128xf32, #tpu.memory_space<vmem>>) dst(%dma_wait3A_2131 : memref<256xf32, #tpu.memory_space<vmem_shared>>)
      tpu.yield
    }) : () -> ()
    %run_scoped3A_2108 = arith.constant 7 : i32
    "tpu.region"() ({
      %run_scoped3A_2123 = tpu.sem_alloc : memref<!tpu.dma_semaphore, #tpu.memory_space<semaphore_mem>>
      %dma_start3A = arith.constant 0 : i32
      %dma_start3A_2124 = tpu.memref_slice %arg6[%run_scoped3A_2108, %dma_start3A] : memref<16x128xi32, #tpu.memory_space<vmem>> -> memref<1x128xi32, #tpu.memory_space<vmem>>
      %dma_start3A_2125 = tpu.memref_squeeze %dma_start3A_2124 : memref<1x128xi32, #tpu.memory_space<vmem>> -> memref<128xi32, #tpu.memory_space<vmem>>
      %dma_start3A_2126 = arith.constant 0 : i32
      %dma_start3A_2127 = tpu.memref_slice %arg9[%dma_start3A_2126] : memref<256xf32, #tpu.memory_space<vmem_shared>> -> memref<256xf32, #tpu.memory_space<vmem_shared>>
      tpu.enqueue_indirect_dma source(%arg7 : memref<128xf32, #tpu.memory_space<vmem>>) target(%dma_start3A_2127 : memref<256xf32, #tpu.memory_space<vmem_shared>>) offsets(%dma_start3A_2125 : memref<128xi32, #tpu.memory_space<vmem>>) semaphore(%run_scoped3A_2123 : memref<!tpu.dma_semaphore, #tpu.memory_space<semaphore_mem>>)
      %dma_wait3A = arith.constant 0 : i32
      %dma_wait3A_2128 = tpu.memref_slice %arg6[%run_scoped3A_2108, %dma_wait3A] : memref<16x128xi32, #tpu.memory_space<vmem>> -> memref<1x128xi32, #tpu.memory_space<vmem>>
      %dma_wait3A_2129 = tpu.memref_squeeze %dma_wait3A_2128 : memref<1x128xi32, #tpu.memory_space<vmem>> -> memref<128xi32, #tpu.memory_space<vmem>>
      %dma_wait3A_2130 = arith.constant 0 : i32
      %dma_wait3A_2131 = tpu.memref_slice %arg9[%dma_wait3A_2130] : memref<256xf32, #tpu.memory_space<vmem_shared>> -> memref<256xf32, #tpu.memory_space<vmem_shared>>
      tpu.wait_indirect_dma semaphore(%run_scoped3A_2123 : memref<!tpu.dma_semaphore, #tpu.memory_space<semaphore_mem>>) src(%arg7 : memref<128xf32, #tpu.memory_space<vmem>>) dst(%dma_wait3A_2131 : memref<256xf32, #tpu.memory_space<vmem_shared>>)
      tpu.yield
    }) : () -> ()
    %run_scoped3A_2109 = arith.constant 8 : i32
    "tpu.region"() ({
      %run_scoped3A_2123 = tpu.sem_alloc : memref<!tpu.dma_semaphore, #tpu.memory_space<semaphore_mem>>
      %dma_start3A = arith.constant 0 : i32
      %dma_start3A_2124 = tpu.memref_slice %arg6[%run_scoped3A_2109, %dma_start3A] : memref<16x128xi32, #tpu.memory_space<vmem>> -> memref<1x128xi32, #tpu.memory_space<vmem>>
      %dma_start3A_2125 = tpu.memref_squeeze %dma_start3A_2124 : memref<1x128xi32, #tpu.memory_space<vmem>> -> memref<128xi32, #tpu.memory_space<vmem>>
      %dma_start3A_2126 = arith.constant 0 : i32
      %dma_start3A_2127 = tpu.memref_slice %arg9[%dma_start3A_2126] : memref<256xf32, #tpu.memory_space<vmem_shared>> -> memref<256xf32, #tpu.memory_space<vmem_shared>>
      tpu.enqueue_indirect_dma source(%arg7 : memref<128xf32, #tpu.memory_space<vmem>>) target(%dma_start3A_2127 : memref<256xf32, #tpu.memory_space<vmem_shared>>) offsets(%dma_start3A_2125 : memref<128xi32, #tpu.memory_space<vmem>>) semaphore(%run_scoped3A_2123 : memref<!tpu.dma_semaphore, #tpu.memory_space<semaphore_mem>>)
      %dma_wait3A = arith.constant 0 : i32
      %dma_wait3A_2128 = tpu.memref_slice %arg6[%run_scoped3A_2109, %dma_wait3A] : memref<16x128xi32, #tpu.memory_space<vmem>> -> memref<1x128xi32, #tpu.memory_space<vmem>>
      %dma_wait3A_2129 = tpu.memref_squeeze %dma_wait3A_2128 : memref<1x128xi32, #tpu.memory_space<vmem>> -> memref<128xi32, #tpu.memory_space<vmem>>
      %dma_wait3A_2130 = arith.constant 0 : i32
      %dma_wait3A_2131 = tpu.memref_slice %arg9[%dma_wait3A_2130] : memref<256xf32, #tpu.memory_space<vmem_shared>> -> memref<256xf32, #tpu.memory_space<vmem_shared>>
      tpu.wait_indirect_dma semaphore(%run_scoped3A_2123 : memref<!tpu.dma_semaphore, #tpu.memory_space<semaphore_mem>>) src(%arg7 : memref<128xf32, #tpu.memory_space<vmem>>) dst(%dma_wait3A_2131 : memref<256xf32, #tpu.memory_space<vmem_shared>>)
      tpu.yield
    }) : () -> ()
    %run_scoped3A_2110 = arith.constant 9 : i32
    "tpu.region"() ({
      %run_scoped3A_2123 = tpu.sem_alloc : memref<!tpu.dma_semaphore, #tpu.memory_space<semaphore_mem>>
      %dma_start3A = arith.constant 0 : i32
      %dma_start3A_2124 = tpu.memref_slice %arg6[%run_scoped3A_2110, %dma_start3A] : memref<16x128xi32, #tpu.memory_space<vmem>> -> memref<1x128xi32, #tpu.memory_space<vmem>>
      %dma_start3A_2125 = tpu.memref_squeeze %dma_start3A_2124 : memref<1x128xi32, #tpu.memory_space<vmem>> -> memref<128xi32, #tpu.memory_space<vmem>>
      %dma_start3A_2126 = arith.constant 0 : i32
      %dma_start3A_2127 = tpu.memref_slice %arg9[%dma_start3A_2126] : memref<256xf32, #tpu.memory_space<vmem_shared>> -> memref<256xf32, #tpu.memory_space<vmem_shared>>
      tpu.enqueue_indirect_dma source(%arg7 : memref<128xf32, #tpu.memory_space<vmem>>) target(%dma_start3A_2127 : memref<256xf32, #tpu.memory_space<vmem_shared>>) offsets(%dma_start3A_2125 : memref<128xi32, #tpu.memory_space<vmem>>) semaphore(%run_scoped3A_2123 : memref<!tpu.dma_semaphore, #tpu.memory_space<semaphore_mem>>)
      %dma_wait3A = arith.constant 0 : i32
      %dma_wait3A_2128 = tpu.memref_slice %arg6[%run_scoped3A_2110, %dma_wait3A] : memref<16x128xi32, #tpu.memory_space<vmem>> -> memref<1x128xi32, #tpu.memory_space<vmem>>
      %dma_wait3A_2129 = tpu.memref_squeeze %dma_wait3A_2128 : memref<1x128xi32, #tpu.memory_space<vmem>> -> memref<128xi32, #tpu.memory_space<vmem>>
      %dma_wait3A_2130 = arith.constant 0 : i32
      %dma_wait3A_2131 = tpu.memref_slice %arg9[%dma_wait3A_2130] : memref<256xf32, #tpu.memory_space<vmem_shared>> -> memref<256xf32, #tpu.memory_space<vmem_shared>>
      tpu.wait_indirect_dma semaphore(%run_scoped3A_2123 : memref<!tpu.dma_semaphore, #tpu.memory_space<semaphore_mem>>) src(%arg7 : memref<128xf32, #tpu.memory_space<vmem>>) dst(%dma_wait3A_2131 : memref<256xf32, #tpu.memory_space<vmem_shared>>)
      tpu.yield
    }) : () -> ()
    %run_scoped3A_2111 = arith.constant 10 : i32
    "tpu.region"() ({
      %run_scoped3A_2123 = tpu.sem_alloc : memref<!tpu.dma_semaphore, #tpu.memory_space<semaphore_mem>>
      %dma_start3A = arith.constant 0 : i32
      %dma_start3A_2124 = tpu.memref_slice %arg6[%run_scoped3A_2111, %dma_start3A] : memref<16x128xi32, #tpu.memory_space<vmem>> -> memref<1x128xi32, #tpu.memory_space<vmem>>
      %dma_start3A_2125 = tpu.memref_squeeze %dma_start3A_2124 : memref<1x128xi32, #tpu.memory_space<vmem>> -> memref<128xi32, #tpu.memory_space<vmem>>
      %dma_start3A_2126 = arith.constant 0 : i32
      %dma_start3A_2127 = tpu.memref_slice %arg9[%dma_start3A_2126] : memref<256xf32, #tpu.memory_space<vmem_shared>> -> memref<256xf32, #tpu.memory_space<vmem_shared>>
      tpu.enqueue_indirect_dma source(%arg7 : memref<128xf32, #tpu.memory_space<vmem>>) target(%dma_start3A_2127 : memref<256xf32, #tpu.memory_space<vmem_shared>>) offsets(%dma_start3A_2125 : memref<128xi32, #tpu.memory_space<vmem>>) semaphore(%run_scoped3A_2123 : memref<!tpu.dma_semaphore, #tpu.memory_space<semaphore_mem>>)
      %dma_wait3A = arith.constant 0 : i32
      %dma_wait3A_2128 = tpu.memref_slice %arg6[%run_scoped3A_2111, %dma_wait3A] : memref<16x128xi32, #tpu.memory_space<vmem>> -> memref<1x128xi32, #tpu.memory_space<vmem>>
      %dma_wait3A_2129 = tpu.memref_squeeze %dma_wait3A_2128 : memref<1x128xi32, #tpu.memory_space<vmem>> -> memref<128xi32, #tpu.memory_space<vmem>>
      %dma_wait3A_2130 = arith.constant 0 : i32
      %dma_wait3A_2131 = tpu.memref_slice %arg9[%dma_wait3A_2130] : memref<256xf32, #tpu.memory_space<vmem_shared>> -> memref<256xf32, #tpu.memory_space<vmem_shared>>
      tpu.wait_indirect_dma semaphore(%run_scoped3A_2123 : memref<!tpu.dma_semaphore, #tpu.memory_space<semaphore_mem>>) src(%arg7 : memref<128xf32, #tpu.memory_space<vmem>>) dst(%dma_wait3A_2131 : memref<256xf32, #tpu.memory_space<vmem_shared>>)
      tpu.yield
    }) : () -> ()
    %run_scoped3A_2112 = arith.constant 11 : i32
    "tpu.region"() ({
      %run_scoped3A_2123 = tpu.sem_alloc : memref<!tpu.dma_semaphore, #tpu.memory_space<semaphore_mem>>
      %dma_start3A = arith.constant 0 : i32
      %dma_start3A_2124 = tpu.memref_slice %arg6[%run_scoped3A_2112, %dma_start3A] : memref<16x128xi32, #tpu.memory_space<vmem>> -> memref<1x128xi32, #tpu.memory_space<vmem>>
      %dma_start3A_2125 = tpu.memref_squeeze %dma_start3A_2124 : memref<1x128xi32, #tpu.memory_space<vmem>> -> memref<128xi32, #tpu.memory_space<vmem>>
      %dma_start3A_2126 = arith.constant 0 : i32
      %dma_start3A_2127 = tpu.memref_slice %arg9[%dma_start3A_2126] : memref<256xf32, #tpu.memory_space<vmem_shared>> -> memref<256xf32, #tpu.memory_space<vmem_shared>>
      tpu.enqueue_indirect_dma source(%arg7 : memref<128xf32, #tpu.memory_space<vmem>>) target(%dma_start3A_2127 : memref<256xf32, #tpu.memory_space<vmem_shared>>) offsets(%dma_start3A_2125 : memref<128xi32, #tpu.memory_space<vmem>>) semaphore(%run_scoped3A_2123 : memref<!tpu.dma_semaphore, #tpu.memory_space<semaphore_mem>>)
      %dma_wait3A = arith.constant 0 : i32
      %dma_wait3A_2128 = tpu.memref_slice %arg6[%run_scoped3A_2112, %dma_wait3A] : memref<16x128xi32, #tpu.memory_space<vmem>> -> memref<1x128xi32, #tpu.memory_space<vmem>>
      %dma_wait3A_2129 = tpu.memref_squeeze %dma_wait3A_2128 : memref<1x128xi32, #tpu.memory_space<vmem>> -> memref<128xi32, #tpu.memory_space<vmem>>
      %dma_wait3A_2130 = arith.constant 0 : i32
      %dma_wait3A_2131 = tpu.memref_slice %arg9[%dma_wait3A_2130] : memref<256xf32, #tpu.memory_space<vmem_shared>> -> memref<256xf32, #tpu.memory_space<vmem_shared>>
      tpu.wait_indirect_dma semaphore(%run_scoped3A_2123 : memref<!tpu.dma_semaphore, #tpu.memory_space<semaphore_mem>>) src(%arg7 : memref<128xf32, #tpu.memory_space<vmem>>) dst(%dma_wait3A_2131 : memref<256xf32, #tpu.memory_space<vmem_shared>>)
      tpu.yield
    }) : () -> ()
    %run_scoped3A_2113 = arith.constant 12 : i32
    "tpu.region"() ({
      %run_scoped3A_2123 = tpu.sem_alloc : memref<!tpu.dma_semaphore, #tpu.memory_space<semaphore_mem>>
      %dma_start3A = arith.constant 0 : i32
      %dma_start3A_2124 = tpu.memref_slice %arg6[%run_scoped3A_2113, %dma_start3A] : memref<16x128xi32, #tpu.memory_space<vmem>> -> memref<1x128xi32, #tpu.memory_space<vmem>>
      %dma_start3A_2125 = tpu.memref_squeeze %dma_start3A_2124 : memref<1x128xi32, #tpu.memory_space<vmem>> -> memref<128xi32, #tpu.memory_space<vmem>>
      %dma_start3A_2126 = arith.constant 0 : i32
      %dma_start3A_2127 = tpu.memref_slice %arg9[%dma_start3A_2126] : memref<256xf32, #tpu.memory_space<vmem_shared>> -> memref<256xf32, #tpu.memory_space<vmem_shared>>
      tpu.enqueue_indirect_dma source(%arg7 : memref<128xf32, #tpu.memory_space<vmem>>) target(%dma_start3A_2127 : memref<256xf32, #tpu.memory_space<vmem_shared>>) offsets(%dma_start3A_2125 : memref<128xi32, #tpu.memory_space<vmem>>) semaphore(%run_scoped3A_2123 : memref<!tpu.dma_semaphore, #tpu.memory_space<semaphore_mem>>)
      %dma_wait3A = arith.constant 0 : i32
      %dma_wait3A_2128 = tpu.memref_slice %arg6[%run_scoped3A_2113, %dma_wait3A] : memref<16x128xi32, #tpu.memory_space<vmem>> -> memref<1x128xi32, #tpu.memory_space<vmem>>
      %dma_wait3A_2129 = tpu.memref_squeeze %dma_wait3A_2128 : memref<1x128xi32, #tpu.memory_space<vmem>> -> memref<128xi32, #tpu.memory_space<vmem>>
      %dma_wait3A_2130 = arith.constant 0 : i32
      %dma_wait3A_2131 = tpu.memref_slice %arg9[%dma_wait3A_2130] : memref<256xf32, #tpu.memory_space<vmem_shared>> -> memref<256xf32, #tpu.memory_space<vmem_shared>>
      tpu.wait_indirect_dma semaphore(%run_scoped3A_2123 : memref<!tpu.dma_semaphore, #tpu.memory_space<semaphore_mem>>) src(%arg7 : memref<128xf32, #tpu.memory_space<vmem>>) dst(%dma_wait3A_2131 : memref<256xf32, #tpu.memory_space<vmem_shared>>)
      tpu.yield
    }) : () -> ()
    %run_scoped3A_2114 = arith.constant 13 : i32
    "tpu.region"() ({
      %run_scoped3A_2123 = tpu.sem_alloc : memref<!tpu.dma_semaphore, #tpu.memory_space<semaphore_mem>>
      %dma_start3A = arith.constant 0 : i32
      %dma_start3A_2124 = tpu.memref_slice %arg6[%run_scoped3A_2114, %dma_start3A] : memref<16x128xi32, #tpu.memory_space<vmem>> -> memref<1x128xi32, #tpu.memory_space<vmem>>
      %dma_start3A_2125 = tpu.memref_squeeze %dma_start3A_2124 : memref<1x128xi32, #tpu.memory_space<vmem>> -> memref<128xi32, #tpu.memory_space<vmem>>
      %dma_start3A_2126 = arith.constant 0 : i32
      %dma_start3A_2127 = tpu.memref_slice %arg9[%dma_start3A_2126] : memref<256xf32, #tpu.memory_space<vmem_shared>> -> memref<256xf32, #tpu.memory_space<vmem_shared>>
      tpu.enqueue_indirect_dma source(%arg7 : memref<128xf32, #tpu.memory_space<vmem>>) target(%dma_start3A_2127 : memref<256xf32, #tpu.memory_space<vmem_shared>>) offsets(%dma_start3A_2125 : memref<128xi32, #tpu.memory_space<vmem>>) semaphore(%run_scoped3A_2123 : memref<!tpu.dma_semaphore, #tpu.memory_space<semaphore_mem>>)
      %dma_wait3A = arith.constant 0 : i32
      %dma_wait3A_2128 = tpu.memref_slice %arg6[%run_scoped3A_2114, %dma_wait3A] : memref<16x128xi32, #tpu.memory_space<vmem>> -> memref<1x128xi32, #tpu.memory_space<vmem>>
      %dma_wait3A_2129 = tpu.memref_squeeze %dma_wait3A_2128 : memref<1x128xi32, #tpu.memory_space<vmem>> -> memref<128xi32, #tpu.memory_space<vmem>>
      %dma_wait3A_2130 = arith.constant 0 : i32
      %dma_wait3A_2131 = tpu.memref_slice %arg9[%dma_wait3A_2130] : memref<256xf32, #tpu.memory_space<vmem_shared>> -> memref<256xf32, #tpu.memory_space<vmem_shared>>
      tpu.wait_indirect_dma semaphore(%run_scoped3A_2123 : memref<!tpu.dma_semaphore, #tpu.memory_space<semaphore_mem>>) src(%arg7 : memref<128xf32, #tpu.memory_space<vmem>>) dst(%dma_wait3A_2131 : memref<256xf32, #tpu.memory_space<vmem_shared>>)
      tpu.yield
    }) : () -> ()
    %run_scoped3A_2115 = arith.constant 14 : i32
    "tpu.region"() ({
      %run_scoped3A_2123 = tpu.sem_alloc : memref<!tpu.dma_semaphore, #tpu.memory_space<semaphore_mem>>
      %dma_start3A = arith.constant 0 : i32
      %dma_start3A_2124 = tpu.memref_slice %arg6[%run_scoped3A_2115, %dma_start3A] : memref<16x128xi32, #tpu.memory_space<vmem>> -> memref<1x128xi32, #tpu.memory_space<vmem>>
      %dma_start3A_2125 = tpu.memref_squeeze %dma_start3A_2124 : memref<1x128xi32, #tpu.memory_space<vmem>> -> memref<128xi32, #tpu.memory_space<vmem>>
      %dma_start3A_2126 = arith.constant 0 : i32
      %dma_start3A_2127 = tpu.memref_slice %arg9[%dma_start3A_2126] : memref<256xf32, #tpu.memory_space<vmem_shared>> -> memref<256xf32, #tpu.memory_space<vmem_shared>>
      tpu.enqueue_indirect_dma source(%arg7 : memref<128xf32, #tpu.memory_space<vmem>>) target(%dma_start3A_2127 : memref<256xf32, #tpu.memory_space<vmem_shared>>) offsets(%dma_start3A_2125 : memref<128xi32, #tpu.memory_space<vmem>>) semaphore(%run_scoped3A_2123 : memref<!tpu.dma_semaphore, #tpu.memory_space<semaphore_mem>>)
      %dma_wait3A = arith.constant 0 : i32
      %dma_wait3A_2128 = tpu.memref_slice %arg6[%run_scoped3A_2115, %dma_wait3A] : memref<16x128xi32, #tpu.memory_space<vmem>> -> memref<1x128xi32, #tpu.memory_space<vmem>>
      %dma_wait3A_2129 = tpu.memref_squeeze %dma_wait3A_2128 : memref<1x128xi32, #tpu.memory_space<vmem>> -> memref<128xi32, #tpu.memory_space<vmem>>
      %dma_wait3A_2130 = arith.constant 0 : i32
      %dma_wait3A_2131 = tpu.memref_slice %arg9[%dma_wait3A_2130] : memref<256xf32, #tpu.memory_space<vmem_shared>> -> memref<256xf32, #tpu.memory_space<vmem_shared>>
      tpu.wait_indirect_dma semaphore(%run_scoped3A_2123 : memref<!tpu.dma_semaphore, #tpu.memory_space<semaphore_mem>>) src(%arg7 : memref<128xf32, #tpu.memory_space<vmem>>) dst(%dma_wait3A_2131 : memref<256xf32, #tpu.memory_space<vmem_shared>>)
      tpu.yield
    }) : () -> ()
    %run_scoped3A_2116 = arith.constant 15 : i32
    "tpu.region"() ({
      %run_scoped3A_2123 = tpu.sem_alloc : memref<!tpu.dma_semaphore, #tpu.memory_space<semaphore_mem>>
      %dma_start3A = arith.constant 0 : i32
      %dma_start3A_2124 = tpu.memref_slice %arg6[%run_scoped3A_2116, %dma_start3A] : memref<16x128xi32, #tpu.memory_space<vmem>> -> memref<1x128xi32, #tpu.memory_space<vmem>>
      %dma_start3A_2125 = tpu.memref_squeeze %dma_start3A_2124 : memref<1x128xi32, #tpu.memory_space<vmem>> -> memref<128xi32, #tpu.memory_space<vmem>>
      %dma_start3A_2126 = arith.constant 0 : i32
      %dma_start3A_2127 = tpu.memref_slice %arg9[%dma_start3A_2126] : memref<256xf32, #tpu.memory_space<vmem_shared>> -> memref<256xf32, #tpu.memory_space<vmem_shared>>
      tpu.enqueue_indirect_dma source(%arg7 : memref<128xf32, #tpu.memory_space<vmem>>) target(%dma_start3A_2127 : memref<256xf32, #tpu.memory_space<vmem_shared>>) offsets(%dma_start3A_2125 : memref<128xi32, #tpu.memory_space<vmem>>) semaphore(%run_scoped3A_2123 : memref<!tpu.dma_semaphore, #tpu.memory_space<semaphore_mem>>)
      %dma_wait3A = arith.constant 0 : i32
      %dma_wait3A_2128 = tpu.memref_slice %arg6[%run_scoped3A_2116, %dma_wait3A] : memref<16x128xi32, #tpu.memory_space<vmem>> -> memref<1x128xi32, #tpu.memory_space<vmem>>
      %dma_wait3A_2129 = tpu.memref_squeeze %dma_wait3A_2128 : memref<1x128xi32, #tpu.memory_space<vmem>> -> memref<128xi32, #tpu.memory_space<vmem>>
      %dma_wait3A_2130 = arith.constant 0 : i32
      %dma_wait3A_2131 = tpu.memref_slice %arg9[%dma_wait3A_2130] : memref<256xf32, #tpu.memory_space<vmem_shared>> -> memref<256xf32, #tpu.memory_space<vmem_shared>>
      tpu.wait_indirect_dma semaphore(%run_scoped3A_2123 : memref<!tpu.dma_semaphore, #tpu.memory_space<semaphore_mem>>) src(%arg7 : memref<128xf32, #tpu.memory_space<vmem>>) dst(%dma_wait3A_2131 : memref<256xf32, #tpu.memory_space<vmem_shared>>)
      tpu.yield
    }) : () -> ()
    %barrier3A_2117 = arith.constant 0 : index
    tpu.barrier barrier_id(%barrier3A_2117)
    %eq3A_2118 = arith.constant 0 : i32
    %eq3A_2119 = arith.cmpi eq, %arg1, %eq3A_2118 : i32
    %convert_element_type3A_2120 = arith.extui %eq3A_2119 : i1 to i32
    %cond3A_2121 = arith.constant 0 : i32
    %cond3A_2122 = arith.cmpi ne, %convert_element_type3A_2120, %cond3A_2121 : i32
    scf.if %cond3A_2122 {
      "tpu.region"() ({
        %run_scoped3A_2123 = tpu.sem_alloc : memref<!tpu.dma_semaphore, #tpu.memory_space<semaphore_mem>>
        tpu.enqueue_dma source(%arg9 : memref<256xf32, #tpu.memory_space<vmem_shared>>) target(%arg3 : memref<256xf32, #tpu.memory_space<hbm>>) target_semaphore(%run_scoped3A_2123 : memref<!tpu.dma_semaphore, #tpu.memory_space<semaphore_mem>>)
        tpu.wait_dma2 semaphore(%run_scoped3A_2123 : memref<!tpu.dma_semaphore, #tpu.memory_space<semaphore_mem>>) src(%arg9 : memref<256xf32, #tpu.memory_space<vmem_shared>>) dst(%arg3 : memref<256xf32, #tpu.memory_space<hbm>>)
        tpu.yield
      }) : () -> ()
    } else {
    }
    return
  }
}

module attributes {stable_mosaic.version = 14 : i64} {
  func.func @_insert_body(%arg0: i32, %arg1: memref<16x4096x128xf32, #tpu.memory_space<any>>, %arg2: memref<256x1xf32, #tpu.memory_space<vmem>>, %arg3: memref<16x16x128xf32, #tpu.memory_space<vmem>>, %arg4: memref<128x128xf32, #tpu.memory_space<vmem>>, %arg5: memref<1x128xf32, #tpu.memory_space<vmem>>, %arg6: memref<16x16x128xf32, #tpu.memory_space<vmem>>) attributes {dimension_semantics = [#tpu.dimension_semantics<arbitrary>], iteration_bounds = array<i64: 1>, scalar_prefetch = 0 : i64, scratch_operands = 0 : i64, tpu.core_type = #tpu.core_type<tc>, window_params = [{}, {pipeline_mode = #tpu.pipeline_mode<synchronous>, transform_indices = @transform_1, window_bounds = array<i64: 256, 1>}, {pipeline_mode = #tpu.pipeline_mode<synchronous>, transform_indices = @transform_2, window_bounds = array<i64: 16, 16, 128>}, {pipeline_mode = #tpu.pipeline_mode<synchronous>, transform_indices = @transform_3, window_bounds = array<i64: 128, 128>}, {pipeline_mode = #tpu.pipeline_mode<synchronous>, transform_indices = @transform_4, window_bounds = array<i64: 1, 128>}, {transform_indices = @transform_5, window_bounds = array<i64: 16, 16, 128>}]} {
    %get3A = arith.constant 0 : index
    %get3A_0 = arith.constant 0 : index
    %get3A_1 = vector.load %arg2[%get3A, %get3A_0] : memref<256x1xf32, #tpu.memory_space<vmem>>, vector<256x1xf32>
    %get3A_2 = arith.constant 0 : index
    %get3A_3 = arith.constant 0 : index
    %get3A_4 = arith.constant 0 : index
    %get3A_5 = vector.load %arg3[%get3A_2, %get3A_3, %get3A_4] : memref<16x16x128xf32, #tpu.memory_space<vmem>>, vector<16x16x128xf32>
    %reshape3A = vector.shape_cast %get3A_5 : vector<16x16x128xf32> to vector<256x128xf32>
    %get3A_6 = arith.constant 0 : index
    %get3A_7 = arith.constant 0 : index
    %get3A_8 = vector.load %arg4[%get3A_6, %get3A_7] : memref<128x128xf32, #tpu.memory_space<vmem>>, vector<128x128xf32>
    %dot_general3A = arith.constant dense<0.000000e+00> : vector<256x128xf32>
    %dot_general3A_9 = tpu.matmul %reshape3A, %get3A_8, %dot_general3A {dimension_numbers = #tpu.dot_dimension_numbers<[1], [1], [0], [0], [0, 0, 1, 0], [], []>, transpose_lhs_hint = false} : vector<256x128xf32>, vector<128x128xf32>, vector<256x128xf32> -> vector<256x128xf32>
    %get3A_10 = arith.constant 0 : index
    %get3A_11 = arith.constant 0 : index
    %get3A_12 = vector.load %arg5[%get3A_10, %get3A_11] : memref<1x128xf32, #tpu.memory_space<vmem>>, vector<1x128xf32>
    %add3A = vector.broadcast %get3A_12 : vector<1x128xf32> to vector<256x128xf32>
    %add3A_13 = arith.addf %dot_general3A_9, %add3A : vector<256x128xf32>
    %gt3A = arith.constant 0.000000e+00 : f32
    %gt3A_14 = vector.broadcast %gt3A : f32 to vector<256x128xf32>
    %gt3A_15 = arith.cmpf ogt, %add3A_13, %gt3A_14 : vector<256x128xf32>
    %exp3A = math.exp %add3A_13 : vector<256x128xf32>
    %sub3A = arith.constant 1.000000e+00 : f32
    %sub3A_16 = vector.broadcast %sub3A : f32 to vector<256x128xf32>
    %sub3A_17 = arith.subf %exp3A, %sub3A_16 : vector<256x128xf32>
    %select_n3A = arith.select %gt3A_15, %add3A_13, %sub3A_17 : vector<256x128xi1>, vector<256x128xf32>
    %mul3A = vector.broadcast %get3A_1 : vector<256x1xf32> to vector<256x128xf32>
    %mul3A_18 = arith.mulf %select_n3A, %mul3A : vector<256x128xf32>
    %reshape3A_19 = vector.shape_cast %mul3A_18 : vector<256x128xf32> to vector<16x16x128xf32>
    %swap3A = arith.constant 0 : index
    %swap3A_20 = arith.constant 0 : index
    %swap3A_21 = arith.constant 0 : index
    %swap3A_22 = vector.load %arg6[%swap3A, %swap3A_20, %swap3A_21] : memref<16x16x128xf32, #tpu.memory_space<vmem>>, vector<16x16x128xf32>
    tpu.vector_store %arg6[%swap3A, %swap3A_20, %swap3A_21], %reshape3A_19 {strides = array<i32>} : memref<16x16x128xf32, #tpu.memory_space<vmem>>, vector<16x16x128xf32>,
    return
  }
  func.func @transform_1(%arg0: i32) -> (i32, i32) {
    %c0_i32 = arith.constant 0 : i32
    %c0_i32_0 = arith.constant 0 : i32
    %c0_i32_1 = arith.constant 0 : i32
    return %c0_i32, %c0_i32_0 : i32, i32
  }
  func.func @transform_2(%arg0: i32) -> (i32, i32, i32) {
    %c0_i32 = arith.constant 0 : i32
    %c0_i32_0 = arith.constant 0 : i32
    %c0_i32_1 = arith.constant 0 : i32
    %c0_i32_2 = arith.constant 0 : i32
    return %c0_i32, %c0_i32_0, %c0_i32_1 : i32, i32, i32
  }
  func.func @transform_3(%arg0: i32) -> (i32, i32) {
    %c0_i32 = arith.constant 0 : i32
    %c0_i32_0 = arith.constant 0 : i32
    %c0_i32_1 = arith.constant 0 : i32
    return %c0_i32, %c0_i32_0 : i32, i32
  }
  func.func @transform_4(%arg0: i32) -> (i32, i32) {
    %c0_i32 = arith.constant 0 : i32
    %c0_i32_0 = arith.constant 0 : i32
    %c0_i32_1 = arith.constant 0 : i32
    return %c0_i32, %c0_i32_0 : i32, i32
  }
  func.func @transform_5(%arg0: i32) -> (i32, i32, i32) {
    %c0_i32 = arith.constant 0 : i32
    %c0_i32_0 = arith.constant 0 : i32
    %c0_i32_1 = arith.constant 0 : i32
    %c0_i32_2 = arith.constant 0 : i32
    return %c0_i32, %c0_i32_0, %c0_i32_1 : i32, i32, i32
  }
}

module attributes {stable_mosaic.version = 14 : i64} {
  func.func @_memset_body(%arg0: i32, %arg1: memref<2x4096x128xf32, #tpu.memory_space<vmem>>) attributes {dimension_semantics = [#tpu.dimension_semantics<arbitrary>], iteration_bounds = array<i64: 8>, scalar_prefetch = 0 : i64, scratch_operands = 0 : i64, tpu.core_type = #tpu.core_type<tc>, window_params = [{transform_indices = @transform_0, window_bounds = array<i64: 2, 4096, 128>}]} {
    %broadcast_in_dim3A = arith.constant 0.000000e+00 : f32
    %broadcast_in_dim3A_0 = vector.broadcast %broadcast_in_dim3A : f32 to vector<2x4096x128xf32>
    %swap3A = arith.constant 0 : index
    %swap3A_1 = arith.constant 0 : index
    %swap3A_2 = arith.constant 0 : index
    %swap3A_3 = vector.load %arg1[%swap3A, %swap3A_1, %swap3A_2] : memref<2x4096x128xf32, #tpu.memory_space<vmem>>, vector<2x4096x128xf32>
    tpu.vector_store %arg1[%swap3A, %swap3A_1, %swap3A_2], %broadcast_in_dim3A_0 {strides = array<i32>} : memref<2x4096x128xf32, #tpu.memory_space<vmem>>, vector<2x4096x128xf32>,
    return
  }
  func.func @transform_0(%arg0: i32) -> (i32, i32, i32) {
    %c0_i32 = arith.constant 0 : i32
    %c0_i32_0 = arith.constant 0 : i32
    %c0_i32_1 = arith.constant 0 : i32
    return %arg0, %c0_i32, %c0_i32_0 : i32, i32, i32
  }
}

</mosaic_0001>

<sc_bundles>
// kernel: kernel.5.cloned.1.call-start
scs
__scs_entry_jumppad:
0x0: {  	(pc) =	sbr.rel $0x88, $3  }
0x1: {  	(tag) =	ssettag $0x0;
	lr =	simm.s32 $0x1  }
0x2: {  	[smem:$0x3F9D] =	sst lr;
	_ =	strace $0xD0000000  }
0x3: {  	_ = 	snop  }
0x4: {  	_ = 	snop  }
0x5: {  	_ = 	snop  }
0x6: {  	_ = 	snop  }
0x7: {  	_ = 	snop  }
__scs_overlays_trampoline_lowered:
0x8: {  	[smem:$0x3FAC] =	sst s0  }
0x9: {  	[smem:$0x3FAD] =	sst s1  }
0xa: {  	[smem:$0x3FAE] =	sst s2  }
0xb: {  	[smem:$0x3FAF] =	sst s3  }
0xc: {  	[smem:$0x3FB0] =	sst s4  }
0xd: {  	[smem:$0x3FB1] =	sst s5  }
0xe: {  	[smem:$0x3FB2] =	sst s6  }
0xf: {  	[smem:$0x3FB3] =	sst s7  }
0x10: {  	[smem:$0x3FB4] =	sst s8  }
0x11: {  	[smem:$0x3FB5] =	sst s9;
	s0 =	simm.s32 @!p0 $0x0  }
0x12: {  	s1 =	sld [smem:$0x3F9B];
	s0 =	simm.s32 @p0 $0x1  }
0x13: {  	[smem:$0x3FB6] =	sst s0;
	s0 =	simm.s32 @!p1 $0x0  }
0x14: {  	s2 =	sld [smem:$0x3F9A];
	s0 =	simm.s32 @p1 $0x1  }
0x15: {  	[smem:$0x3FB7] =	sst s0;
	s0 =	simm.s32 @!p2 $0x0  }
0x16: {  	s3 =	sld [smem:$0x3FDB];
	s0 =	simm.s32 @p2 $0x1  }
0x17: {  	s4 =	simm.s32 $0x1BF5;
	[smem:$0x3FB9] =	sst s0  }
0x18: {  	s0 =	sld [smem:$0x3F9C];
	_ =	swait.ge [sflag:s4], $0x0  }
0x19: {  	s7 =	sld [smem:$0x3F9D]  }
0x1a: {  	s8 =	sadd.s32 $0xFFFFE003, lr  }
0x1b: {  	s9 =	sadd.s32 $0xFFFFFEF7, lr;
	s5 =	simm.s32 $0xFFFFFFFF;
	p2 =	slt.u32 s8, $0xFFFFF086  }
0x1c: {  	p1 =	slt.u32 s9, $0xF7A;
	s5 =	simm.s32 @!p2 $0x0  }
0x1d: {  	s5 =	simm.s32 @p1 $0x1;
	p0 =	seq.s32 s7, s2  }
0x1e: {  	s7 =	smul.u32 @!p0 $0xF7A, s2;
	p2 =	seq.s32 @!p0 s5, $0x0  }
0x1f: {  	s9 =	smul.u32 $0xF7A, s1;
	s8 =	simm.s32 @!p0 $0x1BF5;
	p2 =	por !p2, p0  }
0x20: {  	[sflag:s8] =	ssyncset.s32 @!p0 $0xFFFFF086;
	s6 =	sadd.s32 @!p0 s3, s7;
	s7 =	simm.s32 @!p0 $0x108  }
0x21: {  	s3 =	sadd.s32 s3, s9;
	s6 =	sadd.s32 @!p0 $0x88, s6;
	s7 =	simm.s32 @p2 $0x1082  }
0x22: {  	[simem:s7], [sflag:s8] =	dma.local @!p0 [hbm:s6], $0xF7A  }
0x23: {  	s9 =	sor.u32 $0xD0000000, s2;
	s6 =	simm.s32 $0x108;
	_ =	swait.ge @!p0 [sflag:s8], $0x0  }
0x24: {  	s3 =	sadd.s32 $0x88, s3;
	s6 =	simm.s32 @!p1 $0x1082;
	[sflag:s4] =	ssyncset.s32 $0xFFFFF086  }
0x25: {  	[simem:s6], [sflag:s4] =	dma.local [hbm:s3], $0xF7A  }
0x26: {  	[smem:$0x3F9D] =	sst s1;
	(tag) =	ssettag s2;
	_ =	strace s9  }
0x27: {  	s1 =	sld [smem:$0x3FAD]  }
0x28: {  	s2 =	sld [smem:$0x3FAE]  }
0x29: {  	s4 =	sld [smem:$0x3FB0]  }
0x2a: {  	p0 =	seq.s32 s5, $0x0;
	s5 =	sld [smem:$0x3FB1]  }
0x2b: {  	s6 =	sld [smem:$0x3FB2]  }
0x2c: {  	s7 =	sld [smem:$0x3FB3]  }
0x2d: {  	s3 =	simm.s32 $0x108;
	s8 =	sld [smem:$0x3FB4]  }
0x2e: {  	s3 =	simm.s32 @!p0 $0x1082;
	s9 =	sld [smem:$0x3FB5]  }
0x2f: {  	lr =	sadd.s32 s0, s3;
	s0 =	sld [smem:$0x3FAC]  }
0x30: {  	s3 =	sld [smem:$0x3FAF]  }
0x31: {  	[smem:$0x3FB8] =	sst s10  }
0x32: {  	s10 =	sld [smem:$0x3FB6];
	_ =	sdelay $0x3  }
0x33: {  	p0 =	seq.s32 s10, $0x1;
	s10 =	sld [smem:$0x3FB8];
	_ =	sdelay $0x3  }
0x34: {  	[smem:$0x3FB8] =	sst s10  }
0x35: {  	s10 =	sld [smem:$0x3FB7];
	_ =	sdelay $0x3  }
0x36: {  	p1 =	seq.s32 s10, $0x1;
	s10 =	sld [smem:$0x3FB8];
	_ =	sdelay $0x3  }
0x37: {  	[smem:$0x3FB8] =	sst s10  }
0x38: {  	s10 =	sld [smem:$0x3FB9]  }
0x39: {  	_ = 	snop;
	(pc) =	sbr.ind lr, $3  }
0x3a: {  	_ = 	snop  }
0x3b: {  	_ = 	snop  }
0x3c: {  	p2 =	seq.s32 s10, $0x1;
	s10 =	sld [smem:$0x3FB8]  }
0x3d: {  	_ =	shalt  }
0x3e: {  	_ =	shalt  }
0x3f: {  	_ =	shalt  }
0x40: {  	_ =	shalt  }
0x41: {  	_ =	shalt  }
0x42: {  	_ =	shalt  }
0x43: {  	_ =	shalt  }
0x44: {  	_ =	shalt  }
0x45: {  	_ =	shalt  }
0x46: {  	_ =	shalt  }
0x47: {  	_ =	shalt  }
0x48: {  	_ =	shalt  }
0x49: {  	_ =	shalt  }
0x4a: {  	_ =	shalt  }
0x4b: {  	_ =	shalt  }
0x4c: {  	_ =	shalt  }
0x4d: {  	_ =	shalt  }
0x4e: {  	_ =	shalt  }
0x4f: {  	_ =	shalt  }
0x50: {  	_ =	shalt  }
0x51: {  	_ =	shalt  }
0x52: {  	_ =	shalt  }
0x53: {  	_ =	shalt  }
0x54: {  	_ =	shalt  }
0x55: {  	_ =	shalt  }
0x56: {  	_ =	shalt  }
0x57: {  	_ =	shalt  }
0x58: {  	_ =	shalt  }
0x59: {  	_ =	shalt  }
0x5a: {  	_ =	shalt  }
0x5b: {  	_ =	shalt  }
0x5c: {  	_ =	shalt  }
0x5d: {  	_ =	shalt  }
0x5e: {  	_ =	shalt  }
0x5f: {  	_ =	shalt  }
0x60: {  	_ =	shalt  }
0x61: {  	_ =	shalt  }
0x62: {  	_ =	shalt  }
0x63: {  	_ =	shalt  }
0x64: {  	_ =	shalt  }
0x65: {  	_ =	shalt  }
0x66: {  	_ =	shalt  }
0x67: {  	_ =	shalt  }
0x68: {  	_ =	shalt  }
0x69: {  	_ =	shalt  }
0x6a: {  	_ =	shalt  }
0x6b: {  	_ =	shalt  }
0x6c: {  	_ =	shalt  }
0x6d: {  	_ =	shalt  }
0x6e: {  	_ =	shalt  }
0x6f: {  	_ =	shalt  }
0x70: {  	_ =	shalt  }
0x71: {  	_ =	shalt  }
0x72: {  	_ =	shalt  }
0x73: {  	_ =	shalt  }
0x74: {  	_ =	shalt  }
0x75: {  	_ =	shalt  }
0x76: {  	_ =	shalt  }
0x77: {  	_ =	shalt  }
0x78: {  	_ =	shalt  }
0x79: {  	_ =	shalt  }
0x7a: {  	_ =	shalt  }
0x7b: {  	_ =	shalt  }
0x7c: {  	_ =	shalt  }
0x7d: {  	_ =	shalt  }
0x7e: {  	_ =	shalt  }
0x7f: {  	_ =	shalt  }
0x80: {  	_ =	shalt  }
0x81: {  	_ =	shalt  }
0x82: {  	_ =	shalt  }
0x83: {  	_ =	shalt  }
0x84: {  	_ =	shalt  }
0x85: {  	_ =	shalt  }
0x86: {  	_ =	shalt  }
0x87: {  	_ =	shalt  }
.Lfunc_end0:
.L_simem_size_0:
called_computation_lowered:
.L_overlay_start_0:
0x88: {  	s0 =	sld [smem:$0x3FD9]  }
0x89: {  	s1 =	sld [smem:$0x3FFE];
	_ =	sdelay $0x3  }
0x8a: {  	s0 =	sadd.s32 s1, s0  }
0x8b: {  	[smem:$0x3FC4] =	sst s0  }
0x8c: {  	_ = 	snop  }
0x8d: {  	s0 =	sld [smem:$0x3FC6];
	(tm) =	ssettm $0x1  }
0x8e: {  	s16 =	sld [smem:$0x3FFB];
	_ =	sdelay $0x3  }
0x8f: {  	_ =	strace s16  }
0x90: {  	s1 =	sld [smem:$0x3FFC];
	_ =	sdelay $0x3  }
0x91: {  	_ =	strace s1  }
0x92: {  	s1 =	sld [smem:$0x3FFD];
	_ =	sdelay $0x3  }
0x93: {  	_ =	strace s1  }
0x94: {  	_ =	strace $0x8FFFFFFF  }
0x95: {  	s17 =	sld [smem:$0x3FDB];
	_ =	sdelay $0x1  }
0x96: {  	s2 =	simm.s32 $_scs_section_size  }
0x97: {  	s3 =	simm.s32 $_size__tile_overlayer_lowered;
	s4 =	simm.s32 $_tile_overlayer_lowered  }
0x98: {  	s20 =	simm.s32 $0x1BFF;
	s19 =	sshll.u32 s4, $0x1;
	s1 =	sadd.s32 s2, s17  }
0x99: {  	s5 =	simm.s32 $0x0;
	s18 =	sshll.u32 s3, $0x1;
	s3 =	sadd.s32 s19, s1  }
0x9a: {  	[timem:s5], [sflag:s20] =	dma.local [hbm:s3], s18  }
0x9b: {  	_ =	swait.ge [sflag:s20], s18  }
0x9c: {  	s2 =	ssub.s32 $0x0, s18;
	[sflag:s20] =	ssyncset.done $0x0  }
0x9d: {  	[sflag:s20] =	ssyncadd.s32 s2;
	_ =	sdelay $0x1  }
0x9e: {  	s21 =	simm.s32 $0x1B8B  }
0x9f: {  	_ =	swait.ge [sflag:s21], $0x1  }
0xa0: {  	[sflag:s21] =	ssyncset.done $0x0  }
0xa1: {  	s23 =	simm.s32 $0x1B8E;
	s22 =	sld [smem:$0x3FFE];
	[sflag:s21] =	ssyncadd.s32 $0xFFFFFFFF  }
0xa2: {  	s24 =	simm.s32 $execute0_lowered;
	[smem:$0x3FD2] =	sst s23  }
0xa3: {  	s3 =	sshll.u32 s24, $0x1;
	_ =	strace $0x80000046;
	[dreg:$0x1] =	wrdreg $0xFFFFFFFF  }
0xa4: {  	s25 =	simm.s32 $_size_execute0_lowered;
	s1 =	sadd.s32 s1, s3;
	[dreg:$0x0] =	wrdreg $0x0  }
0xa5: {  	s3 =	sshll.u32 s25, $0x1;
	[dreg:$0x2] =	wrdreg s1  }
0xa6: {  	[dreg:$0x3] =	wrdreg s3  }
0xa7: {  	[dreg:$0x4] =	wrdreg $0xC0  }
0xa8: {  	_ =	task [dreg:s5], $0x5FFFF  }
0xa9: {  	[dreg:$0x1] =	wrdreg $0xFFFFFFFF  }
0xaa: {  	[dreg:$0x0] =	wrdreg $0x60  }
0xab: {  	[dreg:$0x2] =	wrdreg s0  }
0xac: {  	[dreg:$0x3] =	wrdreg s22  }
0xad: {  	[dreg:$0x4] =	wrdreg $0x19800  }
0xae: {  	[dreg:$0x5] =	wrdreg $0x9  }
0xaf: {  	_ =	task.clear_ibuf [dreg:s5], $0x6FFFF;
	_ =	strace $0x90000046  }
0xb0: {  	s26 =	simm.s32 $0x9;
	_ =	strace $0x80000048  }
0xb1: {  	_ =	swait.ge [sflag:s26], $0x1  }
0xb2: {  	[sflag:s26] =	ssyncadd.s32 $0xFFFFFFFF  }
0xb3: {  	_ =	strace $0x90000048  }
0xb4: {  	_ =	sfence  }
0xb5: {  	s28 =	sld [smem:$0x0];
	_ =	sdelay $0x1  }
0xb6: {  	s29 =	srdreg.scid  }
0xb7: {  	s30 =	sshll.u32 s29, $0xD;
	s31 =	sshrl.u32 s29, $0x2  }
0xb8: {  	s2 =	sand.u32 $0x4000, s30;
	s1 =	sand.u32 $0x1, s29;
	s0 =	sadd.s32 s31, s28  }
0xb9: {  	s1 =	sor.u32 s2, s1;
	s0 =	sshll.u32 s0, $0x11  }
0xba: {  	s0 =	sor.u32 s0, s1  }
0xbb: {  	s0 =	sadd.s32 $0x8F2B, s0  }
0xbc: {  	[sflag:s0] =	ssyncadd.remote.s32 $0x1  }
0xbd: {  	_ =	sfence.sel $0xFFFF  }
0xbe: {  	[dreg:$0x0] =	wrdreg $0xFFFFFFFF;
	(pc) =	sbr.abs _section_cstart, $3  }
0xbf: {  	[dreg:$0x1] =	wrdreg $0xFFFFFFFF  }
0xc0: {  	_ =	task.clear_ibuf [dreg:s5], $0x2FFFF;
	_ =	strace $0x9FFFFFFF  }
0xc1: {  	(tm) =	ssettm $0x7FFFFFFF  }
tec
execute0_lowered:
.L_overlay_start_1:
0x0: {  	(tag) =	ssettag $0x1  }
0x1: {  	s3 =	rddreg [dreg:$0x0]  }
0x2: {  	s2 =	rddreg [dreg:$0x1]  }
0x3: {  	s1 =	rddreg [dreg:$0x2]  }
0x4: {  	s0 =	rddreg [dreg:$0x3]  }
0x5: {  	s4 =	simm.s32 $0x0;
	s5 =	stileid.u32;
	s12 =	simm.s32 $0x80  }
0x6: {  	s7 =	simm.s32 $0x100;
	[smem:$0x7FF] =	sst s4;
	s6 =	sshll.u32 s5, $0x9  }
0x7: {  	s13 =	simm.s32 $0x1;
	_ =	strace $0x80000047;
	s6 =	sadd.s32 s3, s6  }
0x8: {  	[tilespmem:s4], [sflag:$0x1] =	stream.strided.gather [hbm4b:s6+s12], $0x800, s7, s12, $0x38;
	[tilespmem:$0x1990] =	vst v63  }
0x9: {  	_ =	swait.ge [sflag:s13], $0x800  }
0xa: {  	[sflag:s13] =	ssyncset.done $0x0  }
0xb: {  	s8 =	simm.s32 $0x800;
	s6 =	sadd.s32 $0x10, s6;
	[sflag:s13] =	ssyncadd.s32 $0xFFFFF800  }
0xc: {  	[tilespmem:s8], [sflag:$0x1] =	stream.strided.gather [hbm4b:s6+s12], $0x800, s7, s12, $0x38;
	[tilespmem:$0x1990] =	vst v63  }
0xd: {  	_ =	swait.ge [sflag:s13], $0x800  }
0xe: {  	[sflag:s13] =	ssyncset.done $0x0  }
0xf: {  	[sflag:s13] =	ssyncadd.s32 $0xFFFFF800  }
0x10: {  	v61 =	vld [tilespmem:$0x9F0];
	_ =	sdelay $0x4  }
0x11: {  	[tilespmem:$0x1FB10] =	vst v61;
	v61 =	vld [tilespmem:$0x200];
	_ =	sdelay $0x4  }
0x12: {  	[tilespmem:$0x1FB20] =	vst v61;
	v61 =	vld [tilespmem:$0xA00];
	_ =	sdelay $0x4  }
0x13: {  	[tilespmem:$0x1FB30] =	vst v61;
	v61 =	vld [tilespmem:$0x210];
	_ =	sdelay $0x4  }
0x14: {  	[tilespmem:$0x1FB40] =	vst v61;
	v61 =	vld [tilespmem:$0xA10];
	_ =	sdelay $0x4  }
0x15: {  	[tilespmem:$0x1FB50] =	vst v61;
	v61 =	vld [tilespmem:$0x220];
	_ =	sdelay $0x4  }
0x16: {  	[tilespmem:$0x1FB60] =	vst v61;
	v61 =	vld [tilespmem:$0xA20];
	_ =	sdelay $0x4  }
0x17: {  	[tilespmem:$0x1FB70] =	vst v61;
	v61 =	vld [tilespmem:$0x230];
	_ =	sdelay $0x4  }
0x18: {  	[tilespmem:$0x1FB80] =	vst v61;
	v61 =	vld [tilespmem:$0xA30];
	_ =	sdelay $0x4  }
0x19: {  	[tilespmem:$0x1FB90] =	vst v61;
	v61 =	vld [tilespmem:$0x240];
	_ =	sdelay $0x4  }
0x1a: {  	[tilespmem:$0x1FBA0] =	vst v61;
	v61 =	vld [tilespmem:$0xA40];
	_ =	sdelay $0x4  }
0x1b: {  	[tilespmem:$0x1FBB0] =	vst v61;
	v61 =	vld [tilespmem:$0x250];
	_ =	sdelay $0x4  }
0x1c: {  	[tilespmem:$0x1FBC0] =	vst v61;
	v61 =	vld [tilespmem:$0xA50];
	_ =	sdelay $0x4  }
0x1d: {  	[tilespmem:$0x1FBD0] =	vst v61;
	v61 =	vld [tilespmem:$0x260];
	_ =	sdelay $0x2  }
0x1e: {  	v1 =	vld [tilespmem:$0x0]  }
0x1f: {  	v2 =	vld [tilespmem:$0x800]  }
0x20: {  	[tilespmem:$0x1FBE0] =	vst v61;
	v61 =	vld [tilespmem:$0xA60]  }
0x21: {  	v3 =	vld [tilespmem:$0x10]  }
0x22: {  	v4 =	vld [tilespmem:$0x810]  }
0x23: {  	v5 =	vld [tilespmem:$0x20]  }
0x24: {  	v6 =	vld [tilespmem:$0x820]  }
0x25: {  	[tilespmem:$0x1FBF0] =	vst v61;
	v61 =	vld [tilespmem:$0x270]  }
0x26: {  	v7 =	vld [tilespmem:$0x30]  }
0x27: {  	v8 =	vld [tilespmem:$0x830]  }
0x28: {  	v9 =	vld [tilespmem:$0x40]  }
0x29: {  	v10 =	vld [tilespmem:$0x840]  }
0x2a: {  	[tilespmem:$0x1FC00] =	vst v61;
	v61 =	vld [tilespmem:$0xA70]  }
0x2b: {  	v11 =	vld [tilespmem:$0x50]  }
0x2c: {  	v12 =	vld [tilespmem:$0x850]  }
0x2d: {  	v13 =	vld [tilespmem:$0x60]  }
0x2e: {  	v14 =	vld [tilespmem:$0x860]  }
0x2f: {  	[tilespmem:$0x1FC10] =	vst v61;
	v61 =	vld [tilespmem:$0x280]  }
0x30: {  	v15 =	vld [tilespmem:$0x70]  }
0x31: {  	v16 =	vld [tilespmem:$0x870]  }
0x32: {  	v17 =	vld [tilespmem:$0x80]  }
0x33: {  	v18 =	vld [tilespmem:$0x880]  }
0x34: {  	[tilespmem:$0x1FC20] =	vst v61;
	v61 =	vld [tilespmem:$0xA80]  }
0x35: {  	v19 =	vld [tilespmem:$0x90]  }
0x36: {  	v20 =	vld [tilespmem:$0x890]  }
0x37: {  	v21 =	vld [tilespmem:$0xA0]  }
0x38: {  	v60 =	vld [tilespmem:$0x8A0]  }
0x39: {  	[tilespmem:$0x1FC30] =	vst v61;
	v61 =	vld [tilespmem:$0x290]  }
0x3a: {  	v22 =	vld [tilespmem:$0xB0]  }
0x3b: {  	v63 =	vld [tilespmem:$0x8B0]  }
0x3c: {  	v23 =	vld [tilespmem:$0xC0]  }
0x3d: {  	v53 =	vld [tilespmem:$0x8C0]  }
0x3e: {  	[tilespmem:$0x1FC40] =	vst v61;
	v61 =	vld [tilespmem:$0xA90]  }
0x3f: {  	v24 =	vld [tilespmem:$0xD0]  }
0x40: {  	v48 =	vld [tilespmem:$0x8D0]  }
0x41: {  	v25 =	vld [tilespmem:$0xE0]  }
0x42: {  	v44 =	vld [tilespmem:$0x8E0]  }
0x43: {  	[tilespmem:$0x1FC50] =	vst v61;
	v61 =	vld [tilespmem:$0x2A0]  }
0x44: {  	v26 =	vld [tilespmem:$0xF0]  }
0x45: {  	v40 =	vld [tilespmem:$0x8F0]  }
0x46: {  	v27 =	vld [tilespmem:$0x100]  }
0x47: {  	v38 =	vld [tilespmem:$0x900]  }
0x48: {  	[tilespmem:$0x1FC60] =	vst v61;
	v61 =	vld [tilespmem:$0xAA0]  }
0x49: {  	v28 =	vld [tilespmem:$0x110]  }
0x4a: {  	v32 =	vld [tilespmem:$0x910]  }
0x4b: {  	v29 =	vld [tilespmem:$0x120]  }
0x4c: {  	v31 =	vld [tilespmem:$0x920]  }
0x4d: {  	[tilespmem:$0x1FC70] =	vst v61;
	v61 =	vld [tilespmem:$0x2B0]  }
0x4e: {  	v30 =	vld [tilespmem:$0x130]  }
0x4f: {  	v34 =	vld [tilespmem:$0x930]  }
0x50: {  	v33 =	vld [tilespmem:$0x140]  }
0x51: {  	v35 =	vld [tilespmem:$0x940]  }
0x52: {  	[tilespmem:$0x1FC80] =	vst v61;
	v61 =	vld [tilespmem:$0xAB0]  }
0x53: {  	v36 =	vld [tilespmem:$0x150]  }
0x54: {  	v39 =	vld [tilespmem:$0x950]  }
0x55: {  	v37 =	vld [tilespmem:$0x160]  }
0x56: {  	v41 =	vld [tilespmem:$0x960]  }
0x57: {  	[tilespmem:$0x1FC90] =	vst v61;
	v61 =	vld [tilespmem:$0x2C0]  }
0x58: {  	v42 =	vld [tilespmem:$0x170]  }
0x59: {  	v45 =	vld [tilespmem:$0x970]  }
0x5a: {  	v43 =	vld [tilespmem:$0x180]  }
0x5b: {  	v47 =	vld [tilespmem:$0x980]  }
0x5c: {  	[tilespmem:$0x1FCA0] =	vst v61;
	v61 =	vld [tilespmem:$0xAC0]  }
0x5d: {  	v46 =	vld [tilespmem:$0x190]  }
0x5e: {  	v50 =	vld [tilespmem:$0x990]  }
0x5f: {  	v49 =	vld [tilespmem:$0x1A0]  }
0x60: {  	v52 =	vld [tilespmem:$0x9A0]  }
0x61: {  	[tilespmem:$0x1FCB0] =	vst v61;
	v61 =	vld [tilespmem:$0x2D0]  }
0x62: {  	v51 =	vld [tilespmem:$0x1B0]  }
0x63: {  	v54 =	vld [tilespmem:$0x9B0]  }
0x64: {  	v55 =	vld [tilespmem:$0x1C0]  }
0x65: {  	v0 =	vld [tilespmem:$0x1F0]  }
0x66: {  	[tilespmem:$0x1FCC0] =	vst v61;
	v61 =	vld [tilespmem:$0xAD0]  }
0x67: {  	v57 =	vld [tilespmem:$0x9C0]  }
0x68: {  	v56 =	vld [tilespmem:$0x1D0]  }
0x69: {  	v59 =	vld [tilespmem:$0x9D0]  }
0x6a: {  	v58 =	vld [tilespmem:$0x1E0];
	[tilespmem:$0x1FB00] =	vst v0  }
0x6b: {  	v62 =	vld [tilespmem:$0x9E0];
	[tilespmem:$0x1FCD0] =	vst v61  }
0x6c: {  	v0 =	vld [tilespmem:$0x2E0]  }
0x6d: {  	v5 =	vshll.u32 v5, $0x4;
	v61 =	vld [tilespmem:$0xAE0]  }
0x6e: {  	v5 =	vadd.s32 v6, v5;
	v6 =	vshll.u32 v7, $0x4;
	v7 =	vld [tilespmem:$0xC30]  }
0x6f: {  	v8 =	vadd.s32 v8, v6;
	[tilespmem:$0x1020] =	vst v5;
	v5 =	vld [tilespmem:$0x440]  }
0x70: {  	[tilespmem:$0x1030] =	vst v8;
	v8 =	vld [tilespmem:$0xC40]  }
0x71: {  	[tilespmem:$0x1FCE0] =	vst v0  }
0x72: {  	[tilespmem:$0x1FCF0] =	vst v61  }
0x73: {  	[tilespmem:$0x1FF80] =	vst v7  }
0x74: {  	[tilespmem:$0x1FF90] =	vst v5  }
0x75: {  	v0 =	vimm.f32 $1.000000000e+00;
	[tilespmem:$0x1FFA0] =	vst v8  }
0x76: {  	[tilespmem:$0x1800] =	vst v0  }
0x77: {  	[tilespmem:$0x1810] =	vst v0  }
0x78: {  	[tilespmem:$0x1820] =	vst v0  }
0x79: {  	[tilespmem:$0x1830] =	vst v0  }
0x7a: {  	[tilespmem:$0x1840] =	vst v0  }
0x7b: {  	v61 =	vld [tilespmem:$0x2F0];
	[tilespmem:$0x1850] =	vst v0  }
0x7c: {  	p0 =	sne.s32 s5, $0x0;
	[tilespmem:$0x1860] =	vst v0  }
0x7d: {  	[tilespmem:$0x1870] =	vst v0;
	v0 =	vimm.f32 @!p0 $0.0e+00  }
0x7e: {  	[tilespmem:$0x1880] =	vst @!p0 v0  }
0x7f: {  	[tilespmem:$0x1890] =	vst @!p0 v0  }
0x80: {  	[tilespmem:$0x1FD00] =	vst v61;
	v61 =	vld [tilespmem:$0xAF0]  }
0x81: {  	[tilespmem:$0x18A0] =	vst @!p0 v0  }
0x82: {  	[tilespmem:$0x18B0] =	vst @!p0 v0  }
0x83: {  	[tilespmem:$0x18C0] =	vst @!p0 v0  }
0x84: {  	[tilespmem:$0x18D0] =	vst @!p0 v0  }
0x85: {  	[tilespmem:$0x1FD10] =	vst v61;
	v61 =	vld [tilespmem:$0x300]  }
0x86: {  	[tilespmem:$0x18E0] =	vst @!p0 v0  }
0x87: {  	[tilespmem:$0x18F0] =	vst @!p0 v0  }
0x88: {  	[tilespmem:$0x1900] =	vst @!p0 v0  }
0x89: {  	[tilespmem:$0x1910] =	vst @!p0 v0  }
0x8a: {  	[tilespmem:$0x1FD20] =	vst v61;
	v61 =	vld [tilespmem:$0xB00]  }
0x8b: {  	[tilespmem:$0x1920] =	vst @!p0 v0  }
0x8c: {  	[tilespmem:$0x1930] =	vst @!p0 v0  }
0x8d: {  	[tilespmem:$0x1940] =	vst @!p0 v0  }
0x8e: {  	v7 =	vshll.u32 v11, $0x4;
	v11 =	vld [tilespmem:$0x450];
	[tilespmem:$0x1950] =	vst @!p0 v0  }
0x8f: {  	[tilespmem:$0x1FD30] =	vst v61;
	v61 =	vld [tilespmem:$0x310]  }
0x90: {  	v1 =	vshll.u32 v1, $0x4;
	v5 =	vld [tilespmem:$0xC60];
	[tilespmem:$0x1960] =	vst @!p0 v0  }
0x91: {  	v8 =	vld [tilespmem:$0x470];
	[tilespmem:$0x1970] =	vst @!p0 v0;
	v0 =	vadd.s32 v2, v1;
	v1 =	vshll.u32 v3, $0x4  }
0x92: {  	[tilespmem:$0x1000] =	vst v0;
	v0 =	vadd.s32 v4, v1;
	v4 =	vld [tilespmem:$0x430]  }
0x93: {  	v2 =	vld [tilespmem:$0xC20];
	[tilespmem:$0x1010] =	vst v0  }
0x94: {  	[tilespmem:$0x1FD40] =	vst v61;
	v61 =	vld [tilespmem:$0xB10]  }
0x95: {  	v0 =	vld [tilespmem:$0x4F0];
	[tilespmem:$0x1FFE0] =	vst v5  }
0x96: {  	[tilespmem:$0x1FFF0] =	vst v8;
	v8 =	vld [tilespmem:$0x4E0]  }
0x97: {  	v5 =	vld [tilespmem:$0xCE0];
	[tilespmem:$0x1FF70] =	vst v4;
	v4 =	vshll.u32 v9, $0x4;
	v9 =	vadd.s32 v12, v7;
	v7 =	vshll.u32 v21, $0x4  }
0x98: {  	[tilespmem:$0x1050] =	vst v9;
	v9 =	vadd.s32 v60, v7;
	v60 =	vld [tilespmem:$0xC70]  }
0x99: {  	[tilespmem:$0x1FD50] =	vst v61;
	v61 =	vld [tilespmem:$0x320]  }
0x9a: {  	v6 =	vadd.s32 v10, v4;
	v10 =	vshll.u32 v13, $0x4;
	v7 =	vshll.u32 v51, $0x4;
	v51 =	vld [tilespmem:$0x1FC30]  }
0x9b: {  	v13 =	vshll.u32 v15, $0x4;
	v12 =	vadd.s32 v14, v10;
	v14 =	vld [tilespmem:$0xC50]  }
0x9c: {  	v4 =	vshll.u32 v19, $0x4;
	v15 =	vadd.s32 v16, v13;
	v16 =	vshll.u32 v17, $0x4;
	v17 =	vld [tilespmem:$0x460]  }
0x9d: {  	[tilespmem:$0x1040] =	vst v6;
	v6 =	vadd.s32 v20, v4;
	v20 =	vshll.u32 v27, $0x4;
	v27 =	vld [tilespmem:$0x1FB70]  }
0x9e: {  	[tilespmem:$0x1FD60] =	vst v61;
	v61 =	vld [tilespmem:$0xB20]  }
0x9f: {  	v10 =	vshll.u32 v22, $0x4;
	v22 =	vshll.u32 v28, $0x4;
	v28 =	vld [tilespmem:$0x1FB80]  }
0xa0: {  	[tilespmem:$0x10A0] =	vst v9;
	v9 =	vshll.u32 v55, $0x4;
	v55 =	vld [tilespmem:$0x1FC50]  }
0xa1: {  	[tilespmem:$0x1FFB0] =	vst v11;
	v11 =	vadd.s32 v63, v10;
	v63 =	vld [tilespmem:$0x480]  }
0xa2: {  	v21 =	vadd.s32 v38, v20;
	v38 =	vld [tilespmem:$0xCA0]  }
0xa3: {  	[tilespmem:$0x1FD70] =	vst v61;
	v61 =	vld [tilespmem:$0x330]  }
0xa4: {  	[tilespmem:$0x1060] =	vst v12;
	v12 =	vshll.u32 v23, $0x4;
	v23 =	vadd.s32 v32, v22;
	v32 =	vld [tilespmem:$0x4B0]  }
0xa5: {  	v3 =	vadd.s32 v54, v7;
	v20 =	vld [tilespmem:$0xCC0]  }
0xa6: {  	[tilespmem:$0x11B0] =	vst v3;
	v3 =	vld [tilespmem:$0xD00]  }
0xa7: {  	[tilespmem:$0x1090] =	vst v6;
	v6 =	vshll.u32 v49, $0x4;
	v49 =	vld [tilespmem:$0x1FC20]  }
0xa8: {  	[tilespmem:$0x1FD80] =	vst v61;
	v61 =	vld [tilespmem:$0xB30]  }
0xa9: {  	v8 =	vshll.u32 v8, $0x4;
	v10 =	vshll.u32 v56, $0x4;
	v56 =	vld [tilespmem:$0x1FC60]  }
0xaa: {  	v5 =	vadd.s32 v5, v8;
	v8 =	vld [tilespmem:$0xE90]  }
0xab: {  	v4 =	vadd.s32 v57, v9;
	v13 =	vadd.s32 v53, v12;
	v53 =	vld [tilespmem:$0xC80]  }
0xac: {  	[tilespmem:$0x11C0] =	vst v4;
	v4 =	vld [tilespmem:$0x510]  }
0xad: {  	[tilespmem:$0x1FD90] =	vst v61;
	v61 =	vld [tilespmem:$0x340]  }
0xae: {  	v12 =	vld [tilespmem:$0x1FB00]  }
0xaf: {  	[tilespmem:$0x1100] =	vst v21;
	v21 =	vld [tilespmem:$0x1FB40]  }
0xb0: {  	[tilespmem:$0x1110] =	vst v23;
	v23 =	vld [tilespmem:$0x1FB50]  }
0xb1: {  	[tilespmem:$0x1FF60] =	vst v2;
	v2 =	vadd.s32 v52, v6;
	v52 =	vld [tilespmem:$0x1FC40]  }
0xb2: {  	[tilespmem:$0x1FDA0] =	vst v61;
	v61 =	vld [tilespmem:$0xB40]  }
0xb3: {  	v18 =	vadd.s32 v18, v16;
	[tilespmem:$0x10B0] =	vst v11;
	v11 =	vshll.u32 v58, $0x4;
	v58 =	vld [tilespmem:$0x1FC70]  }
0xb4: {  	[tilespmem:$0x1080] =	vst v18;
	v6 =	vadd.s32 v59, v10;
	v59 =	vld [tilespmem:$0x1FC80]  }
0xb5: {  	v18 =	vshll.u32 v26, $0x4;
	[tilespmem:$0x14E0] =	vst v5;
	v5 =	vld [tilespmem:$0xEB0]  }
0xb6: {  	v19 =	vadd.s32 v40, v18;
	v40 =	vld [tilespmem:$0x4A0]  }
0xb7: {  	[tilespmem:$0x1FDB0] =	vst v61;
	v61 =	vld [tilespmem:$0x350]  }
0xb8: {  	[tilespmem:$0x11A0] =	vst v2;
	v2 =	vld [tilespmem:$0x500]  }
0xb9: {  	[tilespmem:$0x11D0] =	vst v6;
	v7 =	vadd.s32 v62, v11;
	v6 =	vld [tilespmem:$0xD10]  }
0xba: {  	[tilespmem:$0x11E0] =	vst v7;
	v7 =	vld [tilespmem:$0x520]  }
0xbb: {  	[tilespmem:$0x10F0] =	vst v19;
	v19 =	vld [tilespmem:$0x1FB30]  }
0xbc: {  	v16 =	vshll.u32 v25, $0x4;
	[tilespmem:$0x1FDC0] =	vst v61;
	v61 =	vld [tilespmem:$0xB50]  }
0xbd: {  	[tilespmem:$0x1FFD0] =	vst v17;
	v17 =	vadd.s32 v44, v16;
	v44 =	vld [tilespmem:$0xC90]  }
0xbe: {  	[tilespmem:$0x1FFC0] =	vst v14;
	v14 =	vshll.u32 v24, $0x4;
	v24 =	vshll.u32 v29, $0x4;
	v29 =	vld [tilespmem:$0xCB0]  }
0xbf: {  	v16 =	vld [tilespmem:$0x4D0]  }
0xc0: {  	v26 =	vshll.u32 v30, $0x4;
	v30 =	vshll.u32 v28, $0x4;
	v28 =	vld [tilespmem:$0x1FCA0]  }
0xc1: {  	[tilespmem:$0x1FDD0] =	vst v61;
	v61 =	vld [tilespmem:$0x360]  }
0xc2: {  	[tilespmem:$0x1070] =	vst v15;
	v15 =	vadd.s32 v48, v14;
	v48 =	vld [tilespmem:$0x490]  }
0xc3: {  	v25 =	vadd.s32 v31, v24;
	v24 =	vld [tilespmem:$0x4C0]  }
0xc4: {  	v14 =	vld [tilespmem:$0xCD0]  }
0xc5: {  	[tilespmem:$0x10E0] =	vst v17;
	v17 =	vld [tilespmem:$0x1FB20]  }
0xc6: {  	v33 =	vshll.u32 v33, $0x4;
	[tilespmem:$0x1FDE0] =	vst v61;
	v61 =	vld [tilespmem:$0xB60]  }
0xc7: {  	v31 =	vadd.s32 v34, v26;
	v34 =	vadd.s32 v35, v33;
	v33 =	vld [tilespmem:$0x1FBA0]  }
0xc8: {  	[tilespmem:$0x10D0] =	vst v15;
	v15 =	vld [tilespmem:$0x1FB10]  }
0xc9: {  	[tilespmem:$0x1120] =	vst v25;
	v25 =	vld [tilespmem:$0x1FB60]  }
0xca: {  	[tilespmem:$0x1130] =	vst v31;
	v31 =	vld [tilespmem:$0x1FB90]  }
0xcb: {  	v35 =	vshll.u32 v36, $0x4;
	[tilespmem:$0x1FDF0] =	vst v61;
	v61 =	vld [tilespmem:$0x370]  }
0xcc: {  	v37 =	vshll.u32 v37, $0x4;
	v36 =	vadd.s32 v39, v35;
	v35 =	vld [tilespmem:$0x1FBB0]  }
0xcd: {  	v39 =	vadd.s32 v41, v37;
	[tilespmem:$0x1150] =	vst v36;
	v36 =	vld [tilespmem:$0x1FBC0]  }
0xce: {  	v41 =	vshll.u32 v42, $0x4;
	[tilespmem:$0x1160] =	vst v39;
	v39 =	vld [tilespmem:$0x1FBD0]  }
0xcf: {  	v42 =	vadd.s32 v45, v41;
	v41 =	vld [tilespmem:$0x1FBE0]  }
0xd0: {  	v43 =	vshll.u32 v43, $0x4;
	v22 =	vshll.u32 v21, $0x4;
	[tilespmem:$0x1FE00] =	vst v61;
	v61 =	vld [tilespmem:$0xB70]  }
0xd1: {  	v45 =	vadd.s32 v47, v43;
	v11 =	vadd.s32 v23, v22;
	v43 =	vld [tilespmem:$0x1FBF0]  }
0xd2: {  	[tilespmem:$0x1210] =	vst v11;
	v11 =	vld [tilespmem:$0xD30]  }
0xd3: {  	v47 =	vshll.u32 v46, $0x4;
	[tilespmem:$0x1180] =	vst v45;
	v45 =	vld [tilespmem:$0x1FC00]  }
0xd4: {  	v54 =	vshll.u32 v52, $0x4;
	v1 =	vadd.s32 v50, v47;
	v47 =	vld [tilespmem:$0x1FC10]  }
0xd5: {  	v57 =	vshll.u32 v56, $0x4;
	v22 =	vadd.s32 v55, v54;
	[tilespmem:$0x1FE10] =	vst v61;
	v61 =	vld [tilespmem:$0x380]  }
0xd6: {  	v23 =	vadd.s32 v58, v57;
	[tilespmem:$0x1290] =	vst v22;
	v22 =	vld [tilespmem:$0xD70]  }
0xd7: {  	v40 =	vshll.u32 v40, $0x4;
	[tilespmem:$0x12A0] =	vst v23;
	v23 =	vld [tilespmem:$0x580]  }
0xd8: {  	v38 =	vadd.s32 v38, v40;
	v40 =	vld [tilespmem:$0xE70]  }
0xd9: {  	[tilespmem:$0x1190] =	vst v1;
	v1 =	vld [tilespmem:$0xCF0]  }
0xda: {  	v32 =	vshll.u32 v32, $0x4;
	v50 =	vshll.u32 v49, $0x4;
	[tilespmem:$0x1FE20] =	vst v61;
	v61 =	vld [tilespmem:$0xB80]  }
0xdb: {  	v21 =	vadd.s32 v51, v50;
	v29 =	vadd.s32 v29, v32;
	v32 =	vld [tilespmem:$0x680]  }
0xdc: {  	[tilespmem:$0x1280] =	vst v21;
	v21 =	vld [tilespmem:$0x570]  }
0xdd: {  	[tilespmem:$0x1140] =	vst v34;
	v16 =	vshll.u32 v16, $0x4;
	v34 =	vshll.u32 v33, $0x4;
	v33 =	vld [tilespmem:$0x1FCC0]  }
0xde: {  	[tilespmem:$0x10C0] =	vst v13;
	v14 =	vadd.s32 v14, v16;
	v16 =	vld [tilespmem:$0x690]  }
0xdf: {  	v13 =	vshll.u32 v12, $0x4;
	[tilespmem:$0x1FE30] =	vst v61;
	v61 =	vld [tilespmem:$0x390]  }
0xe0: {  	v9 =	vadd.s32 v15, v13;
	v13 =	vadd.s32 v31, v30;
	v31 =	vld [tilespmem:$0x1FCB0]  }
0xe1: {  	v48 =	vshll.u32 v48, $0x4;
	v15 =	vadd.s32 v35, v34;
	v35 =	vld [tilespmem:$0x1FCD0]  }
0xe2: {  	v24 =	vshll.u32 v24, $0x4;
	v44 =	vadd.s32 v44, v48;
	v48 =	vld [tilespmem:$0x670]  }
0xe3: {  	v20 =	vadd.s32 v20, v24;
	v24 =	vld [tilespmem:$0xE80]  }
0xe4: {  	v18 =	vshll.u32 v17, $0x4;
	[tilespmem:$0x1FE40] =	vst v61;
	v61 =	vld [tilespmem:$0xB90]  }
0xe5: {  	v10 =	vadd.s32 v19, v18;
	[tilespmem:$0x11F0] =	vst v9;
	v9 =	vld [tilespmem:$0xD20]  }
0xe6: {  	[tilespmem:$0x1200] =	vst v10;
	v10 =	vld [tilespmem:$0x530]  }
0xe7: {  	[tilespmem:$0x1230] =	vst v13;
	v13 =	vld [tilespmem:$0xD40]  }
0xe8: {  	[tilespmem:$0x1240] =	vst v15;
	v15 =	vld [tilespmem:$0x550]  }
0xe9: {  	v26 =	vshll.u32 v25, $0x4;
	[tilespmem:$0x1FE50] =	vst v61;
	v61 =	vld [tilespmem:$0x3A0]  }
0xea: {  	v12 =	vadd.s32 v27, v26;
	v27 =	vld [tilespmem:$0x1FC90]  }
0xeb: {  	v37 =	vshll.u32 v36, $0x4;
	v36 =	vld [tilespmem:$0x1FCE0]  }
0xec: {  	[tilespmem:$0x1170] =	vst v42;
	v42 =	vshll.u32 v41, $0x4;
	v41 =	vld [tilespmem:$0x1FD00]  }
0xed: {  	[tilespmem:$0x1490] =	vst v44;
	v44 =	vshll.u32 v2, $0x4;
	v2 =	vld [tilespmem:$0x6A0]  }
0xee: {  	[tilespmem:$0x1FE60] =	vst v61;
	v61 =	vld [tilespmem:$0xBA0]  }
0xef: {  	[tilespmem:$0x1220] =	vst v12;
	v12 =	vld [tilespmem:$0x540]  }
0xf0: {  	v17 =	vadd.s32 v39, v37;
	v39 =	vld [tilespmem:$0x1FCF0]  }
0xf1: {  	v18 =	vadd.s32 v43, v42;
	v43 =	vld [tilespmem:$0x1FD10]  }
0xf2: {  	v46 =	vshll.u32 v45, $0x4;
	v45 =	vld [tilespmem:$0x1FD20]  }
0xf3: {  	[tilespmem:$0x1FE70] =	vst v61;
	v61 =	vld [tilespmem:$0x3B0]  }
0xf4: {  	[tilespmem:$0x1250] =	vst v17;
	v17 =	vld [tilespmem:$0xD50]  }
0xf5: {  	[tilespmem:$0x1260] =	vst v18;
	v18 =	vld [tilespmem:$0x560]  }
0xf6: {  	v19 =	vadd.s32 v47, v46;
	v47 =	vld [tilespmem:$0x1FD30]  }
0xf7: {  	[tilespmem:$0x1270] =	vst v19;
	v19 =	vld [tilespmem:$0xD60]  }
0xf8: {  	[tilespmem:$0x1FE80] =	vst v61;
	v61 =	vld [tilespmem:$0xBB0]  }
0xf9: {  	v30 =	vshll.u32 v28, $0x4;
	v49 =	vld [tilespmem:$0x1FD40];
	v21 =	vshll.u32 v21, $0x4  }
0xfa: {  	v26 =	vadd.s32 v31, v30;
	v22 =	vadd.s32 v22, v21;
	v21 =	vld [tilespmem:$0xF20]  }
0xfb: {  	[tilespmem:$0x12C0] =	vst v26;
	v26 =	vld [tilespmem:$0x590]  }
0xfc: {  	v62 =	vshll.u32 v59, $0x4;
	[tilespmem:$0x1570] =	vst v22;
	v22 =	vld [tilespmem:$0x730]  }
0xfd: {  	v34 =	vshll.u32 v33, $0x4;
	v25 =	vadd.s32 v27, v62;
	[tilespmem:$0x1FE90] =	vst v61;
	v61 =	vld [tilespmem:$0x3C0]  }
0xfe: {  	v27 =	vadd.s32 v35, v34;
	[tilespmem:$0x12B0] =	vst v25;
	v25 =	vld [tilespmem:$0xD80]  }
0xff: {  	v37 =	vshll.u32 v36, $0x4;
	v10 =	vshll.u32 v10, $0x4;
	[tilespmem:$0x12D0] =	vst v27;
	v27 =	vld [tilespmem:$0xD90]  }
0x100: {  	v28 =	vadd.s32 v39, v37;
	v11 =	vadd.s32 v11, v10;
	v10 =	vld [tilespmem:$0xED0]  }
0x101: {  	v42 =	vshll.u32 v41, $0x4;
	[tilespmem:$0x12E0] =	vst v28;
	v28 =	vld [tilespmem:$0x5A0]  }
0x102: {  	v30 =	vadd.s32 v43, v42;
	[tilespmem:$0x1FEA0] =	vst v61;
	v61 =	vld [tilespmem:$0xBC0]  }
0x103: {  	[tilespmem:$0x12F0] =	vst v30;
	v30 =	vld [tilespmem:$0xDA0]  }
0x104: {  	v12 =	vshll.u32 v12, $0x4;
	[tilespmem:$0x1530] =	vst v11;
	v11 =	vld [tilespmem:$0x6E0]  }
0x105: {  	[tilespmem:$0x14D0] =	vst v14;
	v14 =	vadd.s32 v13, v12;
	v12 =	vld [tilespmem:$0xEE0]  }
0x106: {  	v13 =	vld [tilespmem:$0x6F0]  }
0x107: {  	v15 =	vshll.u32 v15, $0x4;
	[tilespmem:$0x1FEB0] =	vst v61;
	v61 =	vld [tilespmem:$0x3D0]  }
0x108: {  	v46 =	vshll.u32 v45, $0x4;
	v17 =	vadd.s32 v17, v15;
	v15 =	vld [tilespmem:$0x700]  }
0x109: {  	v31 =	vadd.s32 v47, v46;
	v51 =	vld [tilespmem:$0x1FD50]  }
0x10a: {  	[tilespmem:$0x1300] =	vst v31;
	v31 =	vld [tilespmem:$0x5B0]  }
0x10b: {  	[tilespmem:$0x1540] =	vst v14;
	v14 =	vld [tilespmem:$0xEF0]  }
0x10c: {  	[tilespmem:$0x1FEC0] =	vst v61;
	v61 =	vld [tilespmem:$0xBD0]  }
0x10d: {  	v18 =	vshll.u32 v18, $0x4;
	[tilespmem:$0x1550] =	vst v17;
	v17 =	vld [tilespmem:$0xF00]  }
0x10e: {  	[tilespmem:$0x14C0] =	vst v20;
	v20 =	vadd.s32 v19, v18;
	v18 =	vld [tilespmem:$0x710]  }
0x10f: {  	v19 =	vld [tilespmem:$0xF10]  }
0x110: {  	v52 =	vld [tilespmem:$0x1FD60]  }
0x111: {  	[tilespmem:$0x1FED0] =	vst v61;
	v61 =	vld [tilespmem:$0x3E0]  }
0x112: {  	v55 =	vld [tilespmem:$0x1FD70]  }
0x113: {  	v56 =	vld [tilespmem:$0x1FD80]  }
0x114: {  	v58 =	vld [tilespmem:$0x1FD90]  }
0x115: {  	v50 =	vshll.u32 v49, $0x4;
	[tilespmem:$0x1560] =	vst v20;
	v20 =	vld [tilespmem:$0x720]  }
0x116: {  	v33 =	vadd.s32 v51, v50;
	v54 =	vshll.u32 v52, $0x4;
	[tilespmem:$0x1FEE0] =	vst v61;
	v61 =	vld [tilespmem:$0xBE0]  }
0x117: {  	[tilespmem:$0x1310] =	vst v33;
	v33 =	vld [tilespmem:$0xDB0];
	v34 =	vadd.s32 v55, v54  }
0x118: {  	[tilespmem:$0x1320] =	vst v34;
	v34 =	vld [tilespmem:$0x5C0];
	v57 =	vshll.u32 v56, $0x4  }
0x119: {  	v35 =	vadd.s32 v58, v57;
	v59 =	vld [tilespmem:$0x1FDA0]  }
0x11a: {  	[tilespmem:$0x1330] =	vst v35;
	v35 =	vld [tilespmem:$0xDC0]  }
0x11b: {  	[tilespmem:$0x1FEF0] =	vst v61;
	v61 =	vld [tilespmem:$0x3F0]  }
0x11c: {  	v39 =	vld [tilespmem:$0x1FDB0]  }
0x11d: {  	v41 =	vld [tilespmem:$0x1FDC0]  }
0x11e: {  	v43 =	vld [tilespmem:$0x1FDD0]  }
0x11f: {  	v45 =	vld [tilespmem:$0x1FDE0]  }
0x120: {  	[tilespmem:$0x1FF00] =	vst v61;
	v61 =	vld [tilespmem:$0xBF0]  }
0x121: {  	v47 =	vld [tilespmem:$0x1FDF0]  }
0x122: {  	v49 =	vld [tilespmem:$0x1FE00]  }
0x123: {  	v51 =	vld [tilespmem:$0x1FE10]  }
0x124: {  	v52 =	vld [tilespmem:$0x1FE20]  }
0x125: {  	[tilespmem:$0x1FF10] =	vst v61;
	v61 =	vld [tilespmem:$0x400]  }
0x126: {  	v55 =	vld [tilespmem:$0x1FE30]  }
0x127: {  	v56 =	vld [tilespmem:$0x1FE40]  }
0x128: {  	v58 =	vld [tilespmem:$0x1FE50]  }
0x129: {  	v62 =	vshll.u32 v59, $0x4;
	v59 =	vld [tilespmem:$0x1FE60]  }
0x12a: {  	v46 =	vshll.u32 v45, $0x4;
	[tilespmem:$0x1FF20] =	vst v61;
	v61 =	vld [tilespmem:$0xC00]  }
0x12b: {  	v36 =	vadd.s32 v39, v62;
	v39 =	vadd.s32 v47, v46;
	v46 =	vld [tilespmem:$0x1FE70]  }
0x12c: {  	v50 =	vshll.u32 v49, $0x4;
	v47 =	vld [tilespmem:$0x1FE80]  }
0x12d: {  	v42 =	vshll.u32 v41, $0x4;
	v41 =	vadd.s32 v51, v50;
	v50 =	vld [tilespmem:$0x1FE90]  }
0x12e: {  	v51 =	vld [tilespmem:$0x1FEA0]  }
0x12f: {  	v54 =	vshll.u32 v52, $0x4;
	[tilespmem:$0x1FF30] =	vst v61;
	v61 =	vld [tilespmem:$0x410]  }
0x130: {  	v37 =	vadd.s32 v43, v42;
	v42 =	vadd.s32 v55, v54;
	v54 =	vld [tilespmem:$0x1FEB0]  }
0x131: {  	v57 =	vshll.u32 v56, $0x4;
	v55 =	vld [tilespmem:$0x1FEC0]  }
0x132: {  	v43 =	vadd.s32 v58, v57;
	v57 =	vld [tilespmem:$0x1FED0]  }
0x133: {  	v58 =	vld [tilespmem:$0x1FEE0]  }
0x134: {  	v62 =	vshll.u32 v59, $0x4;
	[tilespmem:$0x1FF40] =	vst v61;
	v61 =	vld [tilespmem:$0xC10]  }
0x135: {  	v45 =	vadd.s32 v46, v62;
	v52 =	vshll.u32 v51, $0x4;
	v62 =	vld [tilespmem:$0x1FEF0]  }
0x136: {  	v49 =	vshll.u32 v47, $0x4;
	v47 =	vadd.s32 v54, v52;
	v56 =	vshll.u32 v55, $0x4;
	v52 =	vld [tilespmem:$0x1FF00]  }
0x137: {  	v46 =	vadd.s32 v50, v49;
	v49 =	vadd.s32 v57, v56;
	v56 =	vld [tilespmem:$0x1FF20]  }
0x138: {  	v59 =	vshll.u32 v58, $0x4;
	v58 =	vld [tilespmem:$0x1FF30]  }
0x139: {  	[tilespmem:$0x1FF50] =	vst v61;
	v61 =	vld [tilespmem:$0x420]  }
0x13a: {  	[tilespmem:$0x1340] =	vst v36;
	v36 =	vld [tilespmem:$0x5D0]  }
0x13b: {  	v55 =	vld [tilespmem:$0x1FF10]  }
0x13c: {  	v50 =	vadd.s32 v62, v59;
	v57 =	vshll.u32 v56, $0x4;
	v59 =	vld [tilespmem:$0x1FF40]  }
0x13d: {  	[tilespmem:$0x14A0] =	vst v38;
	v54 =	vshll.u32 v52, $0x4;
	v52 =	vadd.s32 v58, v57;
	v57 =	vld [tilespmem:$0x1FF50]  }
0x13e: {  	[tilespmem:$0x14B0] =	vst v29;
	v58 =	vshll.u32 v61, $0x4;
	v61 =	vld [tilespmem:$0x1FF70]  }
0x13f: {  	v0 =	vshll.u32 v0, $0x4;
	[tilespmem:$0x1350] =	vst v37;
	v37 =	vld [tilespmem:$0xDD0]  }
0x140: {  	v23 =	vshll.u32 v23, $0x4;
	v0 =	vadd.s32 v1, v0;
	v26 =	vshll.u32 v26, $0x4;
	[tilespmem:$0x1360] =	vst v39;
	v39 =	vld [tilespmem:$0x5E0]  }
0x141: {  	v25 =	vadd.s32 v25, v23;
	v27 =	vadd.s32 v27, v26;
	v29 =	vshll.u32 v28, $0x4;
	[tilespmem:$0x1370] =	vst v41;
	v41 =	vld [tilespmem:$0xDE0]  }
0x142: {  	[tilespmem:$0x14F0] =	vst v0;
	v30 =	vadd.s32 v30, v29;
	v31 =	vshll.u32 v31, $0x4;
	v62 =	vshll.u32 v59, $0x4;
	v59 =	vld [tilespmem:$0x1FF60]  }
0x143: {  	[tilespmem:$0x1580] =	vst v25;
	v51 =	vadd.s32 v55, v54;
	v54 =	vadd.s32 v57, v62;
	v62 =	vshll.u32 v61, $0x4;
	v61 =	vld [tilespmem:$0x1FF80]  }
0x144: {  	v23 =	vld [tilespmem:$0xF30];
	[tilespmem:$0x1590] =	vst v27;
	v33 =	vadd.s32 v33, v31;
	v34 =	vshll.u32 v34, $0x4;
	v36 =	vshll.u32 v36, $0x4  }
0x145: {  	[tilespmem:$0x15A0] =	vst v30;
	v38 =	vadd.s32 v37, v36;
	v36 =	vshll.u32 v48, $0x4;
	v48 =	vld [tilespmem:$0xF70];
	v39 =	vshll.u32 v39, $0x4  }
0x146: {  	[tilespmem:$0x15B0] =	vst v33;
	v35 =	vadd.s32 v35, v34;
	v41 =	vadd.s32 v41, v39;
	v39 =	vld [tilespmem:$0x760]  }
0x147: {  	[tilespmem:$0x15C0] =	vst v35;
	v37 =	vadd.s32 v40, v36;
	v36 =	vld [tilespmem:$0xFC0];
	v55 =	vadd.s32 v59, v58  }
0x148: {  	[tilespmem:$0x1420] =	vst v55;
	v55 =	vadd.s32 v61, v62;
	v62 =	vld [tilespmem:$0x1FF90]  }
0x149: {  	[tilespmem:$0x1380] =	vst v42;
	v42 =	vld [tilespmem:$0x5F0]  }
0x14a: {  	[tilespmem:$0x15D0] =	vst v38;
	v38 =	vshll.u32 v32, $0x4;
	v61 =	vld [tilespmem:$0x1FFA0]  }
0x14b: {  	[tilespmem:$0x1670] =	vst v37;
	v40 =	vadd.s32 v24, v38;
	v38 =	vshll.u32 v39, $0x4;
	v39 =	vld [tilespmem:$0x7D0]  }
0x14c: {  	[tilespmem:$0x1390] =	vst v43;
	v43 =	vld [tilespmem:$0xDF0]  }
0x14d: {  	[tilespmem:$0x1680] =	vst v40;
	v56 =	vshll.u32 v62, $0x4;
	v62 =	vld [tilespmem:$0x1FFB0]  }
0x14e: {  	[tilespmem:$0x13E0] =	vst v50;
	v50 =	vld [tilespmem:$0x620]  }
0x14f: {  	[tilespmem:$0x1430] =	vst v55;
	v55 =	vadd.s32 v61, v56;
	v61 =	vld [tilespmem:$0x1FFC0]  }
0x150: {  	[tilespmem:$0x13F0] =	vst v51;
	v51 =	vld [tilespmem:$0xE20]  }
0x151: {  	[tilespmem:$0x1400] =	vst v52;
	v52 =	vld [tilespmem:$0x630]  }
0x152: {  	[tilespmem:$0x15E0] =	vst v41;
	v56 =	vshll.u32 v62, $0x4;
	v62 =	vld [tilespmem:$0x1FFD0]  }
0x153: {  	[tilespmem:$0x13A0] =	vst v45;
	v57 =	vld [tilespmem:$0x640]  }
0x154: {  	[tilespmem:$0x1440] =	vst v55;
	v55 =	vadd.s32 v61, v56;
	v61 =	vld [tilespmem:$0x1FFE0]  }
0x155: {  	[tilespmem:$0x1410] =	vst v54;
	v54 =	vld [tilespmem:$0xE30]  }
0x156: {  	[tilespmem:$0x13B0] =	vst v46;
	v58 =	vld [tilespmem:$0xE40]  }
0x157: {  	[tilespmem:$0x13C0] =	vst v47;
	v56 =	vshll.u32 v62, $0x4;
	v62 =	vld [tilespmem:$0x1FFF0]  }
0x158: {  	[tilespmem:$0x13D0] =	vst v49;
	v25 =	vshll.u32 v50, $0x4;
	v59 =	vld [tilespmem:$0x650]  }
0x159: {  	v26 =	vadd.s32 v51, v25;
	v27 =	vshll.u32 v52, $0x4;
	[tilespmem:$0x1450] =	vst v55;
	v55 =	vadd.s32 v61, v56;
	v61 =	vld [tilespmem:$0xE50]  }
0x15a: {  	v45 =	vld [tilespmem:$0x600];
	[tilespmem:$0x1620] =	vst v26;
	v29 =	vshll.u32 v57, $0x4;
	v28 =	vadd.s32 v54, v27  }
0x15b: {  	v46 =	vld [tilespmem:$0xE00];
	v30 =	vadd.s32 v58, v29;
	[tilespmem:$0x1630] =	vst v28  }
0x15c: {  	v47 =	vld [tilespmem:$0x610];
	[tilespmem:$0x1640] =	vst v30;
	v56 =	vshll.u32 v62, $0x4  }
0x15d: {  	v49 =	vld [tilespmem:$0xE10];
	v31 =	vshll.u32 v59, $0x4;
	[tilespmem:$0x1460] =	vst v55;
	v55 =	vadd.s32 v60, v56  }
0x15e: {  	v25 =	vld [tilespmem:$0x740];
	v59 =	vshll.u32 v13, $0x4;
	v33 =	vadd.s32 v61, v31;
	[tilespmem:$0x1470] =	vst v55  }
0x15f: {  	v24 =	vshll.u32 v22, $0x4;
	v51 =	vld [tilespmem:$0x780];
	v61 =	vadd.s32 v14, v59;
	[tilespmem:$0x1650] =	vst v33  }
0x160: {  	v26 =	vld [tilespmem:$0xF40];
	v56 =	vshll.u32 v63, $0x4;
	v31 =	vadd.s32 v23, v24;
	[tilespmem:$0x16F0] =	vst v61  }
0x161: {  	v57 =	vld [tilespmem:$0x790];
	v63 =	vshll.u32 v7, $0x4;
	v53 =	vadd.s32 v53, v56;
	[tilespmem:$0x1730] =	vst v31  }
0x162: {  	v27 =	vld [tilespmem:$0x750];
	v9 =	vadd.s32 v9, v63;
	[tilespmem:$0x1480] =	vst v53  }
0x163: {  	v54 =	vld [tilespmem:$0xF80];
	v56 =	vshll.u32 v4, $0x4;
	v53 =	vadd.s32 v3, v44;
	[tilespmem:$0x1520] =	vst v9  }
0x164: {  	v42 =	vshll.u32 v42, $0x4;
	v28 =	vld [tilespmem:$0xF50];
	v62 =	vadd.s32 v6, v56;
	[tilespmem:$0x1500] =	vst v53  }
0x165: {  	v41 =	vshll.u32 v16, $0x4;
	v60 =	vld [tilespmem:$0x660];
	v44 =	vadd.s32 v43, v42;
	[tilespmem:$0x1510] =	vst v62  }
0x166: {  	v55 =	vld [tilespmem:$0xE60];
	v43 =	vadd.s32 v8, v41;
	v53 =	vshll.u32 v45, $0x4;
	[tilespmem:$0x15F0] =	vst v44  }
0x167: {  	v30 =	vld [tilespmem:$0xFB0];
	v62 =	vshll.u32 v47, $0x4;
	[tilespmem:$0x1690] =	vst v43;
	v56 =	vadd.s32 v46, v53  }
0x168: {  	v7 =	vld [tilespmem:$0xEC0];
	v63 =	vadd.s32 v49, v62;
	v62 =	vshll.u32 v15, $0x4;
	[tilespmem:$0x1600] =	vst v56  }
0x169: {  	v4 =	vld [tilespmem:$0x6B0];
	v15 =	vshll.u32 v18, $0x4;
	[tilespmem:$0x1610] =	vst v63;
	v14 =	vadd.s32 v17, v62  }
0x16a: {  	v3 =	vld [tilespmem:$0xEA0];
	v34 =	vshll.u32 v60, $0x4;
	v18 =	vadd.s32 v19, v15;
	[tilespmem:$0x1700] =	vst v14  }
0x16b: {  	v33 =	vld [tilespmem:$0x7C0];
	v56 =	vshll.u32 v11, $0x4;
	v35 =	vadd.s32 v55, v34;
	[tilespmem:$0x1710] =	vst v18  }
0x16c: {  	v42 =	vld [tilespmem:$0xF60];
	v19 =	vshll.u32 v20, $0x4;
	v58 =	vadd.s32 v12, v56;
	[tilespmem:$0x1660] =	vst v35  }
0x16d: {  	v32 =	vshll.u32 v25, $0x4;
	v6 =	vld [tilespmem:$0x6C0];
	v21 =	vadd.s32 v21, v19;
	[tilespmem:$0x16E0] =	vst v58  }
0x16e: {  	v9 =	vld [tilespmem:$0x6D0];
	v44 =	vshll.u32 v2, $0x4;
	v34 =	vadd.s32 v26, v32;
	[tilespmem:$0x1720] =	vst v21  }
0x16f: {  	v45 =	vld [tilespmem:$0x770];
	v47 =	vshll.u32 v4, $0x4;
	v46 =	vadd.s32 v3, v44;
	[tilespmem:$0x1740] =	vst v34  }
0x170: {  	v60 =	vld [tilespmem:$0xF90];
	v49 =	vadd.s32 v5, v47;
	[tilespmem:$0x16A0] =	vst v46  }
0x171: {  	v63 =	vld [tilespmem:$0x7A0];
	v56 =	vshll.u32 v33, $0x4;
	v40 =	vadd.s32 v42, v38;
	[tilespmem:$0x16B0] =	vst v49  }
0x172: {  	v17 =	vld [tilespmem:$0xFA0];
	v50 =	vshll.u32 v6, $0x4;
	v47 =	vshll.u32 v57, $0x4;
	v57 =	vadd.s32 v36, v56;
	[tilespmem:$0x1760] =	vst v40  }
0x173: {  	v20 =	vld [tilespmem:$0x7B0];
	v53 =	vshll.u32 v9, $0x4;
	v52 =	vadd.s32 v7, v50;
	[tilespmem:$0x17C0] =	vst v57  }
0x174: {  	v35 =	vshll.u32 v27, $0x4;
	v42 =	vld [tilespmem:$0xFD0];
	v55 =	vadd.s32 v10, v53;
	[tilespmem:$0x16C0] =	vst v52  }
0x175: {  	v44 =	vshll.u32 v51, $0x4;
	v51 =	vld [tilespmem:$0x7F0];
	v37 =	vadd.s32 v28, v35;
	[tilespmem:$0x16D0] =	vst v55  }
0x176: {  	v41 =	vshll.u32 v45, $0x4;
	v45 =	vld [tilespmem:$0x7E0];
	v46 =	vadd.s32 v54, v44;
	[tilespmem:$0x1750] =	vst v37  }
0x177: {  	v54 =	vld [tilespmem:$0xFF0];
	v43 =	vadd.s32 v48, v41;
	[tilespmem:$0x1780] =	vst v46  }
0x178: {  	v48 =	vld [tilespmem:$0xFE0];
	[tilespmem:$0x1770] =	vst v43;
	v49 =	vadd.s32 v60, v47;
	v50 =	vshll.u32 v63, $0x4  }
0x179: {  	v53 =	vshll.u32 v20, $0x4;
	[tilespmem:$0x1790] =	vst v49;
	v52 =	vadd.s32 v17, v50  }
0x17a: {  	v58 =	vshll.u32 v39, $0x4;
	v55 =	vadd.s32 v30, v53;
	[tilespmem:$0x17A0] =	vst v52  }
0x17b: {  	[tilespmem:$0x17B0] =	vst v55;
	v59 =	vadd.s32 v42, v58;
	v62 =	vshll.u32 v51, $0x4  }
0x17c: {  	v60 =	vshll.u32 v45, $0x4;
	[tilespmem:$0x17D0] =	vst v59;
	v63 =	vadd.s32 v54, v62  }
0x17d: {  	v61 =	vadd.s32 v48, v60;
	[tilespmem:$0x17F0] =	vst v63  }
0x17e: {  	s5 =	simm.s32 @!p0 $0x1880;
	[tilespmem:$0x17E0] =	vst v61  }
0x17f: {  	[spmem:s1] =	stream.linear.scatter @!p0 [tilespmem:s5], [sflag:$0x1], $0x100, $0x38;
	[tilespmem:$0x1990] =	vst v63  }
0x180: {  	s5 =	simm.s32 @!p0 $0x1  }
0x181: {  	_ =	swait.ge @!p0 [sflag:s5], $0x100  }
0x182: {  	[sflag:s5] =	ssyncset.done @!p0 $0x0  }
0x183: {  	[sflag:s5] =	ssyncadd.s32 @!p0 $0xFFFFFF00  }
0x184: {  	s14 =	simm.s32 $0x1000;
	s15 =	simm.s32 $0x1800;
	[bflag:$0x0] =	sbarrier.arrive $0xFFFF  }
0x185: {  	[spmem:s1] =	stream.indirect.scatter [tilespmem:s15], [sflag:$0x1], $0x1, s14, s12, $0xb8;
	[tilespmem:$0x1990] =	vst v63  }
0x186: {  	_ =	swait.ge [sflag:s13], $0x80  }
0x187: {  	[sflag:s13] =	ssyncset.done $0x0  }
0x188: {  	s16 =	simm.s32 $0x1080;
	[sflag:s13] =	ssyncadd.s32 $0xFFFFFF80  }
0x189: {  	[spmem:s1] =	stream.indirect.scatter [tilespmem:s15], [sflag:$0x1], $0x1, s16, s12, $0xb8;
	[tilespmem:$0x1990] =	vst v63  }
0x18a: {  	_ =	swait.ge [sflag:s13], $0x80  }
0x18b: {  	[sflag:s13] =	ssyncset.done $0x0  }
0x18c: {  	s17 =	simm.s32 $0x1100;
	[sflag:s13] =	ssyncadd.s32 $0xFFFFFF80  }
0x18d: {  	[spmem:s1] =	stream.indirect.scatter [tilespmem:s15], [sflag:$0x1], $0x1, s17, s12, $0xb8;
	[tilespmem:$0x1990] =	vst v63  }
0x18e: {  	_ =	swait.ge [sflag:s13], $0x80  }
0x18f: {  	[sflag:s13] =	ssyncset.done $0x0  }
0x190: {  	s18 =	simm.s32 $0x1180;
	[sflag:s13] =	ssyncadd.s32 $0xFFFFFF80  }
0x191: {  	[spmem:s1] =	stream.indirect.scatter [tilespmem:s15], [sflag:$0x1], $0x1, s18, s12, $0xb8;
	[tilespmem:$0x1990] =	vst v63  }
0x192: {  	_ =	swait.ge [sflag:s13], $0x80  }
0x193: {  	[sflag:s13] =	ssyncset.done $0x0  }
0x194: {  	s19 =	simm.s32 $0x1200;
	[sflag:s13] =	ssyncadd.s32 $0xFFFFFF80  }
0x195: {  	[spmem:s1] =	stream.indirect.scatter [tilespmem:s15], [sflag:$0x1], $0x1, s19, s12, $0xb8;
	[tilespmem:$0x1990] =	vst v63  }
0x196: {  	_ =	swait.ge [sflag:s13], $0x80  }
0x197: {  	[sflag:s13] =	ssyncset.done $0x0  }
0x198: {  	s20 =	simm.s32 $0x1280;
	[sflag:s13] =	ssyncadd.s32 $0xFFFFFF80  }
0x199: {  	[spmem:s1] =	stream.indirect.scatter [tilespmem:s15], [sflag:$0x1], $0x1, s20, s12, $0xb8;
	[tilespmem:$0x1990] =	vst v63  }
0x19a: {  	_ =	swait.ge [sflag:s13], $0x80  }
0x19b: {  	[sflag:s13] =	ssyncset.done $0x0  }
0x19c: {  	s21 =	simm.s32 $0x1300;
	[sflag:s13] =	ssyncadd.s32 $0xFFFFFF80  }
0x19d: {  	[spmem:s1] =	stream.indirect.scatter [tilespmem:s15], [sflag:$0x1], $0x1, s21, s12, $0xb8;
	[tilespmem:$0x1990] =	vst v63  }
0x19e: {  	_ =	swait.ge [sflag:s13], $0x80  }
0x19f: {  	[sflag:s13] =	ssyncset.done $0x0  }
0x1a0: {  	s22 =	simm.s32 $0x1380;
	[sflag:s13] =	ssyncadd.s32 $0xFFFFFF80  }
0x1a1: {  	[spmem:s1] =	stream.indirect.scatter [tilespmem:s15], [sflag:$0x1], $0x1, s22, s12, $0xb8;
	[tilespmem:$0x1990] =	vst v63  }
0x1a2: {  	_ =	swait.ge [sflag:s13], $0x80  }
0x1a3: {  	[sflag:s13] =	ssyncset.done $0x0  }
0x1a4: {  	s23 =	simm.s32 $0x1400;
	[sflag:s13] =	ssyncadd.s32 $0xFFFFFF80  }
0x1a5: {  	[spmem:s1] =	stream.indirect.scatter [tilespmem:s15], [sflag:$0x1], $0x1, s23, s12, $0xb8;
	[tilespmem:$0x1990] =	vst v63  }
0x1a6: {  	_ =	swait.ge [sflag:s13], $0x80  }
0x1a7: {  	[sflag:s13] =	ssyncset.done $0x0  }
0x1a8: {  	s24 =	simm.s32 $0x1480;
	[sflag:s13] =	ssyncadd.s32 $0xFFFFFF80  }
0x1a9: {  	[spmem:s1] =	stream.indirect.scatter [tilespmem:s15], [sflag:$0x1], $0x1, s24, s12, $0xb8;
	[tilespmem:$0x1990] =	vst v63  }
0x1aa: {  	_ =	swait.ge [sflag:s13], $0x80  }
0x1ab: {  	[sflag:s13] =	ssyncset.done $0x0  }
0x1ac: {  	s25 =	simm.s32 $0x1500;
	[sflag:s13] =	ssyncadd.s32 $0xFFFFFF80  }
0x1ad: {  	[spmem:s1] =	stream.indirect.scatter [tilespmem:s15], [sflag:$0x1], $0x1, s25, s12, $0xb8;
	[tilespmem:$0x1990] =	vst v63  }
0x1ae: {  	_ =	swait.ge [sflag:s13], $0x80  }
0x1af: {  	[sflag:s13] =	ssyncset.done $0x0  }
0x1b0: {  	s26 =	simm.s32 $0x1580;
	[sflag:s13] =	ssyncadd.s32 $0xFFFFFF80  }
0x1b1: {  	[spmem:s1] =	stream.indirect.scatter [tilespmem:s15], [sflag:$0x1], $0x1, s26, s12, $0xb8;
	[tilespmem:$0x1990] =	vst v63  }
0x1b2: {  	_ =	swait.ge [sflag:s13], $0x80  }
0x1b3: {  	[sflag:s13] =	ssyncset.done $0x0  }
0x1b4: {  	s28 =	simm.s32 $0x1600;
	[sflag:s13] =	ssyncadd.s32 $0xFFFFFF80  }
0x1b5: {  	[spmem:s1] =	stream.indirect.scatter [tilespmem:s15], [sflag:$0x1], $0x1, s28, s12, $0xb8;
	[tilespmem:$0x1990] =	vst v63  }
0x1b6: {  	_ =	swait.ge [sflag:s13], $0x80  }
0x1b7: {  	[sflag:s13] =	ssyncset.done $0x0  }
0x1b8: {  	s29 =	simm.s32 $0x1680;
	[sflag:s13] =	ssyncadd.s32 $0xFFFFFF80  }
0x1b9: {  	[spmem:s1] =	stream.indirect.scatter [tilespmem:s15], [sflag:$0x1], $0x1, s29, s12, $0xb8;
	[tilespmem:$0x1990] =	vst v63  }
0x1ba: {  	_ =	swait.ge [sflag:s13], $0x80  }
0x1bb: {  	[sflag:s13] =	ssyncset.done $0x0  }
0x1bc: {  	s30 =	simm.s32 $0x1700;
	[sflag:s13] =	ssyncadd.s32 $0xFFFFFF80  }
0x1bd: {  	[spmem:s1] =	stream.indirect.scatter [tilespmem:s15], [sflag:$0x1], $0x1, s30, s12, $0xb8;
	[tilespmem:$0x1990] =	vst v63  }
0x1be: {  	_ =	swait.ge [sflag:s13], $0x80  }
0x1bf: {  	[sflag:s13] =	ssyncset.done $0x0  }
0x1c0: {  	s31 =	simm.s32 $0x1780;
	[sflag:s13] =	ssyncadd.s32 $0xFFFFFF80  }
0x1c1: {  	[spmem:s1] =	stream.indirect.scatter [tilespmem:s15], [sflag:$0x1], $0x1, s31, s12, $0xb8;
	[tilespmem:$0x1990] =	vst v63  }
0x1c2: {  	_ =	swait.ge [sflag:s13], $0x80  }
0x1c3: {  	[sflag:s13] =	ssyncset.done $0x0  }
0x1c4: {  	[sflag:s13] =	ssyncadd.s32 $0xFFFFFF80  }
0x1c5: {  	[bflag:$0x0] =	sbarrier.arrive $0xFFFF  }
0x1c6: {  	_ =	sfence.sel @p0 $0x180000  }
0x1c7: {  	[bflag:$0x0] =	sbarrier.arrive @p0 $0xFFFF  }
0x1c8: {  	s2 =	sadd.s32 $0x800, s2;
	_ =	strace @p0 $0x90000047  }
0x1c9: {  	s3 =	simm.s32 @!p0 $0x1C01;
	s1 =	sshrl.u32 @!p0 s1, $0x3;
	[bflag:$0x2] =	sbarrier.arrive @p0 $0xFFFF  }
0x1ca: {  	[hbm:s2], [sflag:s3] =	dma.local @!p0 [spmem:s1], $0x20  }
0x1cb: {  	_ =	swait.ge @!p0 [sflag:s5], $0x20  }
0x1cc: {  	[sflag:s5] =	ssyncset.done @!p0 $0x0  }
0x1cd: {  	[sflag:s5] =	ssyncadd.s32 @!p0 $0xFFFFFFE0  }
0x1ce: {  	_ =	sfence.sel @!p0 $0x180000  }
0x1cf: {  	[bflag:$0x0] =	sbarrier.arrive @!p0 $0xFFFF  }
0x1d0: {  	_ =	strace @!p0 $0x90000047  }
0x1d1: {  	s0 =	sadd.s32 @!p0 $0x100000, s0;
	[bflag:$0x2] =	sbarrier.arrive @!p0 $0xFFFF  }
0x1d2: {  	[sflag:s0] =	ssyncadd.tile.s32 @!p0 $0x1;
	_ =	shalt  }
.Lfunc_end2:
_tile_overlayer_lowered:
.L_overlay_start_2:
0x1d3: {  	(tag) =	ssettag $0x2  }
0x1d4: {  	s0 =	rddreg [dreg:$0x0];
	s2 =	stileid.u32  }
0x1d5: {  	s1 =	rddreg [dreg:$0x1];
	p0 =	sne.s32 s2, $0x0  }
0x1d6: {  	s3 =	rddreg [dreg:$0x2];
	[bflag:$0x3] =	sbarrier.arrive $0xFFFF;
	s2 =	simm.s32 @!p0 $0x1C01  }
0x1d7: {  	[timem:s3], [sflag:s2] =	dma.local @!p0 [hbm:s0], s1  }
0x1d8: {  	s0 =	simm.s32 @!p0 $0x1  }
0x1d9: {  	_ =	swait.ge @!p0 [sflag:s0], s1  }
0x1da: {  	s1 =	ssub.s32 @!p0 $0x0, s1;
	[sflag:s0] =	ssyncset.done @!p0 $0x0  }
0x1db: {  	[sflag:s0] =	ssyncadd.s32 @!p0 s1  }
0x1dc: {  	[bflag:$0x3] =	sbarrier.arrive $0xFFFF  }
0x1dd: {  	_ =	shalt  }

</sc_bundles>
